<compile_context>
chip_gen: v7x
topology: tpu7x:2x2x1
jax: 0.10.2.dev20260603
libtpu: 0.0.44.dev20260713+nightly
codegen_flags: <defaults>
</compile_context>

<pallas_src>
import jax
import jax.numpy as jnp
from jax import lax
from jax.experimental import pallas as pl
from jax.experimental.pallas import tpu as pltpu
from jax.experimental.pallas import tpu_sc as plsc

H = 384
W = 384
HW = H * W
B = 2
C = 96
NG = 12
NS = 16
PT = HW // NS
PBA = 2048
PBB = 49152

_CORNERS = ((0, 0), (1, 0), (0, 1), (1, 1))


def _corners_body(flow_ref, met_ref, wgt_ref, idx_ref):
    j = pl.program_id(1)
    f0 = flow_ref[0, 0:1, :]
    f1 = flow_ref[0, 1:2, :]
    e = jnp.exp(met_ref[0, :, :])
    pix = j * PBA + lax.broadcasted_iota(jnp.int32, (1, PBA), 1)
    y = pix // W
    x = pix - y * W
    ox = jnp.clip(x.astype(jnp.float32) + f0, -3.0, W + 2.0)
    oy = jnp.clip(y.astype(jnp.float32) + f1, -3.0, H + 2.0)
    nwx = jnp.floor(ox)
    nwy = jnp.floor(oy)
    for ci, (dx, dy) in enumerate(_CORNERS):
        cx = nwx + float(dx)
        cy = nwy + float(dy)
        wx = ((nwx + 1.0) - ox) if dx == 0 else (ox - nwx)
        wy = ((nwy + 1.0) - oy) if dy == 0 else (oy - nwy)
        valid = ((cx >= 0.0) & (cx <= W - 1.0) & (cy >= 0.0) & (cy <= H - 1.0))
        w = jnp.where(valid, wx * wy, 0.0) * e
        cxi = jnp.clip(cx.astype(jnp.int32), 0, W - 1)
        cyi = jnp.clip(cy.astype(jnp.int32), 0, H - 1)
        wgt_ref[0, ci:ci + 1, :] = w
        idx_ref[0, ci:ci + 1, :] = cyi * W + cxi


def _corners(flow, met):
    return pl.pallas_call(
        _corners_body,
        out_shape=(jax.ShapeDtypeStruct((B, 4, HW), jnp.float32),
                   jax.ShapeDtypeStruct((B, 4, HW), jnp.int32)),
        grid=(B, HW // PBA),
        in_specs=[
            pl.BlockSpec((1, 2, PBA), lambda b, j: (b, 0, j)),
            pl.BlockSpec((1, 1, PBA), lambda b, j: (b, 0, j)),
        ],
        out_specs=(pl.BlockSpec((1, 4, PBA), lambda b, j: (b, 0, j)),
                   pl.BlockSpec((1, 4, PBA), lambda b, j: (b, 0, j))),
    )(flow, met)


def _values_body(inp_ref, wgt_ref, v_ref):
    v_ref[0, 0, 0] = inp_ref[0, 0] * wgt_ref[0, 0]


def _values(inp12, wgt):
    return pl.pallas_call(
        _values_body,
        out_shape=jax.ShapeDtypeStruct((B, NG, 4, 8, HW), jnp.float32),
        grid=(B, NG, 4, HW // PBB),
        in_specs=[
            pl.BlockSpec((1, 1, 8, PBB), lambda b, g, c, j: (b, g, 0, j)),
            pl.BlockSpec((1, 1, 1, PBB), lambda b, g, c, j: (b, c, 0, j)),
        ],
        out_specs=pl.BlockSpec((1, 1, 1, 8, PBB),
                               lambda b, g, c, j: (b, g, c, 0, j)),
    )(inp12, wgt.reshape(B, 4, 1, HW))


def _sc_body(v, wgt, idx, zeros, out,
             a0, a1, a2, a3, a4, a5, a6, a7, idxb, vb0, vb1,
             sl0, sl1, sa0, sa1):
    accs = (a0, a1, a2, a3, a4, a5, a6, a7)
    vbs = (vb0, vb1)
    sls = (sl0, sl1)
    sas = (sa0, sa1)
    b = lax.axis_index("c")
    s = lax.axis_index("s")
    base = s * PT

    for c in range(4):
        pltpu.sync_copy(idx.at[b, c, pl.ds(base, PT)],
                        idxb.at[pl.ds(c * PT, PT)])
    for ch in range(8):
        pltpu.sync_copy(zeros, accs[ch].at[pl.ds(base, PT)])
    plsc.subcore_barrier()

    def src_of(g, i):
        c = i // 8
        ch = i - c * 8
        return v.at[b, g, c, ch, pl.ds(base, PT)]

    def add_of(i, slot):
        c = i // 8
        ch = i - c * 8
        return pltpu.make_async_copy(
            vbs[slot], accs[ch].at[idxb.at[pl.ds(c * PT, PT)]], sas[slot])

    def per_group(g, carry):
        for i in range(32):
            slot = i & 1
            pltpu.make_async_copy(src_of(g, i), vbs[slot], sls[slot]).wait()
            add_of(i, slot).start(add=True)
            if i + 1 < 32:
                other = 1 - slot
                if i >= 1:
                    add_of(i - 1, other).wait()
                pltpu.make_async_copy(
                    src_of(g, i + 1), vbs[other], sls[other]).start()
        add_of(30, 0).wait()
        add_of(31, 1).wait()
        gg = jnp.minimum(g + 1, NG - 1)
        pltpu.make_async_copy(
            v.at[b, gg, 0, 0, pl.ds(base, PT)], vbs[0], sls[0]).start()
        plsc.subcore_barrier()
        drains = [pltpu.make_async_copy(accs[ch].at[pl.ds(base, PT)],
                                        out.at[b, g, ch, pl.ds(base, PT)],
                                        sa0)
                  for ch in range(8)]
        zs = [pltpu.make_async_copy(zeros, accs[ch].at[pl.ds(base, PT)], sa1)
              for ch in range(8)]
        for d in drains:
            d.start()
        for ch in range(8):
            drains[ch].wait()
            zs[ch].start()
        for z in zs:
            z.wait()
        plsc.subcore_barrier()
        return carry

    pltpu.make_async_copy(src_of(0, 0), vbs[0], sls[0]).start()
    lax.fori_loop(0, NG, per_group, 0)
    pltpu.make_async_copy(
        v.at[b, NG - 1, 0, 0, pl.ds(base, PT)], vbs[0], sls[0]).wait()

    for c in range(4):
        pltpu.sync_copy(wgt.at[b, c, pl.ds(base, PT)], vb0)
        pltpu.sync_copy(vb0, a0.at[idxb.at[pl.ds(c * PT, PT)]], add=True)
    plsc.subcore_barrier()
    pltpu.sync_copy(a0.at[pl.ds(base, PT)],
                    out.at[b, NG, 0, pl.ds(base, PT)])
    plsc.subcore_barrier()


@jax.jit
def _sc_splat(v, wgt, idx, zeros):
    mesh = plsc.VectorSubcoreMesh(
        core_axis_name="c", subcore_axis_name="s", num_cores=2, num_subcores=NS)
    f = pl.kernel(
        _sc_body,
        out_type=jax.ShapeDtypeStruct((B, NG + 1, 8, HW), jnp.float32),
        mesh=mesh,
        scratch_types=(
            [pltpu.VMEM_SHARED((HW,), jnp.float32) for _ in range(8)]
            + [pltpu.VMEM((4 * PT,), jnp.int32),
               pltpu.VMEM((PT,), jnp.float32),
               pltpu.VMEM((PT,), jnp.float32)]
            + [pltpu.SemaphoreType.DMA] * 4
        ),
    )
    return f(v, wgt, idx, zeros)


def _normalize_body(num_ref, den_ref, out_ref):
    out_ref[0, 0] = num_ref[0, 0] / (den_ref[0, 0, 0:1, :] + 0.0000001)


def _normalize(splat):
    return pl.pallas_call(
        _normalize_body,
        out_shape=jax.ShapeDtypeStruct((B, NG, 8, HW), jnp.float32),
        grid=(B, NG, HW // PBB),
        in_specs=[
            pl.BlockSpec((1, 1, 8, PBB), lambda b, g, j: (b, g, 0, j)),
            pl.BlockSpec((1, 1, 8, PBB), lambda b, g, j: (b, NG, 0, j)),
        ],
        out_specs=pl.BlockSpec((1, 1, 8, PBB), lambda b, g, j: (b, g, 0, j)),
    )(splat, splat)


def kernel(tenInput, tenFlow, tenMetric):
    inp12 = tenInput.reshape(B, NG, 8, HW)
    flow = tenFlow.reshape(B, 2, HW)
    met = tenMetric.reshape(B, 1, HW)
    zeros = jnp.zeros((PT,), jnp.float32)
    wgt, idx = _corners(flow, met)
    v = _values(inp12, wgt)
    splat = _sc_splat(v, wgt, idx, zeros)
    return _normalize(splat).reshape(B, C, H, W)

# --- scband reference (transcript-rebuilt; emitter-appended) ---
"""Pipeline reference for scband-module-softsplat-47141561041514 (READ-ONLY COPY).

The authoritative reference and input builder live on the scoring server;
editing this copy changes nothing except your own understanding.
"""

import jax, jax.numpy as jnp
import numpy as np


def _splat_one(inp, flow):
    # inp: [C, H, W], flow: [2, H, W]
    C, H, W = inp.shape
    gx = jnp.arange(W, dtype=jnp.float32)[None, :]
    gy = jnp.arange(H, dtype=jnp.float32)[:, None]
    ox = gx + flow[0]
    oy = gy + flow[1]
    nwx = jnp.floor(ox)
    nwy = jnp.floor(oy)
    flat_inp = inp.reshape(C, H * W)
    out = jnp.zeros((C, H * W), dtype=inp.dtype)
    for dx, dy in ((0, 0), (1, 0), (0, 1), (1, 1)):
        cx = nwx + float(dx)
        cy = nwy + float(dy)
        wx = ((nwx + 1.0) - ox) if dx == 0 else (ox - nwx)
        wy = ((nwy + 1.0) - oy) if dy == 0 else (oy - nwy)
        w = wx * wy
        valid = (cx >= 0.0) & (cx <= float(W - 1)) & (cy >= 0.0) & (cy <= float(H - 1))
        cxi = jnp.clip(cx.astype(jnp.int32), 0, W - 1)
        cyi = jnp.clip(cy.astype(jnp.int32), 0, H - 1)
        idx = (cyi * W + cxi).reshape(-1)
        wv = jnp.where(valid, w, 0.0).reshape(-1)
        vals = flat_inp * wv[None, :]
        out = out.at[:, idx].add(vals)
    return out.reshape(C, H, W)


def setup_inputs(seed: int = 0) -> dict:
    key = jax.random.key(seed)
    k1, k2, k3 = jax.random.split(key, 3)
    B, C, H, W = 2, 96, 384, 384
    tenInput = jax.random.normal(k1, (B, C, H, W), dtype=jnp.float32)
    tenFlow = jax.random.normal(k2, (B, 2, H, W), dtype=jnp.float32)
    tenMetric = jax.random.normal(k3, (B, 1, H, W), dtype=jnp.float32)
    return {"tenInput": tenInput, "tenFlow": tenFlow, "tenMetric": tenMetric}


def reference(tenInput, tenFlow, tenMetric):
    # strType == 'softmax': concat(input * exp(metric), exp(metric)), splat, normalize
    e = jnp.exp(tenMetric)
    cat = jnp.concatenate([tenInput * e, e], axis=1)
    splatted = jax.vmap(_splat_one)(cat, tenFlow)
    out = splatted[:, :-1, :, :] / (splatted[:, -1:, :, :] + 0.0000001)
    return out

if __name__ == "__main__":
    import jax
    _d = setup_inputs()
    print(jax.jit(kernel)(*tuple(_d.values())))

</pallas_src>

<mosaic_0001>
#map = affine_map<(d0, d1) -> (0, 0, 0, 0, 0)>
#map1 = affine_map<(d0, d1) -> (0, 0, 0)>
#map2 = affine_map<(d0, d1) -> (0)>
#map3 = affine_map<(d0, d1) -> (0, 0, 0, 0)>
module attributes {stable_mosaic.version = 14 : i64} {
  func.func @_sc_body(%arg0: i32, %arg1: i32, %arg2: memref<2x12x4x8x147456xf32, #tpu.memory_space<hbm>>, %arg3: memref<2x4x147456xf32, #tpu.memory_space<hbm>>, %arg4: memref<2x4x147456xi32, #tpu.memory_space<hbm>>, %arg5: memref<9216xf32, #tpu.memory_space<hbm>>, %arg6: memref<2x13x8x147456xf32, #tpu.memory_space<hbm>>, %arg7: memref<147456xf32, #tpu.memory_space<vmem_shared>>, %arg8: memref<147456xf32, #tpu.memory_space<vmem_shared>>, %arg9: memref<147456xf32, #tpu.memory_space<vmem_shared>>, %arg10: memref<147456xf32, #tpu.memory_space<vmem_shared>>, %arg11: memref<147456xf32, #tpu.memory_space<vmem_shared>>, %arg12: memref<147456xf32, #tpu.memory_space<vmem_shared>>, %arg13: memref<147456xf32, #tpu.memory_space<vmem_shared>>, %arg14: memref<147456xf32, #tpu.memory_space<vmem_shared>>, %arg15: memref<36864xi32, #tpu.memory_space<vmem>>, %arg16: memref<9216xf32, #tpu.memory_space<vmem>>, %arg17: memref<9216xf32, #tpu.memory_space<vmem>>, %arg18: memref<!tpu.dma_semaphore, #tpu.memory_space<semaphore_mem>>, %arg19: memref<!tpu.dma_semaphore, #tpu.memory_space<semaphore_mem>>, %arg20: memref<!tpu.dma_semaphore, #tpu.memory_space<semaphore_mem>>, %arg21: memref<!tpu.dma_semaphore, #tpu.memory_space<semaphore_mem>>) attributes {dimension_semantics = [#tpu.dimension_semantics<core_parallel>, #tpu.dimension_semantics<subcore_parallel>], iteration_bounds = array<i64: 2, 16>, scalar_prefetch = 0 : i64, scratch_operands = 15 : i64, tpu.core_type = #tpu.core_type<sc_vector_subcore>, window_params = [{transform_indices = #map}, {transform_indices = #map1}, {transform_indices = #map1}, {transform_indices = #map2}, {transform_indices = #map3}]} {
    %mul3A = arith.constant 9216 : i32
    %mul3A_0 = arith.muli %arg1, %mul3A : i32
    %run_scoped3A = arith.constant 0 : i32
    "tpu.region"() ({
      %run_scoped3A_29 = tpu.sem_alloc : memref<!tpu.dma_semaphore, #tpu.memory_space<semaphore_mem>>
      %dma_start3A_30 = arith.constant 0 : i32
      %dma_start3A_31 = tpu.memref_slice %arg15[%dma_start3A_30] : memref<36864xi32, #tpu.memory_space<vmem>> -> memref<9216xi32, #tpu.memory_space<vmem>>
      %dma_start3A_32 = tpu.memref_slice %arg4[%arg0, %run_scoped3A, %mul3A_0] : memref<2x4x147456xi32, #tpu.memory_space<hbm>> -> memref<1x1x9216xi32, #tpu.memory_space<hbm>>
      %dma_start3A_33 = tpu.memref_squeeze %dma_start3A_32 : memref<1x1x9216xi32, #tpu.memory_space<hbm>> -> memref<9216xi32, #tpu.memory_space<hbm>>
      %dma_start3A_34 = arith.constant 0 : i32
      %dma_start3A_35 = tpu.memref_slice %arg15[%dma_start3A_34] : memref<36864xi32, #tpu.memory_space<vmem>> -> memref<9216xi32, #tpu.memory_space<vmem>>
      %dma_start3A_36 = tpu.memref_slice %arg4[%arg0, %run_scoped3A, %mul3A_0] : memref<2x4x147456xi32, #tpu.memory_space<hbm>> -> memref<1x1x9216xi32, #tpu.memory_space<hbm>>
      %dma_start3A_37 = tpu.memref_squeeze %dma_start3A_36 : memref<1x1x9216xi32, #tpu.memory_space<hbm>> -> memref<9216xi32, #tpu.memory_space<hbm>>
      tpu.enqueue_dma source(%dma_start3A_37 : memref<9216xi32, #tpu.memory_space<hbm>>) target(%dma_start3A_35 : memref<9216xi32, #tpu.memory_space<vmem>>) target_semaphore(%run_scoped3A_29 : memref<!tpu.dma_semaphore, #tpu.memory_space<semaphore_mem>>)
      %dma_wait3A_38 = arith.constant 0 : i32
      %dma_wait3A_39 = tpu.memref_slice %arg15[%dma_wait3A_38] : memref<36864xi32, #tpu.memory_space<vmem>> -> memref<9216xi32, #tpu.memory_space<vmem>>
      %dma_wait3A_40 = tpu.memref_slice %arg4[%arg0, %run_scoped3A, %mul3A_0] : memref<2x4x147456xi32, #tpu.memory_space<hbm>> -> memref<1x1x9216xi32, #tpu.memory_space<hbm>>
      %dma_wait3A_41 = tpu.memref_squeeze %dma_wait3A_40 : memref<1x1x9216xi32, #tpu.memory_space<hbm>> -> memref<9216xi32, #tpu.memory_space<hbm>>
      %dma_wait3A_42 = arith.constant 0 : i32
      %dma_wait3A_43 = tpu.memref_slice %arg15[%dma_wait3A_42] : memref<36864xi32, #tpu.memory_space<vmem>> -> memref<9216xi32, #tpu.memory_space<vmem>>
      %dma_wait3A_44 = tpu.memref_slice %arg4[%arg0, %run_scoped3A, %mul3A_0] : memref<2x4x147456xi32, #tpu.memory_space<hbm>> -> memref<1x1x9216xi32, #tpu.memory_space<hbm>>
      %dma_wait3A_45 = tpu.memref_squeeze %dma_wait3A_44 : memref<1x1x9216xi32, #tpu.memory_space<hbm>> -> memref<9216xi32, #tpu.memory_space<hbm>>
      tpu.wait_dma2 semaphore(%run_scoped3A_29 : memref<!tpu.dma_semaphore, #tpu.memory_space<semaphore_mem>>) src(%dma_wait3A_45 : memref<9216xi32, #tpu.memory_space<hbm>>) dst(%dma_wait3A_43 : memref<9216xi32, #tpu.memory_space<vmem>>)
      tpu.yield
    }) : () -> ()
    %run_scoped3A_1 = arith.constant 1 : i32
    "tpu.region"() ({
      %run_scoped3A_29 = tpu.sem_alloc : memref<!tpu.dma_semaphore, #tpu.memory_space<semaphore_mem>>
      %dma_start3A_30 = arith.constant 9216 : i32
      %dma_start3A_31 = tpu.memref_slice %arg15[%dma_start3A_30] : memref<36864xi32, #tpu.memory_space<vmem>> -> memref<9216xi32, #tpu.memory_space<vmem>>
      %dma_start3A_32 = tpu.memref_slice %arg4[%arg0, %run_scoped3A_1, %mul3A_0] : memref<2x4x147456xi32, #tpu.memory_space<hbm>> -> memref<1x1x9216xi32, #tpu.memory_space<hbm>>
      %dma_start3A_33 = tpu.memref_squeeze %dma_start3A_32 : memref<1x1x9216xi32, #tpu.memory_space<hbm>> -> memref<9216xi32, #tpu.memory_space<hbm>>
      %dma_start3A_34 = arith.constant 9216 : i32
      %dma_start3A_35 = tpu.memref_slice %arg15[%dma_start3A_34] : memref<36864xi32, #tpu.memory_space<vmem>> -> memref<9216xi32, #tpu.memory_space<vmem>>
      %dma_start3A_36 = tpu.memref_slice %arg4[%arg0, %run_scoped3A_1, %mul3A_0] : memref<2x4x147456xi32, #tpu.memory_space<hbm>> -> memref<1x1x9216xi32, #tpu.memory_space<hbm>>
      %dma_start3A_37 = tpu.memref_squeeze %dma_start3A_36 : memref<1x1x9216xi32, #tpu.memory_space<hbm>> -> memref<9216xi32, #tpu.memory_space<hbm>>
      tpu.enqueue_dma source(%dma_start3A_37 : memref<9216xi32, #tpu.memory_space<hbm>>) target(%dma_start3A_35 : memref<9216xi32, #tpu.memory_space<vmem>>) target_semaphore(%run_scoped3A_29 : memref<!tpu.dma_semaphore, #tpu.memory_space<semaphore_mem>>)
      %dma_wait3A_38 = arith.constant 9216 : i32
      %dma_wait3A_39 = tpu.memref_slice %arg15[%dma_wait3A_38] : memref<36864xi32, #tpu.memory_space<vmem>> -> memref<9216xi32, #tpu.memory_space<vmem>>
      %dma_wait3A_40 = tpu.memref_slice %arg4[%arg0, %run_scoped3A_1, %mul3A_0] : memref<2x4x147456xi32, #tpu.memory_space<hbm>> -> memref<1x1x9216xi32, #tpu.memory_space<hbm>>
      %dma_wait3A_41 = tpu.memref_squeeze %dma_wait3A_40 : memref<1x1x9216xi32, #tpu.memory_space<hbm>> -> memref<9216xi32, #tpu.memory_space<hbm>>
      %dma_wait3A_42 = arith.constant 9216 : i32
      %dma_wait3A_43 = tpu.memref_slice %arg15[%dma_wait3A_42] : memref<36864xi32, #tpu.memory_space<vmem>> -> memref<9216xi32, #tpu.memory_space<vmem>>
      %dma_wait3A_44 = tpu.memref_slice %arg4[%arg0, %run_scoped3A_1, %mul3A_0] : memref<2x4x147456xi32, #tpu.memory_space<hbm>> -> memref<1x1x9216xi32, #tpu.memory_space<hbm>>
      %dma_wait3A_45 = tpu.memref_squeeze %dma_wait3A_44 : memref<1x1x9216xi32, #tpu.memory_space<hbm>> -> memref<9216xi32, #tpu.memory_space<hbm>>
      tpu.wait_dma2 semaphore(%run_scoped3A_29 : memref<!tpu.dma_semaphore, #tpu.memory_space<semaphore_mem>>) src(%dma_wait3A_45 : memref<9216xi32, #tpu.memory_space<hbm>>) dst(%dma_wait3A_43 : memref<9216xi32, #tpu.memory_space<vmem>>)
      tpu.yield
    }) : () -> ()
    %run_scoped3A_2 = arith.constant 2 : i32
    "tpu.region"() ({
      %run_scoped3A_29 = tpu.sem_alloc : memref<!tpu.dma_semaphore, #tpu.memory_space<semaphore_mem>>
      %dma_start3A_30 = arith.constant 18432 : i32
      %dma_start3A_31 = tpu.memref_slice %arg15[%dma_start3A_30] : memref<36864xi32, #tpu.memory_space<vmem>> -> memref<9216xi32, #tpu.memory_space<vmem>>
      %dma_start3A_32 = tpu.memref_slice %arg4[%arg0, %run_scoped3A_2, %mul3A_0] : memref<2x4x147456xi32, #tpu.memory_space<hbm>> -> memref<1x1x9216xi32, #tpu.memory_space<hbm>>
      %dma_start3A_33 = tpu.memref_squeeze %dma_start3A_32 : memref<1x1x9216xi32, #tpu.memory_space<hbm>> -> memref<9216xi32, #tpu.memory_space<hbm>>
      %dma_start3A_34 = arith.constant 18432 : i32
      %dma_start3A_35 = tpu.memref_slice %arg15[%dma_start3A_34] : memref<36864xi32, #tpu.memory_space<vmem>> -> memref<9216xi32, #tpu.memory_space<vmem>>
      %dma_start3A_36 = tpu.memref_slice %arg4[%arg0, %run_scoped3A_2, %mul3A_0] : memref<2x4x147456xi32, #tpu.memory_space<hbm>> -> memref<1x1x9216xi32, #tpu.memory_space<hbm>>
      %dma_start3A_37 = tpu.memref_squeeze %dma_start3A_36 : memref<1x1x9216xi32, #tpu.memory_space<hbm>> -> memref<9216xi32, #tpu.memory_space<hbm>>
      tpu.enqueue_dma source(%dma_start3A_37 : memref<9216xi32, #tpu.memory_space<hbm>>) target(%dma_start3A_35 : memref<9216xi32, #tpu.memory_space<vmem>>) target_semaphore(%run_scoped3A_29 : memref<!tpu.dma_semaphore, #tpu.memory_space<semaphore_mem>>)
      %dma_wait3A_38 = arith.constant 18432 : i32
      %dma_wait3A_39 = tpu.memref_slice %arg15[%dma_wait3A_38] : memref<36864xi32, #tpu.memory_space<vmem>> -> memref<9216xi32, #tpu.memory_space<vmem>>
      %dma_wait3A_40 = tpu.memref_slice %arg4[%arg0, %run_scoped3A_2, %mul3A_0] : memref<2x4x147456xi32, #tpu.memory_space<hbm>> -> memref<1x1x9216xi32, #tpu.memory_space<hbm>>
      %dma_wait3A_41 = tpu.memref_squeeze %dma_wait3A_40 : memref<1x1x9216xi32, #tpu.memory_space<hbm>> -> memref<9216xi32, #tpu.memory_space<hbm>>
      %dma_wait3A_42 = arith.constant 18432 : i32
      %dma_wait3A_43 = tpu.memref_slice %arg15[%dma_wait3A_42] : memref<36864xi32, #tpu.memory_space<vmem>> -> memref<9216xi32, #tpu.memory_space<vmem>>
      %dma_wait3A_44 = tpu.memref_slice %arg4[%arg0, %run_scoped3A_2, %mul3A_0] : memref<2x4x147456xi32, #tpu.memory_space<hbm>> -> memref<1x1x9216xi32, #tpu.memory_space<hbm>>
      %dma_wait3A_45 = tpu.memref_squeeze %dma_wait3A_44 : memref<1x1x9216xi32, #tpu.memory_space<hbm>> -> memref<9216xi32, #tpu.memory_space<hbm>>
      tpu.wait_dma2 semaphore(%run_scoped3A_29 : memref<!tpu.dma_semaphore, #tpu.memory_space<semaphore_mem>>) src(%dma_wait3A_45 : memref<9216xi32, #tpu.memory_space<hbm>>) dst(%dma_wait3A_43 : memref<9216xi32, #tpu.memory_space<vmem>>)
      tpu.yield
    }) : () -> ()
    %run_scoped3A_3 = arith.constant 3 : i32
    "tpu.region"() ({
      %run_scoped3A_29 = tpu.sem_alloc : memref<!tpu.dma_semaphore, #tpu.memory_space<semaphore_mem>>
      %dma_start3A_30 = arith.constant 27648 : i32
      %dma_start3A_31 = tpu.memref_slice %arg15[%dma_start3A_30] : memref<36864xi32, #tpu.memory_space<vmem>> -> memref<9216xi32, #tpu.memory_space<vmem>>
      %dma_start3A_32 = tpu.memref_slice %arg4[%arg0, %run_scoped3A_3, %mul3A_0] : memref<2x4x147456xi32, #tpu.memory_space<hbm>> -> memref<1x1x9216xi32, #tpu.memory_space<hbm>>
      %dma_start3A_33 = tpu.memref_squeeze %dma_start3A_32 : memref<1x1x9216xi32, #tpu.memory_space<hbm>> -> memref<9216xi32, #tpu.memory_space<hbm>>
      %dma_start3A_34 = arith.constant 27648 : i32
      %dma_start3A_35 = tpu.memref_slice %arg15[%dma_start3A_34] : memref<36864xi32, #tpu.memory_space<vmem>> -> memref<9216xi32, #tpu.memory_space<vmem>>
      %dma_start3A_36 = tpu.memref_slice %arg4[%arg0, %run_scoped3A_3, %mul3A_0] : memref<2x4x147456xi32, #tpu.memory_space<hbm>> -> memref<1x1x9216xi32, #tpu.memory_space<hbm>>
      %dma_start3A_37 = tpu.memref_squeeze %dma_start3A_36 : memref<1x1x9216xi32, #tpu.memory_space<hbm>> -> memref<9216xi32, #tpu.memory_space<hbm>>
      tpu.enqueue_dma source(%dma_start3A_37 : memref<9216xi32, #tpu.memory_space<hbm>>) target(%dma_start3A_35 : memref<9216xi32, #tpu.memory_space<vmem>>) target_semaphore(%run_scoped3A_29 : memref<!tpu.dma_semaphore, #tpu.memory_space<semaphore_mem>>)
      %dma_wait3A_38 = arith.constant 27648 : i32
      %dma_wait3A_39 = tpu.memref_slice %arg15[%dma_wait3A_38] : memref<36864xi32, #tpu.memory_space<vmem>> -> memref<9216xi32, #tpu.memory_space<vmem>>
      %dma_wait3A_40 = tpu.memref_slice %arg4[%arg0, %run_scoped3A_3, %mul3A_0] : memref<2x4x147456xi32, #tpu.memory_space<hbm>> -> memref<1x1x9216xi32, #tpu.memory_space<hbm>>
      %dma_wait3A_41 = tpu.memref_squeeze %dma_wait3A_40 : memref<1x1x9216xi32, #tpu.memory_space<hbm>> -> memref<9216xi32, #tpu.memory_space<hbm>>
      %dma_wait3A_42 = arith.constant 27648 : i32
      %dma_wait3A_43 = tpu.memref_slice %arg15[%dma_wait3A_42] : memref<36864xi32, #tpu.memory_space<vmem>> -> memref<9216xi32, #tpu.memory_space<vmem>>
      %dma_wait3A_44 = tpu.memref_slice %arg4[%arg0, %run_scoped3A_3, %mul3A_0] : memref<2x4x147456xi32, #tpu.memory_space<hbm>> -> memref<1x1x9216xi32, #tpu.memory_space<hbm>>
      %dma_wait3A_45 = tpu.memref_squeeze %dma_wait3A_44 : memref<1x1x9216xi32, #tpu.memory_space<hbm>> -> memref<9216xi32, #tpu.memory_space<hbm>>
      tpu.wait_dma2 semaphore(%run_scoped3A_29 : memref<!tpu.dma_semaphore, #tpu.memory_space<semaphore_mem>>) src(%dma_wait3A_45 : memref<9216xi32, #tpu.memory_space<hbm>>) dst(%dma_wait3A_43 : memref<9216xi32, #tpu.memory_space<vmem>>)
      tpu.yield
    }) : () -> ()
    "tpu.region"() ({
      %run_scoped3A_29 = tpu.sem_alloc : memref<!tpu.dma_semaphore, #tpu.memory_space<semaphore_mem>>
      %dma_start3A_30 = tpu.memref_slice %arg7[%mul3A_0] : memref<147456xf32, #tpu.memory_space<vmem_shared>> -> memref<9216xf32, #tpu.memory_space<vmem_shared>>
      tpu.enqueue_dma source(%arg5 : memref<9216xf32, #tpu.memory_space<hbm>>) target(%dma_start3A_30 : memref<9216xf32, #tpu.memory_space<vmem_shared>>) target_semaphore(%run_scoped3A_29 : memref<!tpu.dma_semaphore, #tpu.memory_space<semaphore_mem>>)
      %dma_wait3A_31 = tpu.memref_slice %arg7[%mul3A_0] : memref<147456xf32, #tpu.memory_space<vmem_shared>> -> memref<9216xf32, #tpu.memory_space<vmem_shared>>
      tpu.wait_dma2 semaphore(%run_scoped3A_29 : memref<!tpu.dma_semaphore, #tpu.memory_space<semaphore_mem>>) src(%arg5 : memref<9216xf32, #tpu.memory_space<hbm>>) dst(%dma_wait3A_31 : memref<9216xf32, #tpu.memory_space<vmem_shared>>)
      tpu.yield
    }) : () -> ()
    "tpu.region"() ({
      %run_scoped3A_29 = tpu.sem_alloc : memref<!tpu.dma_semaphore, #tpu.memory_space<semaphore_mem>>
      %dma_start3A_30 = tpu.memref_slice %arg8[%mul3A_0] : memref<147456xf32, #tpu.memory_space<vmem_shared>> -> memref<9216xf32, #tpu.memory_space<vmem_shared>>
      tpu.enqueue_dma source(%arg5 : memref<9216xf32, #tpu.memory_space<hbm>>) target(%dma_start3A_30 : memref<9216xf32, #tpu.memory_space<vmem_shared>>) target_semaphore(%run_scoped3A_29 : memref<!tpu.dma_semaphore, #tpu.memory_space<semaphore_mem>>)
      %dma_wait3A_31 = tpu.memref_slice %arg8[%mul3A_0] : memref<147456xf32, #tpu.memory_space<vmem_shared>> -> memref<9216xf32, #tpu.memory_space<vmem_shared>>
      tpu.wait_dma2 semaphore(%run_scoped3A_29 : memref<!tpu.dma_semaphore, #tpu.memory_space<semaphore_mem>>) src(%arg5 : memref<9216xf32, #tpu.memory_space<hbm>>) dst(%dma_wait3A_31 : memref<9216xf32, #tpu.memory_space<vmem_shared>>)
      tpu.yield
    }) : () -> ()
    "tpu.region"() ({
      %run_scoped3A_29 = tpu.sem_alloc : memref<!tpu.dma_semaphore, #tpu.memory_space<semaphore_mem>>
      %dma_start3A_30 = tpu.memref_slice %arg9[%mul3A_0] : memref<147456xf32, #tpu.memory_space<vmem_shared>> -> memref<9216xf32, #tpu.memory_space<vmem_shared>>
      tpu.enqueue_dma source(%arg5 : memref<9216xf32, #tpu.memory_space<hbm>>) target(%dma_start3A_30 : memref<9216xf32, #tpu.memory_space<vmem_shared>>) target_semaphore(%run_scoped3A_29 : memref<!tpu.dma_semaphore, #tpu.memory_space<semaphore_mem>>)
      %dma_wait3A_31 = tpu.memref_slice %arg9[%mul3A_0] : memref<147456xf32, #tpu.memory_space<vmem_shared>> -> memref<9216xf32, #tpu.memory_space<vmem_shared>>
      tpu.wait_dma2 semaphore(%run_scoped3A_29 : memref<!tpu.dma_semaphore, #tpu.memory_space<semaphore_mem>>) src(%arg5 : memref<9216xf32, #tpu.memory_space<hbm>>) dst(%dma_wait3A_31 : memref<9216xf32, #tpu.memory_space<vmem_shared>>)
      tpu.yield
    }) : () -> ()
    "tpu.region"() ({
      %run_scoped3A_29 = tpu.sem_alloc : memref<!tpu.dma_semaphore, #tpu.memory_space<semaphore_mem>>
      %dma_start3A_30 = tpu.memref_slice %arg10[%mul3A_0] : memref<147456xf32, #tpu.memory_space<vmem_shared>> -> memref<9216xf32, #tpu.memory_space<vmem_shared>>
      tpu.enqueue_dma source(%arg5 : memref<9216xf32, #tpu.memory_space<hbm>>) target(%dma_start3A_30 : memref<9216xf32, #tpu.memory_space<vmem_shared>>) target_semaphore(%run_scoped3A_29 : memref<!tpu.dma_semaphore, #tpu.memory_space<semaphore_mem>>)
      %dma_wait3A_31 = tpu.memref_slice %arg10[%mul3A_0] : memref<147456xf32, #tpu.memory_space<vmem_shared>> -> memref<9216xf32, #tpu.memory_space<vmem_shared>>
      tpu.wait_dma2 semaphore(%run_scoped3A_29 : memref<!tpu.dma_semaphore, #tpu.memory_space<semaphore_mem>>) src(%arg5 : memref<9216xf32, #tpu.memory_space<hbm>>) dst(%dma_wait3A_31 : memref<9216xf32, #tpu.memory_space<vmem_shared>>)
      tpu.yield
    }) : () -> ()
    "tpu.region"() ({
      %run_scoped3A_29 = tpu.sem_alloc : memref<!tpu.dma_semaphore, #tpu.memory_space<semaphore_mem>>
      %dma_start3A_30 = tpu.memref_slice %arg11[%mul3A_0] : memref<147456xf32, #tpu.memory_space<vmem_shared>> -> memref<9216xf32, #tpu.memory_space<vmem_shared>>
      tpu.enqueue_dma source(%arg5 : memref<9216xf32, #tpu.memory_space<hbm>>) target(%dma_start3A_30 : memref<9216xf32, #tpu.memory_space<vmem_shared>>) target_semaphore(%run_scoped3A_29 : memref<!tpu.dma_semaphore, #tpu.memory_space<semaphore_mem>>)
      %dma_wait3A_31 = tpu.memref_slice %arg11[%mul3A_0] : memref<147456xf32, #tpu.memory_space<vmem_shared>> -> memref<9216xf32, #tpu.memory_space<vmem_shared>>
      tpu.wait_dma2 semaphore(%run_scoped3A_29 : memref<!tpu.dma_semaphore, #tpu.memory_space<semaphore_mem>>) src(%arg5 : memref<9216xf32, #tpu.memory_space<hbm>>) dst(%dma_wait3A_31 : memref<9216xf32, #tpu.memory_space<vmem_shared>>)
      tpu.yield
    }) : () -> ()
    "tpu.region"() ({
      %run_scoped3A_29 = tpu.sem_alloc : memref<!tpu.dma_semaphore, #tpu.memory_space<semaphore_mem>>
      %dma_start3A_30 = tpu.memref_slice %arg12[%mul3A_0] : memref<147456xf32, #tpu.memory_space<vmem_shared>> -> memref<9216xf32, #tpu.memory_space<vmem_shared>>
      tpu.enqueue_dma source(%arg5 : memref<9216xf32, #tpu.memory_space<hbm>>) target(%dma_start3A_30 : memref<9216xf32, #tpu.memory_space<vmem_shared>>) target_semaphore(%run_scoped3A_29 : memref<!tpu.dma_semaphore, #tpu.memory_space<semaphore_mem>>)
      %dma_wait3A_31 = tpu.memref_slice %arg12[%mul3A_0] : memref<147456xf32, #tpu.memory_space<vmem_shared>> -> memref<9216xf32, #tpu.memory_space<vmem_shared>>
      tpu.wait_dma2 semaphore(%run_scoped3A_29 : memref<!tpu.dma_semaphore, #tpu.memory_space<semaphore_mem>>) src(%arg5 : memref<9216xf32, #tpu.memory_space<hbm>>) dst(%dma_wait3A_31 : memref<9216xf32, #tpu.memory_space<vmem_shared>>)
      tpu.yield
    }) : () -> ()
    "tpu.region"() ({
      %run_scoped3A_29 = tpu.sem_alloc : memref<!tpu.dma_semaphore, #tpu.memory_space<semaphore_mem>>
      %dma_start3A_30 = tpu.memref_slice %arg13[%mul3A_0] : memref<147456xf32, #tpu.memory_space<vmem_shared>> -> memref<9216xf32, #tpu.memory_space<vmem_shared>>
      tpu.enqueue_dma source(%arg5 : memref<9216xf32, #tpu.memory_space<hbm>>) target(%dma_start3A_30 : memref<9216xf32, #tpu.memory_space<vmem_shared>>) target_semaphore(%run_scoped3A_29 : memref<!tpu.dma_semaphore, #tpu.memory_space<semaphore_mem>>)
      %dma_wait3A_31 = tpu.memref_slice %arg13[%mul3A_0] : memref<147456xf32, #tpu.memory_space<vmem_shared>> -> memref<9216xf32, #tpu.memory_space<vmem_shared>>
      tpu.wait_dma2 semaphore(%run_scoped3A_29 : memref<!tpu.dma_semaphore, #tpu.memory_space<semaphore_mem>>) src(%arg5 : memref<9216xf32, #tpu.memory_space<hbm>>) dst(%dma_wait3A_31 : memref<9216xf32, #tpu.memory_space<vmem_shared>>)
      tpu.yield
    }) : () -> ()
    "tpu.region"() ({
      %run_scoped3A_29 = tpu.sem_alloc : memref<!tpu.dma_semaphore, #tpu.memory_space<semaphore_mem>>
      %dma_start3A_30 = tpu.memref_slice %arg14[%mul3A_0] : memref<147456xf32, #tpu.memory_space<vmem_shared>> -> memref<9216xf32, #tpu.memory_space<vmem_shared>>
      tpu.enqueue_dma source(%arg5 : memref<9216xf32, #tpu.memory_space<hbm>>) target(%dma_start3A_30 : memref<9216xf32, #tpu.memory_space<vmem_shared>>) target_semaphore(%run_scoped3A_29 : memref<!tpu.dma_semaphore, #tpu.memory_space<semaphore_mem>>)
      %dma_wait3A_31 = tpu.memref_slice %arg14[%mul3A_0] : memref<147456xf32, #tpu.memory_space<vmem_shared>> -> memref<9216xf32, #tpu.memory_space<vmem_shared>>
      tpu.wait_dma2 semaphore(%run_scoped3A_29 : memref<!tpu.dma_semaphore, #tpu.memory_space<semaphore_mem>>) src(%arg5 : memref<9216xf32, #tpu.memory_space<hbm>>) dst(%dma_wait3A_31 : memref<9216xf32, #tpu.memory_space<vmem_shared>>)
      tpu.yield
    }) : () -> ()
    %barrier3A = arith.constant 0 : index
    tpu.barrier barrier_id(%barrier3A)
    %dma_start3A = arith.constant 0 : i32
    %dma_start3A_4 = arith.constant 0 : i32
    %dma_start3A_5 = arith.constant 0 : i32
    %dma_start3A_6 = tpu.memref_slice %arg2[%arg0, %dma_start3A, %dma_start3A_4, %dma_start3A_5, %mul3A_0] : memref<2x12x4x8x147456xf32, #tpu.memory_space<hbm>> -> memref<1x1x1x1x9216xf32, #tpu.memory_space<hbm>>
    %dma_start3A_7 = tpu.memref_squeeze %dma_start3A_6 : memref<1x1x1x1x9216xf32, #tpu.memory_space<hbm>> -> memref<9216xf32, #tpu.memory_space<hbm>>
    %dma_start3A_8 = tpu.memref_slice %arg2[%arg0, %dma_start3A, %dma_start3A_4, %dma_start3A_5, %mul3A_0] : memref<2x12x4x8x147456xf32, #tpu.memory_space<hbm>> -> memref<1x1x1x1x9216xf32, #tpu.memory_space<hbm>>
    %dma_start3A_9 = tpu.memref_squeeze %dma_start3A_8 : memref<1x1x1x1x9216xf32, #tpu.memory_space<hbm>> -> memref<9216xf32, #tpu.memory_space<hbm>>
    tpu.enqueue_dma source(%dma_start3A_9 : memref<9216xf32, #tpu.memory_space<hbm>>) target(%arg16 : memref<9216xf32, #tpu.memory_space<vmem>>) target_semaphore(%arg18 : memref<!tpu.dma_semaphore, #tpu.memory_space<semaphore_mem>>)
    %scan3A = arith.constant 0 : i32
    %scan3A_10 = arith.constant 0 : i32
    %scan3A_11 = arith.constant 12 : i32
    %scan3A_12 = arith.addi %scan3A_10, %scan3A_11 : i32
    %scan3A_13 = arith.constant 1 : i32
    scf.for %scan3A_29 = %scan3A_10 to %scan3A_12 step %scan3A_13  : i32 {
      %dma_wait3A_30 = arith.constant 0 : i32
      %dma_wait3A_31 = arith.constant 0 : i32
      %dma_wait3A_32 = tpu.memref_slice %arg2[%arg0, %scan3A_29, %dma_wait3A_30, %dma_wait3A_31, %mul3A_0] : memref<2x12x4x8x147456xf32, #tpu.memory_space<hbm>> -> memref<1x1x1x1x9216xf32, #tpu.memory_space<hbm>>
      %dma_wait3A_33 = tpu.memref_squeeze %dma_wait3A_32 : memref<1x1x1x1x9216xf32, #tpu.memory_space<hbm>> -> memref<9216xf32, #tpu.memory_space<hbm>>
      %dma_wait3A_34 = tpu.memref_slice %arg2[%arg0, %scan3A_29, %dma_wait3A_30, %dma_wait3A_31, %mul3A_0] : memref<2x12x4x8x147456xf32, #tpu.memory_space<hbm>> -> memref<1x1x1x1x9216xf32, #tpu.memory_space<hbm>>
      %dma_wait3A_35 = tpu.memref_squeeze %dma_wait3A_34 : memref<1x1x1x1x9216xf32, #tpu.memory_space<hbm>> -> memref<9216xf32, #tpu.memory_space<hbm>>
      tpu.wait_dma2 semaphore(%arg18 : memref<!tpu.dma_semaphore, #tpu.memory_space<semaphore_mem>>) src(%dma_wait3A_35 : memref<9216xf32, #tpu.memory_space<hbm>>) dst(%arg16 : memref<9216xf32, #tpu.memory_space<vmem>>)
      %dma_start3A_36 = arith.constant 0 : i32
      %dma_start3A_37 = tpu.memref_slice %arg15[%dma_start3A_36] : memref<36864xi32, #tpu.memory_space<vmem>> -> memref<9216xi32, #tpu.memory_space<vmem>>
      %dma_start3A_38 = arith.constant 0 : i32
      %dma_start3A_39 = tpu.memref_slice %arg7[%dma_start3A_38] : memref<147456xf32, #tpu.memory_space<vmem_shared>> -> memref<147456xf32, #tpu.memory_space<vmem_shared>>
      tpu.enqueue_indirect_dma source(%arg16 : memref<9216xf32, #tpu.memory_space<vmem>>) target(%dma_start3A_39 : memref<147456xf32, #tpu.memory_space<vmem_shared>>) offsets(%dma_start3A_37 : memref<9216xi32, #tpu.memory_space<vmem>>) semaphore(%arg20 : memref<!tpu.dma_semaphore, #tpu.memory_space<semaphore_mem>>) {add = true}
      %dma_start3A_40 = arith.constant 0 : i32
      %dma_start3A_41 = arith.constant 1 : i32
      %dma_start3A_42 = tpu.memref_slice %arg2[%arg0, %scan3A_29, %dma_start3A_40, %dma_start3A_41, %mul3A_0] : memref<2x12x4x8x147456xf32, #tpu.memory_space<hbm>> -> memref<1x1x1x1x9216xf32, #tpu.memory_space<hbm>>
      %dma_start3A_43 = tpu.memref_squeeze %dma_start3A_42 : memref<1x1x1x1x9216xf32, #tpu.memory_space<hbm>> -> memref<9216xf32, #tpu.memory_space<hbm>>
      %dma_start3A_44 = tpu.memref_slice %arg2[%arg0, %scan3A_29, %dma_start3A_40, %dma_start3A_41, %mul3A_0] : memref<2x12x4x8x147456xf32, #tpu.memory_space<hbm>> -> memref<1x1x1x1x9216xf32, #tpu.memory_space<hbm>>
      %dma_start3A_45 = tpu.memref_squeeze %dma_start3A_44 : memref<1x1x1x1x9216xf32, #tpu.memory_space<hbm>> -> memref<9216xf32, #tpu.memory_space<hbm>>
      tpu.enqueue_dma source(%dma_start3A_45 : memref<9216xf32, #tpu.memory_space<hbm>>) target(%arg17 : memref<9216xf32, #tpu.memory_space<vmem>>) target_semaphore(%arg19 : memref<!tpu.dma_semaphore, #tpu.memory_space<semaphore_mem>>)
      %dma_wait3A_46 = arith.constant 0 : i32
      %dma_wait3A_47 = arith.constant 1 : i32
      %dma_wait3A_48 = tpu.memref_slice %arg2[%arg0, %scan3A_29, %dma_wait3A_46, %dma_wait3A_47, %mul3A_0] : memref<2x12x4x8x147456xf32, #tpu.memory_space<hbm>> -> memref<1x1x1x1x9216xf32, #tpu.memory_space<hbm>>
      %dma_wait3A_49 = tpu.memref_squeeze %dma_wait3A_48 : memref<1x1x1x1x9216xf32, #tpu.memory_space<hbm>> -> memref<9216xf32, #tpu.memory_space<hbm>>
      %dma_wait3A_50 = tpu.memref_slice %arg2[%arg0, %scan3A_29, %dma_wait3A_46, %dma_wait3A_47, %mul3A_0] : memref<2x12x4x8x147456xf32, #tpu.memory_space<hbm>> -> memref<1x1x1x1x9216xf32, #tpu.memory_space<hbm>>
      %dma_wait3A_51 = tpu.memref_squeeze %dma_wait3A_50 : memref<1x1x1x1x9216xf32, #tpu.memory_space<hbm>> -> memref<9216xf32, #tpu.memory_space<hbm>>
      tpu.wait_dma2 semaphore(%arg19 : memref<!tpu.dma_semaphore, #tpu.memory_space<semaphore_mem>>) src(%dma_wait3A_51 : memref<9216xf32, #tpu.memory_space<hbm>>) dst(%arg17 : memref<9216xf32, #tpu.memory_space<vmem>>)
      %dma_start3A_52 = arith.constant 0 : i32
      %dma_start3A_53 = tpu.memref_slice %arg15[%dma_start3A_52] : memref<36864xi32, #tpu.memory_space<vmem>> -> memref<9216xi32, #tpu.memory_space<vmem>>
      %dma_start3A_54 = arith.constant 0 : i32
      %dma_start3A_55 = tpu.memref_slice %arg8[%dma_start3A_54] : memref<147456xf32, #tpu.memory_space<vmem_shared>> -> memref<147456xf32, #tpu.memory_space<vmem_shared>>
      tpu.enqueue_indirect_dma source(%arg17 : memref<9216xf32, #tpu.memory_space<vmem>>) target(%dma_start3A_55 : memref<147456xf32, #tpu.memory_space<vmem_shared>>) offsets(%dma_start3A_53 : memref<9216xi32, #tpu.memory_space<vmem>>) semaphore(%arg21 : memref<!tpu.dma_semaphore, #tpu.memory_space<semaphore_mem>>) {add = true}
      %dma_wait3A_56 = arith.constant 0 : i32
      %dma_wait3A_57 = tpu.memref_slice %arg15[%dma_wait3A_56] : memref<36864xi32, #tpu.memory_space<vmem>> -> memref<9216xi32, #tpu.memory_space<vmem>>
      %dma_wait3A_58 = arith.constant 0 : i32
      %dma_wait3A_59 = tpu.memref_slice %arg7[%dma_wait3A_58] : memref<147456xf32, #tpu.memory_space<vmem_shared>> -> memref<147456xf32, #tpu.memory_space<vmem_shared>>
      tpu.wait_indirect_dma semaphore(%arg20 : memref<!tpu.dma_semaphore, #tpu.memory_space<semaphore_mem>>) src(%arg16 : memref<9216xf32, #tpu.memory_space<vmem>>) dst(%dma_wait3A_59 : memref<147456xf32, #tpu.memory_space<vmem_shared>>)
      %dma_start3A_60 = arith.constant 0 : i32
      %dma_start3A_61 = arith.constant 2 : i32
      %dma_start3A_62 = tpu.memref_slice %arg2[%arg0, %scan3A_29, %dma_start3A_60, %dma_start3A_61, %mul3A_0] : memref<2x12x4x8x147456xf32, #tpu.memory_space<hbm>> -> memref<1x1x1x1x9216xf32, #tpu.memory_space<hbm>>
      %dma_start3A_63 = tpu.memref_squeeze %dma_start3A_62 : memref<1x1x1x1x9216xf32, #tpu.memory_space<hbm>> -> memref<9216xf32, #tpu.memory_space<hbm>>
      %dma_start3A_64 = tpu.memref_slice %arg2[%arg0, %scan3A_29, %dma_start3A_60, %dma_start3A_61, %mul3A_0] : memref<2x12x4x8x147456xf32, #tpu.memory_space<hbm>> -> memref<1x1x1x1x9216xf32, #tpu.memory_space<hbm>>
      %dma_start3A_65 = tpu.memref_squeeze %dma_start3A_64 : memref<1x1x1x1x9216xf32, #tpu.memory_space<hbm>> -> memref<9216xf32, #tpu.memory_space<hbm>>
      tpu.enqueue_dma source(%dma_start3A_65 : memref<9216xf32, #tpu.memory_space<hbm>>) target(%arg16 : memref<9216xf32, #tpu.memory_space<vmem>>) target_semaphore(%arg18 : memref<!tpu.dma_semaphore, #tpu.memory_space<semaphore_mem>>)
      %dma_wait3A_66 = arith.constant 0 : i32
      %dma_wait3A_67 = arith.constant 2 : i32
      %dma_wait3A_68 = tpu.memref_slice %arg2[%arg0, %scan3A_29, %dma_wait3A_66, %dma_wait3A_67, %mul3A_0] : memref<2x12x4x8x147456xf32, #tpu.memory_space<hbm>> -> memref<1x1x1x1x9216xf32, #tpu.memory_space<hbm>>
      %dma_wait3A_69 = tpu.memref_squeeze %dma_wait3A_68 : memref<1x1x1x1x9216xf32, #tpu.memory_space<hbm>> -> memref<9216xf32, #tpu.memory_space<hbm>>
      %dma_wait3A_70 = tpu.memref_slice %arg2[%arg0, %scan3A_29, %dma_wait3A_66, %dma_wait3A_67, %mul3A_0] : memref<2x12x4x8x147456xf32, #tpu.memory_space<hbm>> -> memref<1x1x1x1x9216xf32, #tpu.memory_space<hbm>>
      %dma_wait3A_71 = tpu.memref_squeeze %dma_wait3A_70 : memref<1x1x1x1x9216xf32, #tpu.memory_space<hbm>> -> memref<9216xf32, #tpu.memory_space<hbm>>
      tpu.wait_dma2 semaphore(%arg18 : memref<!tpu.dma_semaphore, #tpu.memory_space<semaphore_mem>>) src(%dma_wait3A_71 : memref<9216xf32, #tpu.memory_space<hbm>>) dst(%arg16 : memref<9216xf32, #tpu.memory_space<vmem>>)
      %dma_start3A_72 = arith.constant 0 : i32
      %dma_start3A_73 = tpu.memref_slice %arg15[%dma_start3A_72] : memref<36864xi32, #tpu.memory_space<vmem>> -> memref<9216xi32, #tpu.memory_space<vmem>>
      %dma_start3A_74 = arith.constant 0 : i32
      %dma_start3A_75 = tpu.memref_slice %arg9[%dma_start3A_74] : memref<147456xf32, #tpu.memory_space<vmem_shared>> -> memref<147456xf32, #tpu.memory_space<vmem_shared>>
      tpu.enqueue_indirect_dma source(%arg16 : memref<9216xf32, #tpu.memory_space<vmem>>) target(%dma_start3A_75 : memref<147456xf32, #tpu.memory_space<vmem_shared>>) offsets(%dma_start3A_73 : memref<9216xi32, #tpu.memory_space<vmem>>) semaphore(%arg20 : memref<!tpu.dma_semaphore, #tpu.memory_space<semaphore_mem>>) {add = true}
      %dma_wait3A_76 = arith.constant 0 : i32
      %dma_wait3A_77 = tpu.memref_slice %arg15[%dma_wait3A_76] : memref<36864xi32, #tpu.memory_space<vmem>> -> memref<9216xi32, #tpu.memory_space<vmem>>
      %dma_wait3A_78 = arith.constant 0 : i32
      %dma_wait3A_79 = tpu.memref_slice %arg8[%dma_wait3A_78] : memref<147456xf32, #tpu.memory_space<vmem_shared>> -> memref<147456xf32, #tpu.memory_space<vmem_shared>>
      tpu.wait_indirect_dma semaphore(%arg21 : memref<!tpu.dma_semaphore, #tpu.memory_space<semaphore_mem>>) src(%arg17 : memref<9216xf32, #tpu.memory_space<vmem>>) dst(%dma_wait3A_79 : memref<147456xf32, #tpu.memory_space<vmem_shared>>)
      %dma_start3A_80 = arith.constant 0 : i32
      %dma_start3A_81 = arith.constant 3 : i32
      %dma_start3A_82 = tpu.memref_slice %arg2[%arg0, %scan3A_29, %dma_start3A_80, %dma_start3A_81, %mul3A_0] : memref<2x12x4x8x147456xf32, #tpu.memory_space<hbm>> -> memref<1x1x1x1x9216xf32, #tpu.memory_space<hbm>>
      %dma_start3A_83 = tpu.memref_squeeze %dma_start3A_82 : memref<1x1x1x1x9216xf32, #tpu.memory_space<hbm>> -> memref<9216xf32, #tpu.memory_space<hbm>>
      %dma_start3A_84 = tpu.memref_slice %arg2[%arg0, %scan3A_29, %dma_start3A_80, %dma_start3A_81, %mul3A_0] : memref<2x12x4x8x147456xf32, #tpu.memory_space<hbm>> -> memref<1x1x1x1x9216xf32, #tpu.memory_space<hbm>>
      %dma_start3A_85 = tpu.memref_squeeze %dma_start3A_84 : memref<1x1x1x1x9216xf32, #tpu.memory_space<hbm>> -> memref<9216xf32, #tpu.memory_space<hbm>>
      tpu.enqueue_dma source(%dma_start3A_85 : memref<9216xf32, #tpu.memory_space<hbm>>) target(%arg17 : memref<9216xf32, #tpu.memory_space<vmem>>) target_semaphore(%arg19 : memref<!tpu.dma_semaphore, #tpu.memory_space<semaphore_mem>>)
      %dma_wait3A_86 = arith.constant 0 : i32
      %dma_wait3A_87 = arith.constant 3 : i32
      %dma_wait3A_88 = tpu.memref_slice %arg2[%arg0, %scan3A_29, %dma_wait3A_86, %dma_wait3A_87, %mul3A_0] : memref<2x12x4x8x147456xf32, #tpu.memory_space<hbm>> -> memref<1x1x1x1x9216xf32, #tpu.memory_space<hbm>>
      %dma_wait3A_89 = tpu.memref_squeeze %dma_wait3A_88 : memref<1x1x1x1x9216xf32, #tpu.memory_space<hbm>> -> memref<9216xf32, #tpu.memory_space<hbm>>
      %dma_wait3A_90 = tpu.memref_slice %arg2[%arg0, %scan3A_29, %dma_wait3A_86, %dma_wait3A_87, %mul3A_0] : memref<2x12x4x8x147456xf32, #tpu.memory_space<hbm>> -> memref<1x1x1x1x9216xf32, #tpu.memory_space<hbm>>
      %dma_wait3A_91 = tpu.memref_squeeze %dma_wait3A_90 : memref<1x1x1x1x9216xf32, #tpu.memory_space<hbm>> -> memref<9216xf32, #tpu.memory_space<hbm>>
      tpu.wait_dma2 semaphore(%arg19 : memref<!tpu.dma_semaphore, #tpu.memory_space<semaphore_mem>>) src(%dma_wait3A_91 : memref<9216xf32, #tpu.memory_space<hbm>>) dst(%arg17 : memref<9216xf32, #tpu.memory_space<vmem>>)
      %dma_start3A_92 = arith.constant 0 : i32
      %dma_start3A_93 = tpu.memref_slice %arg15[%dma_start3A_92] : memref<36864xi32, #tpu.memory_space<vmem>> -> memref<9216xi32, #tpu.memory_space<vmem>>
      %dma_start3A_94 = arith.constant 0 : i32
      %dma_start3A_95 = tpu.memref_slice %arg10[%dma_start3A_94] : memref<147456xf32, #tpu.memory_space<vmem_shared>> -> memref<147456xf32, #tpu.memory_space<vmem_shared>>
      tpu.enqueue_indirect_dma source(%arg17 : memref<9216xf32, #tpu.memory_space<vmem>>) target(%dma_start3A_95 : memref<147456xf32, #tpu.memory_space<vmem_shared>>) offsets(%dma_start3A_93 : memref<9216xi32, #tpu.memory_space<vmem>>) semaphore(%arg21 : memref<!tpu.dma_semaphore, #tpu.memory_space<semaphore_mem>>) {add = true}
      %dma_wait3A_96 = arith.constant 0 : i32
      %dma_wait3A_97 = tpu.memref_slice %arg15[%dma_wait3A_96] : memref<36864xi32, #tpu.memory_space<vmem>> -> memref<9216xi32, #tpu.memory_space<vmem>>
      %dma_wait3A_98 = arith.constant 0 : i32
      %dma_wait3A_99 = tpu.memref_slice %arg9[%dma_wait3A_98] : memref<147456xf32, #tpu.memory_space<vmem_shared>> -> memref<147456xf32, #tpu.memory_space<vmem_shared>>
      tpu.wait_indirect_dma semaphore(%arg20 : memref<!tpu.dma_semaphore, #tpu.memory_space<semaphore_mem>>) src(%arg16 : memref<9216xf32, #tpu.memory_space<vmem>>) dst(%dma_wait3A_99 : memref<147456xf32, #tpu.memory_space<vmem_shared>>)
      %dma_start3A_100 = arith.constant 0 : i32
      %dma_start3A_101 = arith.constant 4 : i32
      %dma_start3A_102 = tpu.memref_slice %arg2[%arg0, %scan3A_29, %dma_start3A_100, %dma_start3A_101, %mul3A_0] : memref<2x12x4x8x147456xf32, #tpu.memory_space<hbm>> -> memref<1x1x1x1x9216xf32, #tpu.memory_space<hbm>>
      %dma_start3A_103 = tpu.memref_squeeze %dma_start3A_102 : memref<1x1x1x1x9216xf32, #tpu.memory_space<hbm>> -> memref<9216xf32, #tpu.memory_space<hbm>>
      %dma_start3A_104 = tpu.memref_slice %arg2[%arg0, %scan3A_29, %dma_start3A_100, %dma_start3A_101, %mul3A_0] : memref<2x12x4x8x147456xf32, #tpu.memory_space<hbm>> -> memref<1x1x1x1x9216xf32, #tpu.memory_space<hbm>>
      %dma_start3A_105 = tpu.memref_squeeze %dma_start3A_104 : memref<1x1x1x1x9216xf32, #tpu.memory_space<hbm>> -> memref<9216xf32, #tpu.memory_space<hbm>>
      tpu.enqueue_dma source(%dma_start3A_105 : memref<9216xf32, #tpu.memory_space<hbm>>) target(%arg16 : memref<9216xf32, #tpu.memory_space<vmem>>) target_semaphore(%arg18 : memref<!tpu.dma_semaphore, #tpu.memory_space<semaphore_mem>>)
      %dma_wait3A_106 = arith.constant 0 : i32
      %dma_wait3A_107 = arith.constant 4 : i32
      %dma_wait3A_108 = tpu.memref_slice %arg2[%arg0, %scan3A_29, %dma_wait3A_106, %dma_wait3A_107, %mul3A_0] : memref<2x12x4x8x147456xf32, #tpu.memory_space<hbm>> -> memref<1x1x1x1x9216xf32, #tpu.memory_space<hbm>>
      %dma_wait3A_109 = tpu.memref_squeeze %dma_wait3A_108 : memref<1x1x1x1x9216xf32, #tpu.memory_space<hbm>> -> memref<9216xf32, #tpu.memory_space<hbm>>
      %dma_wait3A_110 = tpu.memref_slice %arg2[%arg0, %scan3A_29, %dma_wait3A_106, %dma_wait3A_107, %mul3A_0] : memref<2x12x4x8x147456xf32, #tpu.memory_space<hbm>> -> memref<1x1x1x1x9216xf32, #tpu.memory_space<hbm>>
      %dma_wait3A_111 = tpu.memref_squeeze %dma_wait3A_110 : memref<1x1x1x1x9216xf32, #tpu.memory_space<hbm>> -> memref<9216xf32, #tpu.memory_space<hbm>>
      tpu.wait_dma2 semaphore(%arg18 : memref<!tpu.dma_semaphore, #tpu.memory_space<semaphore_mem>>) src(%dma_wait3A_111 : memref<9216xf32, #tpu.memory_space<hbm>>) dst(%arg16 : memref<9216xf32, #tpu.memory_space<vmem>>)
      %dma_start3A_112 = arith.constant 0 : i32
      %dma_start3A_113 = tpu.memref_slice %arg15[%dma_start3A_112] : memref<36864xi32, #tpu.memory_space<vmem>> -> memref<9216xi32, #tpu.memory_space<vmem>>
      %dma_start3A_114 = arith.constant 0 : i32
      %dma_start3A_115 = tpu.memref_slice %arg11[%dma_start3A_114] : memref<147456xf32, #tpu.memory_space<vmem_shared>> -> memref<147456xf32, #tpu.memory_space<vmem_shared>>
      tpu.enqueue_indirect_dma source(%arg16 : memref<9216xf32, #tpu.memory_space<vmem>>) target(%dma_start3A_115 : memref<147456xf32, #tpu.memory_space<vmem_shared>>) offsets(%dma_start3A_113 : memref<9216xi32, #tpu.memory_space<vmem>>) semaphore(%arg20 : memref<!tpu.dma_semaphore, #tpu.memory_space<semaphore_mem>>) {add = true}
      %dma_wait3A_116 = arith.constant 0 : i32
      %dma_wait3A_117 = tpu.memref_slice %arg15[%dma_wait3A_116] : memref<36864xi32, #tpu.memory_space<vmem>> -> memref<9216xi32, #tpu.memory_space<vmem>>
      %dma_wait3A_118 = arith.constant 0 : i32
      %dma_wait3A_119 = tpu.memref_slice %arg10[%dma_wait3A_118] : memref<147456xf32, #tpu.memory_space<vmem_shared>> -> memref<147456xf32, #tpu.memory_space<vmem_shared>>
      tpu.wait_indirect_dma semaphore(%arg21 : memref<!tpu.dma_semaphore, #tpu.memory_space<semaphore_mem>>) src(%arg17 : memref<9216xf32, #tpu.memory_space<vmem>>) dst(%dma_wait3A_119 : memref<147456xf32, #tpu.memory_space<vmem_shared>>)
      %dma_start3A_120 = arith.constant 0 : i32
      %dma_start3A_121 = arith.constant 5 : i32
      %dma_start3A_122 = tpu.memref_slice %arg2[%arg0, %scan3A_29, %dma_start3A_120, %dma_start3A_121, %mul3A_0] : memref<2x12x4x8x147456xf32, #tpu.memory_space<hbm>> -> memref<1x1x1x1x9216xf32, #tpu.memory_space<hbm>>
      %dma_start3A_123 = tpu.memref_squeeze %dma_start3A_122 : memref<1x1x1x1x9216xf32, #tpu.memory_space<hbm>> -> memref<9216xf32, #tpu.memory_space<hbm>>
      %dma_start3A_124 = tpu.memref_slice %arg2[%arg0, %scan3A_29, %dma_start3A_120, %dma_start3A_121, %mul3A_0] : memref<2x12x4x8x147456xf32, #tpu.memory_space<hbm>> -> memref<1x1x1x1x9216xf32, #tpu.memory_space<hbm>>
      %dma_start3A_125 = tpu.memref_squeeze %dma_start3A_124 : memref<1x1x1x1x9216xf32, #tpu.memory_space<hbm>> -> memref<9216xf32, #tpu.memory_space<hbm>>
      tpu.enqueue_dma source(%dma_start3A_125 : memref<9216xf32, #tpu.memory_space<hbm>>) target(%arg17 : memref<9216xf32, #tpu.memory_space<vmem>>) target_semaphore(%arg19 : memref<!tpu.dma_semaphore, #tpu.memory_space<semaphore_mem>>)
      %dma_wait3A_126 = arith.constant 0 : i32
      %dma_wait3A_127 = arith.constant 5 : i32
      %dma_wait3A_128 = tpu.memref_slice %arg2[%arg0, %scan3A_29, %dma_wait3A_126, %dma_wait3A_127, %mul3A_0] : memref<2x12x4x8x147456xf32, #tpu.memory_space<hbm>> -> memref<1x1x1x1x9216xf32, #tpu.memory_space<hbm>>
      %dma_wait3A_129 = tpu.memref_squeeze %dma_wait3A_128 : memref<1x1x1x1x9216xf32, #tpu.memory_space<hbm>> -> memref<9216xf32, #tpu.memory_space<hbm>>
      %dma_wait3A_130 = tpu.memref_slice %arg2[%arg0, %scan3A_29, %dma_wait3A_126, %dma_wait3A_127, %mul3A_0] : memref<2x12x4x8x147456xf32, #tpu.memory_space<hbm>> -> memref<1x1x1x1x9216xf32, #tpu.memory_space<hbm>>
      %dma_wait3A_131 = tpu.memref_squeeze %dma_wait3A_130 : memref<1x1x1x1x9216xf32, #tpu.memory_space<hbm>> -> memref<9216xf32, #tpu.memory_space<hbm>>
      tpu.wait_dma2 semaphore(%arg19 : memref<!tpu.dma_semaphore, #tpu.memory_space<semaphore_mem>>) src(%dma_wait3A_131 : memref<9216xf32, #tpu.memory_space<hbm>>) dst(%arg17 : memref<9216xf32, #tpu.memory_space<vmem>>)
      %dma_start3A_132 = arith.constant 0 : i32
      %dma_start3A_133 = tpu.memref_slice %arg15[%dma_start3A_132] : memref<36864xi32, #tpu.memory_space<vmem>> -> memref<9216xi32, #tpu.memory_space<vmem>>
      %dma_start3A_134 = arith.constant 0 : i32
      %dma_start3A_135 = tpu.memref_slice %arg12[%dma_start3A_134] : memref<147456xf32, #tpu.memory_space<vmem_shared>> -> memref<147456xf32, #tpu.memory_space<vmem_shared>>
      tpu.enqueue_indirect_dma source(%arg17 : memref<9216xf32, #tpu.memory_space<vmem>>) target(%dma_start3A_135 : memref<147456xf32, #tpu.memory_space<vmem_shared>>) offsets(%dma_start3A_133 : memref<9216xi32, #tpu.memory_space<vmem>>) semaphore(%arg21 : memref<!tpu.dma_semaphore, #tpu.memory_space<semaphore_mem>>) {add = true}
      %dma_wait3A_136 = arith.constant 0 : i32
      %dma_wait3A_137 = tpu.memref_slice %arg15[%dma_wait3A_136] : memref<36864xi32, #tpu.memory_space<vmem>> -> memref<9216xi32, #tpu.memory_space<vmem>>
      %dma_wait3A_138 = arith.constant 0 : i32
      %dma_wait3A_139 = tpu.memref_slice %arg11[%dma_wait3A_138] : memref<147456xf32, #tpu.memory_space<vmem_shared>> -> memref<147456xf32, #tpu.memory_space<vmem_shared>>
      tpu.wait_indirect_dma semaphore(%arg20 : memref<!tpu.dma_semaphore, #tpu.memory_space<semaphore_mem>>) src(%arg16 : memref<9216xf32, #tpu.memory_space<vmem>>) dst(%dma_wait3A_139 : memref<147456xf32, #tpu.memory_space<vmem_shared>>)
      %dma_start3A_140 = arith.constant 0 : i32
      %dma_start3A_141 = arith.constant 6 : i32
      %dma_start3A_142 = tpu.memref_slice %arg2[%arg0, %scan3A_29, %dma_start3A_140, %dma_start3A_141, %mul3A_0] : memref<2x12x4x8x147456xf32, #tpu.memory_space<hbm>> -> memref<1x1x1x1x9216xf32, #tpu.memory_space<hbm>>
      %dma_start3A_143 = tpu.memref_squeeze %dma_start3A_142 : memref<1x1x1x1x9216xf32, #tpu.memory_space<hbm>> -> memref<9216xf32, #tpu.memory_space<hbm>>
      %dma_start3A_144 = tpu.memref_slice %arg2[%arg0, %scan3A_29, %dma_start3A_140, %dma_start3A_141, %mul3A_0] : memref<2x12x4x8x147456xf32, #tpu.memory_space<hbm>> -> memref<1x1x1x1x9216xf32, #tpu.memory_space<hbm>>
      %dma_start3A_145 = tpu.memref_squeeze %dma_start3A_144 : memref<1x1x1x1x9216xf32, #tpu.memory_space<hbm>> -> memref<9216xf32, #tpu.memory_space<hbm>>
      tpu.enqueue_dma source(%dma_start3A_145 : memref<9216xf32, #tpu.memory_space<hbm>>) target(%arg16 : memref<9216xf32, #tpu.memory_space<vmem>>) target_semaphore(%arg18 : memref<!tpu.dma_semaphore, #tpu.memory_space<semaphore_mem>>)
      %dma_wait3A_146 = arith.constant 0 : i32
      %dma_wait3A_147 = arith.constant 6 : i32
      %dma_wait3A_148 = tpu.memref_slice %arg2[%arg0, %scan3A_29, %dma_wait3A_146, %dma_wait3A_147, %mul3A_0] : memref<2x12x4x8x147456xf32, #tpu.memory_space<hbm>> -> memref<1x1x1x1x9216xf32, #tpu.memory_space<hbm>>
      %dma_wait3A_149 = tpu.memref_squeeze %dma_wait3A_148 : memref<1x1x1x1x9216xf32, #tpu.memory_space<hbm>> -> memref<9216xf32, #tpu.memory_space<hbm>>
      %dma_wait3A_150 = tpu.memref_slice %arg2[%arg0, %scan3A_29, %dma_wait3A_146, %dma_wait3A_147, %mul3A_0] : memref<2x12x4x8x147456xf32, #tpu.memory_space<hbm>> -> memref<1x1x1x1x9216xf32, #tpu.memory_space<hbm>>
      %dma_wait3A_151 = tpu.memref_squeeze %dma_wait3A_150 : memref<1x1x1x1x9216xf32, #tpu.memory_space<hbm>> -> memref<9216xf32, #tpu.memory_space<hbm>>
      tpu.wait_dma2 semaphore(%arg18 : memref<!tpu.dma_semaphore, #tpu.memory_space<semaphore_mem>>) src(%dma_wait3A_151 : memref<9216xf32, #tpu.memory_space<hbm>>) dst(%arg16 : memref<9216xf32, #tpu.memory_space<vmem>>)
      %dma_start3A_152 = arith.constant 0 : i32
      %dma_start3A_153 = tpu.memref_slice %arg15[%dma_start3A_152] : memref<36864xi32, #tpu.memory_space<vmem>> -> memref<9216xi32, #tpu.memory_space<vmem>>
      %dma_start3A_154 = arith.constant 0 : i32
      %dma_start3A_155 = tpu.memref_slice %arg13[%dma_start3A_154] : memref<147456xf32, #tpu.memory_space<vmem_shared>> -> memref<147456xf32, #tpu.memory_space<vmem_shared>>
      tpu.enqueue_indirect_dma source(%arg16 : memref<9216xf32, #tpu.memory_space<vmem>>) target(%dma_start3A_155 : memref<147456xf32, #tpu.memory_space<vmem_shared>>) offsets(%dma_start3A_153 : memref<9216xi32, #tpu.memory_space<vmem>>) semaphore(%arg20 : memref<!tpu.dma_semaphore, #tpu.memory_space<semaphore_mem>>) {add = true}
      %dma_wait3A_156 = arith.constant 0 : i32
      %dma_wait3A_157 = tpu.memref_slice %arg15[%dma_wait3A_156] : memref<36864xi32, #tpu.memory_space<vmem>> -> memref<9216xi32, #tpu.memory_space<vmem>>
      %dma_wait3A_158 = arith.constant 0 : i32
      %dma_wait3A_159 = tpu.memref_slice %arg12[%dma_wait3A_158] : memref<147456xf32, #tpu.memory_space<vmem_shared>> -> memref<147456xf32, #tpu.memory_space<vmem_shared>>
      tpu.wait_indirect_dma semaphore(%arg21 : memref<!tpu.dma_semaphore, #tpu.memory_space<semaphore_mem>>) src(%arg17 : memref<9216xf32, #tpu.memory_space<vmem>>) dst(%dma_wait3A_159 : memref<147456xf32, #tpu.memory_space<vmem_shared>>)
      %dma_start3A_160 = arith.constant 0 : i32
      %dma_start3A_161 = arith.constant 7 : i32
      %dma_start3A_162 = tpu.memref_slice %arg2[%arg0, %scan3A_29, %dma_start3A_160, %dma_start3A_161, %mul3A_0] : memref<2x12x4x8x147456xf32, #tpu.memory_space<hbm>> -> memref<1x1x1x1x9216xf32, #tpu.memory_space<hbm>>
      %dma_start3A_163 = tpu.memref_squeeze %dma_start3A_162 : memref<1x1x1x1x9216xf32, #tpu.memory_space<hbm>> -> memref<9216xf32, #tpu.memory_space<hbm>>
      %dma_start3A_164 = tpu.memref_slice %arg2[%arg0, %scan3A_29, %dma_start3A_160, %dma_start3A_161, %mul3A_0] : memref<2x12x4x8x147456xf32, #tpu.memory_space<hbm>> -> memref<1x1x1x1x9216xf32, #tpu.memory_space<hbm>>
      %dma_start3A_165 = tpu.memref_squeeze %dma_start3A_164 : memref<1x1x1x1x9216xf32, #tpu.memory_space<hbm>> -> memref<9216xf32, #tpu.memory_space<hbm>>
      tpu.enqueue_dma source(%dma_start3A_165 : memref<9216xf32, #tpu.memory_space<hbm>>) target(%arg17 : memref<9216xf32, #tpu.memory_space<vmem>>) target_semaphore(%arg19 : memref<!tpu.dma_semaphore, #tpu.memory_space<semaphore_mem>>)
      %dma_wait3A_166 = arith.constant 0 : i32
      %dma_wait3A_167 = arith.constant 7 : i32
      %dma_wait3A_168 = tpu.memref_slice %arg2[%arg0, %scan3A_29, %dma_wait3A_166, %dma_wait3A_167, %mul3A_0] : memref<2x12x4x8x147456xf32, #tpu.memory_space<hbm>> -> memref<1x1x1x1x9216xf32, #tpu.memory_space<hbm>>
      %dma_wait3A_169 = tpu.memref_squeeze %dma_wait3A_168 : memref<1x1x1x1x9216xf32, #tpu.memory_space<hbm>> -> memref<9216xf32, #tpu.memory_space<hbm>>
      %dma_wait3A_170 = tpu.memref_slice %arg2[%arg0, %scan3A_29, %dma_wait3A_166, %dma_wait3A_167, %mul3A_0] : memref<2x12x4x8x147456xf32, #tpu.memory_space<hbm>> -> memref<1x1x1x1x9216xf32, #tpu.memory_space<hbm>>
      %dma_wait3A_171 = tpu.memref_squeeze %dma_wait3A_170 : memref<1x1x1x1x9216xf32, #tpu.memory_space<hbm>> -> memref<9216xf32, #tpu.memory_space<hbm>>
      tpu.wait_dma2 semaphore(%arg19 : memref<!tpu.dma_semaphore, #tpu.memory_space<semaphore_mem>>) src(%dma_wait3A_171 : memref<9216xf32, #tpu.memory_space<hbm>>) dst(%arg17 : memref<9216xf32, #tpu.memory_space<vmem>>)
      %dma_start3A_172 = arith.constant 0 : i32
      %dma_start3A_173 = tpu.memref_slice %arg15[%dma_start3A_172] : memref<36864xi32, #tpu.memory_space<vmem>> -> memref<9216xi32, #tpu.memory_space<vmem>>
      %dma_start3A_174 = arith.constant 0 : i32
      %dma_start3A_175 = tpu.memref_slice %arg14[%dma_start3A_174] : memref<147456xf32, #tpu.memory_space<vmem_shared>> -> memref<147456xf32, #tpu.memory_space<vmem_shared>>
      tpu.enqueue_indirect_dma source(%arg17 : memref<9216xf32, #tpu.memory_space<vmem>>) target(%dma_start3A_175 : memref<147456xf32, #tpu.memory_space<vmem_shared>>) offsets(%dma_start3A_173 : memref<9216xi32, #tpu.memory_space<vmem>>) semaphore(%arg21 : memref<!tpu.dma_semaphore, #tpu.memory_space<semaphore_mem>>) {add = true}
      %dma_wait3A_176 = arith.constant 0 : i32
      %dma_wait3A_177 = tpu.memref_slice %arg15[%dma_wait3A_176] : memref<36864xi32, #tpu.memory_space<vmem>> -> memref<9216xi32, #tpu.memory_space<vmem>>
      %dma_wait3A_178 = arith.constant 0 : i32
      %dma_wait3A_179 = tpu.memref_slice %arg13[%dma_wait3A_178] : memref<147456xf32, #tpu.memory_space<vmem_shared>> -> memref<147456xf32, #tpu.memory_space<vmem_shared>>
      tpu.wait_indirect_dma semaphore(%arg20 : memref<!tpu.dma_semaphore, #tpu.memory_space<semaphore_mem>>) src(%arg16 : memref<9216xf32, #tpu.memory_space<vmem>>) dst(%dma_wait3A_179 : memref<147456xf32, #tpu.memory_space<vmem_shared>>)
      %dma_start3A_180 = arith.constant 1 : i32
      %dma_start3A_181 = arith.constant 0 : i32
      %dma_start3A_182 = tpu.memref_slice %arg2[%arg0, %scan3A_29, %dma_start3A_180, %dma_start3A_181, %mul3A_0] : memref<2x12x4x8x147456xf32, #tpu.memory_space<hbm>> -> memref<1x1x1x1x9216xf32, #tpu.memory_space<hbm>>
      %dma_start3A_183 = tpu.memref_squeeze %dma_start3A_182 : memref<1x1x1x1x9216xf32, #tpu.memory_space<hbm>> -> memref<9216xf32, #tpu.memory_space<hbm>>
      %dma_start3A_184 = tpu.memref_slice %arg2[%arg0, %scan3A_29, %dma_start3A_180, %dma_start3A_181, %mul3A_0] : memref<2x12x4x8x147456xf32, #tpu.memory_space<hbm>> -> memref<1x1x1x1x9216xf32, #tpu.memory_space<hbm>>
      %dma_start3A_185 = tpu.memref_squeeze %dma_start3A_184 : memref<1x1x1x1x9216xf32, #tpu.memory_space<hbm>> -> memref<9216xf32, #tpu.memory_space<hbm>>
      tpu.enqueue_dma source(%dma_start3A_185 : memref<9216xf32, #tpu.memory_space<hbm>>) target(%arg16 : memref<9216xf32, #tpu.memory_space<vmem>>) target_semaphore(%arg18 : memref<!tpu.dma_semaphore, #tpu.memory_space<semaphore_mem>>)
      %dma_wait3A_186 = arith.constant 1 : i32
      %dma_wait3A_187 = arith.constant 0 : i32
      %dma_wait3A_188 = tpu.memref_slice %arg2[%arg0, %scan3A_29, %dma_wait3A_186, %dma_wait3A_187, %mul3A_0] : memref<2x12x4x8x147456xf32, #tpu.memory_space<hbm>> -> memref<1x1x1x1x9216xf32, #tpu.memory_space<hbm>>
      %dma_wait3A_189 = tpu.memref_squeeze %dma_wait3A_188 : memref<1x1x1x1x9216xf32, #tpu.memory_space<hbm>> -> memref<9216xf32, #tpu.memory_space<hbm>>
      %dma_wait3A_190 = tpu.memref_slice %arg2[%arg0, %scan3A_29, %dma_wait3A_186, %dma_wait3A_187, %mul3A_0] : memref<2x12x4x8x147456xf32, #tpu.memory_space<hbm>> -> memref<1x1x1x1x9216xf32, #tpu.memory_space<hbm>>
      %dma_wait3A_191 = tpu.memref_squeeze %dma_wait3A_190 : memref<1x1x1x1x9216xf32, #tpu.memory_space<hbm>> -> memref<9216xf32, #tpu.memory_space<hbm>>
      tpu.wait_dma2 semaphore(%arg18 : memref<!tpu.dma_semaphore, #tpu.memory_space<semaphore_mem>>) src(%dma_wait3A_191 : memref<9216xf32, #tpu.memory_space<hbm>>) dst(%arg16 : memref<9216xf32, #tpu.memory_space<vmem>>)
      %dma_start3A_192 = arith.constant 9216 : i32
      %dma_start3A_193 = tpu.memref_slice %arg15[%dma_start3A_192] : memref<36864xi32, #tpu.memory_space<vmem>> -> memref<9216xi32, #tpu.memory_space<vmem>>
      %dma_start3A_194 = arith.constant 0 : i32
      %dma_start3A_195 = tpu.memref_slice %arg7[%dma_start3A_194] : memref<147456xf32, #tpu.memory_space<vmem_shared>> -> memref<147456xf32, #tpu.memory_space<vmem_shared>>
      tpu.enqueue_indirect_dma source(%arg16 : memref<9216xf32, #tpu.memory_space<vmem>>) target(%dma_start3A_195 : memref<147456xf32, #tpu.memory_space<vmem_shared>>) offsets(%dma_start3A_193 : memref<9216xi32, #tpu.memory_space<vmem>>) semaphore(%arg20 : memref<!tpu.dma_semaphore, #tpu.memory_space<semaphore_mem>>) {add = true}
      %dma_wait3A_196 = arith.constant 0 : i32
      %dma_wait3A_197 = tpu.memref_slice %arg15[%dma_wait3A_196] : memref<36864xi32, #tpu.memory_space<vmem>> -> memref<9216xi32, #tpu.memory_space<vmem>>
      %dma_wait3A_198 = arith.constant 0 : i32
      %dma_wait3A_199 = tpu.memref_slice %arg14[%dma_wait3A_198] : memref<147456xf32, #tpu.memory_space<vmem_shared>> -> memref<147456xf32, #tpu.memory_space<vmem_shared>>
      tpu.wait_indirect_dma semaphore(%arg21 : memref<!tpu.dma_semaphore, #tpu.memory_space<semaphore_mem>>) src(%arg17 : memref<9216xf32, #tpu.memory_space<vmem>>) dst(%dma_wait3A_199 : memref<147456xf32, #tpu.memory_space<vmem_shared>>)
      %dma_start3A_200 = arith.constant 1 : i32
      %dma_start3A_201 = arith.constant 1 : i32
      %dma_start3A_202 = tpu.memref_slice %arg2[%arg0, %scan3A_29, %dma_start3A_200, %dma_start3A_201, %mul3A_0] : memref<2x12x4x8x147456xf32, #tpu.memory_space<hbm>> -> memref<1x1x1x1x9216xf32, #tpu.memory_space<hbm>>
      %dma_start3A_203 = tpu.memref_squeeze %dma_start3A_202 : memref<1x1x1x1x9216xf32, #tpu.memory_space<hbm>> -> memref<9216xf32, #tpu.memory_space<hbm>>
      %dma_start3A_204 = tpu.memref_slice %arg2[%arg0, %scan3A_29, %dma_start3A_200, %dma_start3A_201, %mul3A_0] : memref<2x12x4x8x147456xf32, #tpu.memory_space<hbm>> -> memref<1x1x1x1x9216xf32, #tpu.memory_space<hbm>>
      %dma_start3A_205 = tpu.memref_squeeze %dma_start3A_204 : memref<1x1x1x1x9216xf32, #tpu.memory_space<hbm>> -> memref<9216xf32, #tpu.memory_space<hbm>>
      tpu.enqueue_dma source(%dma_start3A_205 : memref<9216xf32, #tpu.memory_space<hbm>>) target(%arg17 : memref<9216xf32, #tpu.memory_space<vmem>>) target_semaphore(%arg19 : memref<!tpu.dma_semaphore, #tpu.memory_space<semaphore_mem>>)
      %dma_wait3A_206 = arith.constant 1 : i32
      %dma_wait3A_207 = arith.constant 1 : i32
      %dma_wait3A_208 = tpu.memref_slice %arg2[%arg0, %scan3A_29, %dma_wait3A_206, %dma_wait3A_207, %mul3A_0] : memref<2x12x4x8x147456xf32, #tpu.memory_space<hbm>> -> memref<1x1x1x1x9216xf32, #tpu.memory_space<hbm>>
      %dma_wait3A_209 = tpu.memref_squeeze %dma_wait3A_208 : memref<1x1x1x1x9216xf32, #tpu.memory_space<hbm>> -> memref<9216xf32, #tpu.memory_space<hbm>>
      %dma_wait3A_210 = tpu.memref_slice %arg2[%arg0, %scan3A_29, %dma_wait3A_206, %dma_wait3A_207, %mul3A_0] : memref<2x12x4x8x147456xf32, #tpu.memory_space<hbm>> -> memref<1x1x1x1x9216xf32, #tpu.memory_space<hbm>>
      %dma_wait3A_211 = tpu.memref_squeeze %dma_wait3A_210 : memref<1x1x1x1x9216xf32, #tpu.memory_space<hbm>> -> memref<9216xf32, #tpu.memory_space<hbm>>
      tpu.wait_dma2 semaphore(%arg19 : memref<!tpu.dma_semaphore, #tpu.memory_space<semaphore_mem>>) src(%dma_wait3A_211 : memref<9216xf32, #tpu.memory_space<hbm>>) dst(%arg17 : memref<9216xf32, #tpu.memory_space<vmem>>)
      %dma_start3A_212 = arith.constant 9216 : i32
      %dma_start3A_213 = tpu.memref_slice %arg15[%dma_start3A_212] : memref<36864xi32, #tpu.memory_space<vmem>> -> memref<9216xi32, #tpu.memory_space<vmem>>
      %dma_start3A_214 = arith.constant 0 : i32
      %dma_start3A_215 = tpu.memref_slice %arg8[%dma_start3A_214] : memref<147456xf32, #tpu.memory_space<vmem_shared>> -> memref<147456xf32, #tpu.memory_space<vmem_shared>>
      tpu.enqueue_indirect_dma source(%arg17 : memref<9216xf32, #tpu.memory_space<vmem>>) target(%dma_start3A_215 : memref<147456xf32, #tpu.memory_space<vmem_shared>>) offsets(%dma_start3A_213 : memref<9216xi32, #tpu.memory_space<vmem>>) semaphore(%arg21 : memref<!tpu.dma_semaphore, #tpu.memory_space<semaphore_mem>>) {add = true}
      %dma_wait3A_216 = arith.constant 9216 : i32
      %dma_wait3A_217 = tpu.memref_slice %arg15[%dma_wait3A_216] : memref<36864xi32, #tpu.memory_space<vmem>> -> memref<9216xi32, #tpu.memory_space<vmem>>
      %dma_wait3A_218 = arith.constant 0 : i32
      %dma_wait3A_219 = tpu.memref_slice %arg7[%dma_wait3A_218] : memref<147456xf32, #tpu.memory_space<vmem_shared>> -> memref<147456xf32, #tpu.memory_space<vmem_shared>>
      tpu.wait_indirect_dma semaphore(%arg20 : memref<!tpu.dma_semaphore, #tpu.memory_space<semaphore_mem>>) src(%arg16 : memref<9216xf32, #tpu.memory_space<vmem>>) dst(%dma_wait3A_219 : memref<147456xf32, #tpu.memory_space<vmem_shared>>)
      %dma_start3A_220 = arith.constant 1 : i32
      %dma_start3A_221 = arith.constant 2 : i32
      %dma_start3A_222 = tpu.memref_slice %arg2[%arg0, %scan3A_29, %dma_start3A_220, %dma_start3A_221, %mul3A_0] : memref<2x12x4x8x147456xf32, #tpu.memory_space<hbm>> -> memref<1x1x1x1x9216xf32, #tpu.memory_space<hbm>>
      %dma_start3A_223 = tpu.memref_squeeze %dma_start3A_222 : memref<1x1x1x1x9216xf32, #tpu.memory_space<hbm>> -> memref<9216xf32, #tpu.memory_space<hbm>>
      %dma_start3A_224 = tpu.memref_slice %arg2[%arg0, %scan3A_29, %dma_start3A_220, %dma_start3A_221, %mul3A_0] : memref<2x12x4x8x147456xf32, #tpu.memory_space<hbm>> -> memref<1x1x1x1x9216xf32, #tpu.memory_space<hbm>>
      %dma_start3A_225 = tpu.memref_squeeze %dma_start3A_224 : memref<1x1x1x1x9216xf32, #tpu.memory_space<hbm>> -> memref<9216xf32, #tpu.memory_space<hbm>>
      tpu.enqueue_dma source(%dma_start3A_225 : memref<9216xf32, #tpu.memory_space<hbm>>) target(%arg16 : memref<9216xf32, #tpu.memory_space<vmem>>) target_semaphore(%arg18 : memref<!tpu.dma_semaphore, #tpu.memory_space<semaphore_mem>>)
      %dma_wait3A_226 = arith.constant 1 : i32
      %dma_wait3A_227 = arith.constant 2 : i32
      %dma_wait3A_228 = tpu.memref_slice %arg2[%arg0, %scan3A_29, %dma_wait3A_226, %dma_wait3A_227, %mul3A_0] : memref<2x12x4x8x147456xf32, #tpu.memory_space<hbm>> -> memref<1x1x1x1x9216xf32, #tpu.memory_space<hbm>>
      %dma_wait3A_229 = tpu.memref_squeeze %dma_wait3A_228 : memref<1x1x1x1x9216xf32, #tpu.memory_space<hbm>> -> memref<9216xf32, #tpu.memory_space<hbm>>
      %dma_wait3A_230 = tpu.memref_slice %arg2[%arg0, %scan3A_29, %dma_wait3A_226, %dma_wait3A_227, %mul3A_0] : memref<2x12x4x8x147456xf32, #tpu.memory_space<hbm>> -> memref<1x1x1x1x9216xf32, #tpu.memory_space<hbm>>
      %dma_wait3A_231 = tpu.memref_squeeze %dma_wait3A_230 : memref<1x1x1x1x9216xf32, #tpu.memory_space<hbm>> -> memref<9216xf32, #tpu.memory_space<hbm>>
      tpu.wait_dma2 semaphore(%arg18 : memref<!tpu.dma_semaphore, #tpu.memory_space<semaphore_mem>>) src(%dma_wait3A_231 : memref<9216xf32, #tpu.memory_space<hbm>>) dst(%arg16 : memref<9216xf32, #tpu.memory_space<vmem>>)
      %dma_start3A_232 = arith.constant 9216 : i32
      %dma_start3A_233 = tpu.memref_slice %arg15[%dma_start3A_232] : memref<36864xi32, #tpu.memory_space<vmem>> -> memref<9216xi32, #tpu.memory_space<vmem>>
      %dma_start3A_234 = arith.constant 0 : i32
      %dma_start3A_235 = tpu.memref_slice %arg9[%dma_start3A_234] : memref<147456xf32, #tpu.memory_space<vmem_shared>> -> memref<147456xf32, #tpu.memory_space<vmem_shared>>
      tpu.enqueue_indirect_dma source(%arg16 : memref<9216xf32, #tpu.memory_space<vmem>>) target(%dma_start3A_235 : memref<147456xf32, #tpu.memory_space<vmem_shared>>) offsets(%dma_start3A_233 : memref<9216xi32, #tpu.memory_space<vmem>>) semaphore(%arg20 : memref<!tpu.dma_semaphore, #tpu.memory_space<semaphore_mem>>) {add = true}
      %dma_wait3A_236 = arith.constant 9216 : i32
      %dma_wait3A_237 = tpu.memref_slice %arg15[%dma_wait3A_236] : memref<36864xi32, #tpu.memory_space<vmem>> -> memref<9216xi32, #tpu.memory_space<vmem>>
      %dma_wait3A_238 = arith.constant 0 : i32
      %dma_wait3A_239 = tpu.memref_slice %arg8[%dma_wait3A_238] : memref<147456xf32, #tpu.memory_space<vmem_shared>> -> memref<147456xf32, #tpu.memory_space<vmem_shared>>
      tpu.wait_indirect_dma semaphore(%arg21 : memref<!tpu.dma_semaphore, #tpu.memory_space<semaphore_mem>>) src(%arg17 : memref<9216xf32, #tpu.memory_space<vmem>>) dst(%dma_wait3A_239 : memref<147456xf32, #tpu.memory_space<vmem_shared>>)
      %dma_start3A_240 = arith.constant 1 : i32
      %dma_start3A_241 = arith.constant 3 : i32
      %dma_start3A_242 = tpu.memref_slice %arg2[%arg0, %scan3A_29, %dma_start3A_240, %dma_start3A_241, %mul3A_0] : memref<2x12x4x8x147456xf32, #tpu.memory_space<hbm>> -> memref<1x1x1x1x9216xf32, #tpu.memory_space<hbm>>
      %dma_start3A_243 = tpu.memref_squeeze %dma_start3A_242 : memref<1x1x1x1x9216xf32, #tpu.memory_space<hbm>> -> memref<9216xf32, #tpu.memory_space<hbm>>
      %dma_start3A_244 = tpu.memref_slice %arg2[%arg0, %scan3A_29, %dma_start3A_240, %dma_start3A_241, %mul3A_0] : memref<2x12x4x8x147456xf32, #tpu.memory_space<hbm>> -> memref<1x1x1x1x9216xf32, #tpu.memory_space<hbm>>
      %dma_start3A_245 = tpu.memref_squeeze %dma_start3A_244 : memref<1x1x1x1x9216xf32, #tpu.memory_space<hbm>> -> memref<9216xf32, #tpu.memory_space<hbm>>
      tpu.enqueue_dma source(%dma_start3A_245 : memref<9216xf32, #tpu.memory_space<hbm>>) target(%arg17 : memref<9216xf32, #tpu.memory_space<vmem>>) target_semaphore(%arg19 : memref<!tpu.dma_semaphore, #tpu.memory_space<semaphore_mem>>)
      %dma_wait3A_246 = arith.constant 1 : i32
      %dma_wait3A_247 = arith.constant 3 : i32
      %dma_wait3A_248 = tpu.memref_slice %arg2[%arg0, %scan3A_29, %dma_wait3A_246, %dma_wait3A_247, %mul3A_0] : memref<2x12x4x8x147456xf32, #tpu.memory_space<hbm>> -> memref<1x1x1x1x9216xf32, #tpu.memory_space<hbm>>
      %dma_wait3A_249 = tpu.memref_squeeze %dma_wait3A_248 : memref<1x1x1x1x9216xf32, #tpu.memory_space<hbm>> -> memref<9216xf32, #tpu.memory_space<hbm>>
      %dma_wait3A_250 = tpu.memref_slice %arg2[%arg0, %scan3A_29, %dma_wait3A_246, %dma_wait3A_247, %mul3A_0] : memref<2x12x4x8x147456xf32, #tpu.memory_space<hbm>> -> memref<1x1x1x1x9216xf32, #tpu.memory_space<hbm>>
      %dma_wait3A_251 = tpu.memref_squeeze %dma_wait3A_250 : memref<1x1x1x1x9216xf32, #tpu.memory_space<hbm>> -> memref<9216xf32, #tpu.memory_space<hbm>>
      tpu.wait_dma2 semaphore(%arg19 : memref<!tpu.dma_semaphore, #tpu.memory_space<semaphore_mem>>) src(%dma_wait3A_251 : memref<9216xf32, #tpu.memory_space<hbm>>) dst(%arg17 : memref<9216xf32, #tpu.memory_space<vmem>>)
      %dma_start3A_252 = arith.constant 9216 : i32
      %dma_start3A_253 = tpu.memref_slice %arg15[%dma_start3A_252] : memref<36864xi32, #tpu.memory_space<vmem>> -> memref<9216xi32, #tpu.memory_space<vmem>>
      %dma_start3A_254 = arith.constant 0 : i32
      %dma_start3A_255 = tpu.memref_slice %arg10[%dma_start3A_254] : memref<147456xf32, #tpu.memory_space<vmem_shared>> -> memref<147456xf32, #tpu.memory_space<vmem_shared>>
      tpu.enqueue_indirect_dma source(%arg17 : memref<9216xf32, #tpu.memory_space<vmem>>) target(%dma_start3A_255 : memref<147456xf32, #tpu.memory_space<vmem_shared>>) offsets(%dma_start3A_253 : memref<9216xi32, #tpu.memory_space<vmem>>) semaphore(%arg21 : memref<!tpu.dma_semaphore, #tpu.memory_space<semaphore_mem>>) {add = true}
      %dma_wait3A_256 = arith.constant 9216 : i32
      %dma_wait3A_257 = tpu.memref_slice %arg15[%dma_wait3A_256] : memref<36864xi32, #tpu.memory_space<vmem>> -> memref<9216xi32, #tpu.memory_space<vmem>>
      %dma_wait3A_258 = arith.constant 0 : i32
      %dma_wait3A_259 = tpu.memref_slice %arg9[%dma_wait3A_258] : memref<147456xf32, #tpu.memory_space<vmem_shared>> -> memref<147456xf32, #tpu.memory_space<vmem_shared>>
      tpu.wait_indirect_dma semaphore(%arg20 : memref<!tpu.dma_semaphore, #tpu.memory_space<semaphore_mem>>) src(%arg16 : memref<9216xf32, #tpu.memory_space<vmem>>) dst(%dma_wait3A_259 : memref<147456xf32, #tpu.memory_space<vmem_shared>>)
      %dma_start3A_260 = arith.constant 1 : i32
      %dma_start3A_261 = arith.constant 4 : i32
      %dma_start3A_262 = tpu.memref_slice %arg2[%arg0, %scan3A_29, %dma_start3A_260, %dma_start3A_261, %mul3A_0] : memref<2x12x4x8x147456xf32, #tpu.memory_space<hbm>> -> memref<1x1x1x1x9216xf32, #tpu.memory_space<hbm>>
      %dma_start3A_263 = tpu.memref_squeeze %dma_start3A_262 : memref<1x1x1x1x9216xf32, #tpu.memory_space<hbm>> -> memref<9216xf32, #tpu.memory_space<hbm>>
      %dma_start3A_264 = tpu.memref_slice %arg2[%arg0, %scan3A_29, %dma_start3A_260, %dma_start3A_261, %mul3A_0] : memref<2x12x4x8x147456xf32, #tpu.memory_space<hbm>> -> memref<1x1x1x1x9216xf32, #tpu.memory_space<hbm>>
      %dma_start3A_265 = tpu.memref_squeeze %dma_start3A_264 : memref<1x1x1x1x9216xf32, #tpu.memory_space<hbm>> -> memref<9216xf32, #tpu.memory_space<hbm>>
      tpu.enqueue_dma source(%dma_start3A_265 : memref<9216xf32, #tpu.memory_space<hbm>>) target(%arg16 : memref<9216xf32, #tpu.memory_space<vmem>>) target_semaphore(%arg18 : memref<!tpu.dma_semaphore, #tpu.memory_space<semaphore_mem>>)
      %dma_wait3A_266 = arith.constant 1 : i32
      %dma_wait3A_267 = arith.constant 4 : i32
      %dma_wait3A_268 = tpu.memref_slice %arg2[%arg0, %scan3A_29, %dma_wait3A_266, %dma_wait3A_267, %mul3A_0] : memref<2x12x4x8x147456xf32, #tpu.memory_space<hbm>> -> memref<1x1x1x1x9216xf32, #tpu.memory_space<hbm>>
      %dma_wait3A_269 = tpu.memref_squeeze %dma_wait3A_268 : memref<1x1x1x1x9216xf32, #tpu.memory_space<hbm>> -> memref<9216xf32, #tpu.memory_space<hbm>>
      %dma_wait3A_270 = tpu.memref_slice %arg2[%arg0, %scan3A_29, %dma_wait3A_266, %dma_wait3A_267, %mul3A_0] : memref<2x12x4x8x147456xf32, #tpu.memory_space<hbm>> -> memref<1x1x1x1x9216xf32, #tpu.memory_space<hbm>>
      %dma_wait3A_271 = tpu.memref_squeeze %dma_wait3A_270 : memref<1x1x1x1x9216xf32, #tpu.memory_space<hbm>> -> memref<9216xf32, #tpu.memory_space<hbm>>
      tpu.wait_dma2 semaphore(%arg18 : memref<!tpu.dma_semaphore, #tpu.memory_space<semaphore_mem>>) src(%dma_wait3A_271 : memref<9216xf32, #tpu.memory_space<hbm>>) dst(%arg16 : memref<9216xf32, #tpu.memory_space<vmem>>)
      %dma_start3A_272 = arith.constant 9216 : i32
      %dma_start3A_273 = tpu.memref_slice %arg15[%dma_start3A_272] : memref<36864xi32, #tpu.memory_space<vmem>> -> memref<9216xi32, #tpu.memory_space<vmem>>
      %dma_start3A_274 = arith.constant 0 : i32
      %dma_start3A_275 = tpu.memref_slice %arg11[%dma_start3A_274] : memref<147456xf32, #tpu.memory_space<vmem_shared>> -> memref<147456xf32, #tpu.memory_space<vmem_shared>>
      tpu.enqueue_indirect_dma source(%arg16 : memref<9216xf32, #tpu.memory_space<vmem>>) target(%dma_start3A_275 : memref<147456xf32, #tpu.memory_space<vmem_shared>>) offsets(%dma_start3A_273 : memref<9216xi32, #tpu.memory_space<vmem>>) semaphore(%arg20 : memref<!tpu.dma_semaphore, #tpu.memory_space<semaphore_mem>>) {add = true}
      %dma_wait3A_276 = arith.constant 9216 : i32
      %dma_wait3A_277 = tpu.memref_slice %arg15[%dma_wait3A_276] : memref<36864xi32, #tpu.memory_space<vmem>> -> memref<9216xi32, #tpu.memory_space<vmem>>
      %dma_wait3A_278 = arith.constant 0 : i32
      %dma_wait3A_279 = tpu.memref_slice %arg10[%dma_wait3A_278] : memref<147456xf32, #tpu.memory_space<vmem_shared>> -> memref<147456xf32, #tpu.memory_space<vmem_shared>>
      tpu.wait_indirect_dma semaphore(%arg21 : memref<!tpu.dma_semaphore, #tpu.memory_space<semaphore_mem>>) src(%arg17 : memref<9216xf32, #tpu.memory_space<vmem>>) dst(%dma_wait3A_279 : memref<147456xf32, #tpu.memory_space<vmem_shared>>)
      %dma_start3A_280 = arith.constant 1 : i32
      %dma_start3A_281 = arith.constant 5 : i32
      %dma_start3A_282 = tpu.memref_slice %arg2[%arg0, %scan3A_29, %dma_start3A_280, %dma_start3A_281, %mul3A_0] : memref<2x12x4x8x147456xf32, #tpu.memory_space<hbm>> -> memref<1x1x1x1x9216xf32, #tpu.memory_space<hbm>>
      %dma_start3A_283 = tpu.memref_squeeze %dma_start3A_282 : memref<1x1x1x1x9216xf32, #tpu.memory_space<hbm>> -> memref<9216xf32, #tpu.memory_space<hbm>>
      %dma_start3A_284 = tpu.memref_slice %arg2[%arg0, %scan3A_29, %dma_start3A_280, %dma_start3A_281, %mul3A_0] : memref<2x12x4x8x147456xf32, #tpu.memory_space<hbm>> -> memref<1x1x1x1x9216xf32, #tpu.memory_space<hbm>>
      %dma_start3A_285 = tpu.memref_squeeze %dma_start3A_284 : memref<1x1x1x1x9216xf32, #tpu.memory_space<hbm>> -> memref<9216xf32, #tpu.memory_space<hbm>>
      tpu.enqueue_dma source(%dma_start3A_285 : memref<9216xf32, #tpu.memory_space<hbm>>) target(%arg17 : memref<9216xf32, #tpu.memory_space<vmem>>) target_semaphore(%arg19 : memref<!tpu.dma_semaphore, #tpu.memory_space<semaphore_mem>>)
      %dma_wait3A_286 = arith.constant 1 : i32
      %dma_wait3A_287 = arith.constant 5 : i32
      %dma_wait3A_288 = tpu.memref_slice %arg2[%arg0, %scan3A_29, %dma_wait3A_286, %dma_wait3A_287, %mul3A_0] : memref<2x12x4x8x147456xf32, #tpu.memory_space<hbm>> -> memref<1x1x1x1x9216xf32, #tpu.memory_space<hbm>>
      %dma_wait3A_289 = tpu.memref_squeeze %dma_wait3A_288 : memref<1x1x1x1x9216xf32, #tpu.memory_space<hbm>> -> memref<9216xf32, #tpu.memory_space<hbm>>
      %dma_wait3A_290 = tpu.memref_slice %arg2[%arg0, %scan3A_29, %dma_wait3A_286, %dma_wait3A_287, %mul3A_0] : memref<2x12x4x8x147456xf32, #tpu.memory_space<hbm>> -> memref<1x1x1x1x9216xf32, #tpu.memory_space<hbm>>
      %dma_wait3A_291 = tpu.memref_squeeze %dma_wait3A_290 : memref<1x1x1x1x9216xf32, #tpu.memory_space<hbm>> -> memref<9216xf32, #tpu.memory_space<hbm>>
      tpu.wait_dma2 semaphore(%arg19 : memref<!tpu.dma_semaphore, #tpu.memory_space<semaphore_mem>>) src(%dma_wait3A_291 : memref<9216xf32, #tpu.memory_space<hbm>>) dst(%arg17 : memref<9216xf32, #tpu.memory_space<vmem>>)
      %dma_start3A_292 = arith.constant 9216 : i32
      %dma_start3A_293 = tpu.memref_slice %arg15[%dma_start3A_292] : memref<36864xi32, #tpu.memory_space<vmem>> -> memref<9216xi32, #tpu.memory_space<vmem>>
      %dma_start3A_294 = arith.constant 0 : i32
      %dma_start3A_295 = tpu.memref_slice %arg12[%dma_start3A_294] : memref<147456xf32, #tpu.memory_space<vmem_shared>> -> memref<147456xf32, #tpu.memory_space<vmem_shared>>
      tpu.enqueue_indirect_dma source(%arg17 : memref<9216xf32, #tpu.memory_space<vmem>>) target(%dma_start3A_295 : memref<147456xf32, #tpu.memory_space<vmem_shared>>) offsets(%dma_start3A_293 : memref<9216xi32, #tpu.memory_space<vmem>>) semaphore(%arg21 : memref<!tpu.dma_semaphore, #tpu.memory_space<semaphore_mem>>) {add = true}
      %dma_wait3A_296 = arith.constant 9216 : i32
      %dma_wait3A_297 = tpu.memref_slice %arg15[%dma_wait3A_296] : memref<36864xi32, #tpu.memory_space<vmem>> -> memref<9216xi32, #tpu.memory_space<vmem>>
      %dma_wait3A_298 = arith.constant 0 : i32
      %dma_wait3A_299 = tpu.memref_slice %arg11[%dma_wait3A_298] : memref<147456xf32, #tpu.memory_space<vmem_shared>> -> memref<147456xf32, #tpu.memory_space<vmem_shared>>
      tpu.wait_indirect_dma semaphore(%arg20 : memref<!tpu.dma_semaphore, #tpu.memory_space<semaphore_mem>>) src(%arg16 : memref<9216xf32, #tpu.memory_space<vmem>>) dst(%dma_wait3A_299 : memref<147456xf32, #tpu.memory_space<vmem_shared>>)
      %dma_start3A_300 = arith.constant 1 : i32
      %dma_start3A_301 = arith.constant 6 : i32
      %dma_start3A_302 = tpu.memref_slice %arg2[%arg0, %scan3A_29, %dma_start3A_300, %dma_start3A_301, %mul3A_0] : memref<2x12x4x8x147456xf32, #tpu.memory_space<hbm>> -> memref<1x1x1x1x9216xf32, #tpu.memory_space<hbm>>
      %dma_start3A_303 = tpu.memref_squeeze %dma_start3A_302 : memref<1x1x1x1x9216xf32, #tpu.memory_space<hbm>> -> memref<9216xf32, #tpu.memory_space<hbm>>
      %dma_start3A_304 = tpu.memref_slice %arg2[%arg0, %scan3A_29, %dma_start3A_300, %dma_start3A_301, %mul3A_0] : memref<2x12x4x8x147456xf32, #tpu.memory_space<hbm>> -> memref<1x1x1x1x9216xf32, #tpu.memory_space<hbm>>
      %dma_start3A_305 = tpu.memref_squeeze %dma_start3A_304 : memref<1x1x1x1x9216xf32, #tpu.memory_space<hbm>> -> memref<9216xf32, #tpu.memory_space<hbm>>
      tpu.enqueue_dma source(%dma_start3A_305 : memref<9216xf32, #tpu.memory_space<hbm>>) target(%arg16 : memref<9216xf32, #tpu.memory_space<vmem>>) target_semaphore(%arg18 : memref<!tpu.dma_semaphore, #tpu.memory_space<semaphore_mem>>)
      %dma_wait3A_306 = arith.constant 1 : i32
      %dma_wait3A_307 = arith.constant 6 : i32
      %dma_wait3A_308 = tpu.memref_slice %arg2[%arg0, %scan3A_29, %dma_wait3A_306, %dma_wait3A_307, %mul3A_0] : memref<2x12x4x8x147456xf32, #tpu.memory_space<hbm>> -> memref<1x1x1x1x9216xf32, #tpu.memory_space<hbm>>
      %dma_wait3A_309 = tpu.memref_squeeze %dma_wait3A_308 : memref<1x1x1x1x9216xf32, #tpu.memory_space<hbm>> -> memref<9216xf32, #tpu.memory_space<hbm>>
      %dma_wait3A_310 = tpu.memref_slice %arg2[%arg0, %scan3A_29, %dma_wait3A_306, %dma_wait3A_307, %mul3A_0] : memref<2x12x4x8x147456xf32, #tpu.memory_space<hbm>> -> memref<1x1x1x1x9216xf32, #tpu.memory_space<hbm>>
      %dma_wait3A_311 = tpu.memref_squeeze %dma_wait3A_310 : memref<1x1x1x1x9216xf32, #tpu.memory_space<hbm>> -> memref<9216xf32, #tpu.memory_space<hbm>>
      tpu.wait_dma2 semaphore(%arg18 : memref<!tpu.dma_semaphore, #tpu.memory_space<semaphore_mem>>) src(%dma_wait3A_311 : memref<9216xf32, #tpu.memory_space<hbm>>) dst(%arg16 : memref<9216xf32, #tpu.memory_space<vmem>>)
      %dma_start3A_312 = arith.constant 9216 : i32
      %dma_start3A_313 = tpu.memref_slice %arg15[%dma_start3A_312] : memref<36864xi32, #tpu.memory_space<vmem>> -> memref<9216xi32, #tpu.memory_space<vmem>>
      %dma_start3A_314 = arith.constant 0 : i32
      %dma_start3A_315 = tpu.memref_slice %arg13[%dma_start3A_314] : memref<147456xf32, #tpu.memory_space<vmem_shared>> -> memref<147456xf32, #tpu.memory_space<vmem_shared>>
      tpu.enqueue_indirect_dma source(%arg16 : memref<9216xf32, #tpu.memory_space<vmem>>) target(%dma_start3A_315 : memref<147456xf32, #tpu.memory_space<vmem_shared>>) offsets(%dma_start3A_313 : memref<9216xi32, #tpu.memory_space<vmem>>) semaphore(%arg20 : memref<!tpu.dma_semaphore, #tpu.memory_space<semaphore_mem>>) {add = true}
      %dma_wait3A_316 = arith.constant 9216 : i32
      %dma_wait3A_317 = tpu.memref_slice %arg15[%dma_wait3A_316] : memref<36864xi32, #tpu.memory_space<vmem>> -> memref<9216xi32, #tpu.memory_space<vmem>>
      %dma_wait3A_318 = arith.constant 0 : i32
      %dma_wait3A_319 = tpu.memref_slice %arg12[%dma_wait3A_318] : memref<147456xf32, #tpu.memory_space<vmem_shared>> -> memref<147456xf32, #tpu.memory_space<vmem_shared>>
      tpu.wait_indirect_dma semaphore(%arg21 : memref<!tpu.dma_semaphore, #tpu.memory_space<semaphore_mem>>) src(%arg17 : memref<9216xf32, #tpu.memory_space<vmem>>) dst(%dma_wait3A_319 : memref<147456xf32, #tpu.memory_space<vmem_shared>>)
      %dma_start3A_320 = arith.constant 1 : i32
      %dma_start3A_321 = arith.constant 7 : i32
      %dma_start3A_322 = tpu.memref_slice %arg2[%arg0, %scan3A_29, %dma_start3A_320, %dma_start3A_321, %mul3A_0] : memref<2x12x4x8x147456xf32, #tpu.memory_space<hbm>> -> memref<1x1x1x1x9216xf32, #tpu.memory_space<hbm>>
      %dma_start3A_323 = tpu.memref_squeeze %dma_start3A_322 : memref<1x1x1x1x9216xf32, #tpu.memory_space<hbm>> -> memref<9216xf32, #tpu.memory_space<hbm>>
      %dma_start3A_324 = tpu.memref_slice %arg2[%arg0, %scan3A_29, %dma_start3A_320, %dma_start3A_321, %mul3A_0] : memref<2x12x4x8x147456xf32, #tpu.memory_space<hbm>> -> memref<1x1x1x1x9216xf32, #tpu.memory_space<hbm>>
      %dma_start3A_325 = tpu.memref_squeeze %dma_start3A_324 : memref<1x1x1x1x9216xf32, #tpu.memory_space<hbm>> -> memref<9216xf32, #tpu.memory_space<hbm>>
      tpu.enqueue_dma source(%dma_start3A_325 : memref<9216xf32, #tpu.memory_space<hbm>>) target(%arg17 : memref<9216xf32, #tpu.memory_space<vmem>>) target_semaphore(%arg19 : memref<!tpu.dma_semaphore, #tpu.memory_space<semaphore_mem>>)
      %dma_wait3A_326 = arith.constant 1 : i32
      %dma_wait3A_327 = arith.constant 7 : i32
      %dma_wait3A_328 = tpu.memref_slice %arg2[%arg0, %scan3A_29, %dma_wait3A_326, %dma_wait3A_327, %mul3A_0] : memref<2x12x4x8x147456xf32, #tpu.memory_space<hbm>> -> memref<1x1x1x1x9216xf32, #tpu.memory_space<hbm>>
      %dma_wait3A_329 = tpu.memref_squeeze %dma_wait3A_328 : memref<1x1x1x1x9216xf32, #tpu.memory_space<hbm>> -> memref<9216xf32, #tpu.memory_space<hbm>>
      %dma_wait3A_330 = tpu.memref_slice %arg2[%arg0, %scan3A_29, %dma_wait3A_326, %dma_wait3A_327, %mul3A_0] : memref<2x12x4x8x147456xf32, #tpu.memory_space<hbm>> -> memref<1x1x1x1x9216xf32, #tpu.memory_space<hbm>>
      %dma_wait3A_331 = tpu.memref_squeeze %dma_wait3A_330 : memref<1x1x1x1x9216xf32, #tpu.memory_space<hbm>> -> memref<9216xf32, #tpu.memory_space<hbm>>
      tpu.wait_dma2 semaphore(%arg19 : memref<!tpu.dma_semaphore, #tpu.memory_space<semaphore_mem>>) src(%dma_wait3A_331 : memref<9216xf32, #tpu.memory_space<hbm>>) dst(%arg17 : memref<9216xf32, #tpu.memory_space<vmem>>)
      %dma_start3A_332 = arith.constant 9216 : i32
      %dma_start3A_333 = tpu.memref_slice %arg15[%dma_start3A_332] : memref<36864xi32, #tpu.memory_space<vmem>> -> memref<9216xi32, #tpu.memory_space<vmem>>
      %dma_start3A_334 = arith.constant 0 : i32
      %dma_start3A_335 = tpu.memref_slice %arg14[%dma_start3A_334] : memref<147456xf32, #tpu.memory_space<vmem_shared>> -> memref<147456xf32, #tpu.memory_space<vmem_shared>>
      tpu.enqueue_indirect_dma source(%arg17 : memref<9216xf32, #tpu.memory_space<vmem>>) target(%dma_start3A_335 : memref<147456xf32, #tpu.memory_space<vmem_shared>>) offsets(%dma_start3A_333 : memref<9216xi32, #tpu.memory_space<vmem>>) semaphore(%arg21 : memref<!tpu.dma_semaphore, #tpu.memory_space<semaphore_mem>>) {add = true}
      %dma_wait3A_336 = arith.constant 9216 : i32
      %dma_wait3A_337 = tpu.memref_slice %arg15[%dma_wait3A_336] : memref<36864xi32, #tpu.memory_space<vmem>> -> memref<9216xi32, #tpu.memory_space<vmem>>
      %dma_wait3A_338 = arith.constant 0 : i32
      %dma_wait3A_339 = tpu.memref_slice %arg13[%dma_wait3A_338] : memref<147456xf32, #tpu.memory_space<vmem_shared>> -> memref<147456xf32, #tpu.memory_space<vmem_shared>>
      tpu.wait_indirect_dma semaphore(%arg20 : memref<!tpu.dma_semaphore, #tpu.memory_space<semaphore_mem>>) src(%arg16 : memref<9216xf32, #tpu.memory_space<vmem>>) dst(%dma_wait3A_339 : memref<147456xf32, #tpu.memory_space<vmem_shared>>)
      %dma_start3A_340 = arith.constant 2 : i32
      %dma_start3A_341 = arith.constant 0 : i32
      %dma_start3A_342 = tpu.memref_slice %arg2[%arg0, %scan3A_29, %dma_start3A_340, %dma_start3A_341, %mul3A_0] : memref<2x12x4x8x147456xf32, #tpu.memory_space<hbm>> -> memref<1x1x1x1x9216xf32, #tpu.memory_space<hbm>>
      %dma_start3A_343 = tpu.memref_squeeze %dma_start3A_342 : memref<1x1x1x1x9216xf32, #tpu.memory_space<hbm>> -> memref<9216xf32, #tpu.memory_space<hbm>>
      %dma_start3A_344 = tpu.memref_slice %arg2[%arg0, %scan3A_29, %dma_start3A_340, %dma_start3A_341, %mul3A_0] : memref<2x12x4x8x147456xf32, #tpu.memory_space<hbm>> -> memref<1x1x1x1x9216xf32, #tpu.memory_space<hbm>>
      %dma_start3A_345 = tpu.memref_squeeze %dma_start3A_344 : memref<1x1x1x1x9216xf32, #tpu.memory_space<hbm>> -> memref<9216xf32, #tpu.memory_space<hbm>>
      tpu.enqueue_dma source(%dma_start3A_345 : memref<9216xf32, #tpu.memory_space<hbm>>) target(%arg16 : memref<9216xf32, #tpu.memory_space<vmem>>) target_semaphore(%arg18 : memref<!tpu.dma_semaphore, #tpu.memory_space<semaphore_mem>>)
      %dma_wait3A_346 = arith.constant 2 : i32
      %dma_wait3A_347 = arith.constant 0 : i32
      %dma_wait3A_348 = tpu.memref_slice %arg2[%arg0, %scan3A_29, %dma_wait3A_346, %dma_wait3A_347, %mul3A_0] : memref<2x12x4x8x147456xf32, #tpu.memory_space<hbm>> -> memref<1x1x1x1x9216xf32, #tpu.memory_space<hbm>>
      %dma_wait3A_349 = tpu.memref_squeeze %dma_wait3A_348 : memref<1x1x1x1x9216xf32, #tpu.memory_space<hbm>> -> memref<9216xf32, #tpu.memory_space<hbm>>
      %dma_wait3A_350 = tpu.memref_slice %arg2[%arg0, %scan3A_29, %dma_wait3A_346, %dma_wait3A_347, %mul3A_0] : memref<2x12x4x8x147456xf32, #tpu.memory_space<hbm>> -> memref<1x1x1x1x9216xf32, #tpu.memory_space<hbm>>
      %dma_wait3A_351 = tpu.memref_squeeze %dma_wait3A_350 : memref<1x1x1x1x9216xf32, #tpu.memory_space<hbm>> -> memref<9216xf32, #tpu.memory_space<hbm>>
      tpu.wait_dma2 semaphore(%arg18 : memref<!tpu.dma_semaphore, #tpu.memory_space<semaphore_mem>>) src(%dma_wait3A_351 : memref<9216xf32, #tpu.memory_space<hbm>>) dst(%arg16 : memref<9216xf32, #tpu.memory_space<vmem>>)
      %dma_start3A_352 = arith.constant 18432 : i32
      %dma_start3A_353 = tpu.memref_slice %arg15[%dma_start3A_352] : memref<36864xi32, #tpu.memory_space<vmem>> -> memref<9216xi32, #tpu.memory_space<vmem>>
      %dma_start3A_354 = arith.constant 0 : i32
      %dma_start3A_355 = tpu.memref_slice %arg7[%dma_start3A_354] : memref<147456xf32, #tpu.memory_space<vmem_shared>> -> memref<147456xf32, #tpu.memory_space<vmem_shared>>
      tpu.enqueue_indirect_dma source(%arg16 : memref<9216xf32, #tpu.memory_space<vmem>>) target(%dma_start3A_355 : memref<147456xf32, #tpu.memory_space<vmem_shared>>) offsets(%dma_start3A_353 : memref<9216xi32, #tpu.memory_space<vmem>>) semaphore(%arg20 : memref<!tpu.dma_semaphore, #tpu.memory_space<semaphore_mem>>) {add = true}
      %dma_wait3A_356 = arith.constant 9216 : i32
      %dma_wait3A_357 = tpu.memref_slice %arg15[%dma_wait3A_356] : memref<36864xi32, #tpu.memory_space<vmem>> -> memref<9216xi32, #tpu.memory_space<vmem>>
      %dma_wait3A_358 = arith.constant 0 : i32
      %dma_wait3A_359 = tpu.memref_slice %arg14[%dma_wait3A_358] : memref<147456xf32, #tpu.memory_space<vmem_shared>> -> memref<147456xf32, #tpu.memory_space<vmem_shared>>
      tpu.wait_indirect_dma semaphore(%arg21 : memref<!tpu.dma_semaphore, #tpu.memory_space<semaphore_mem>>) src(%arg17 : memref<9216xf32, #tpu.memory_space<vmem>>) dst(%dma_wait3A_359 : memref<147456xf32, #tpu.memory_space<vmem_shared>>)
      %dma_start3A_360 = arith.constant 2 : i32
      %dma_start3A_361 = arith.constant 1 : i32
      %dma_start3A_362 = tpu.memref_slice %arg2[%arg0, %scan3A_29, %dma_start3A_360, %dma_start3A_361, %mul3A_0] : memref<2x12x4x8x147456xf32, #tpu.memory_space<hbm>> -> memref<1x1x1x1x9216xf32, #tpu.memory_space<hbm>>
      %dma_start3A_363 = tpu.memref_squeeze %dma_start3A_362 : memref<1x1x1x1x9216xf32, #tpu.memory_space<hbm>> -> memref<9216xf32, #tpu.memory_space<hbm>>
      %dma_start3A_364 = tpu.memref_slice %arg2[%arg0, %scan3A_29, %dma_start3A_360, %dma_start3A_361, %mul3A_0] : memref<2x12x4x8x147456xf32, #tpu.memory_space<hbm>> -> memref<1x1x1x1x9216xf32, #tpu.memory_space<hbm>>
      %dma_start3A_365 = tpu.memref_squeeze %dma_start3A_364 : memref<1x1x1x1x9216xf32, #tpu.memory_space<hbm>> -> memref<9216xf32, #tpu.memory_space<hbm>>
      tpu.enqueue_dma source(%dma_start3A_365 : memref<9216xf32, #tpu.memory_space<hbm>>) target(%arg17 : memref<9216xf32, #tpu.memory_space<vmem>>) target_semaphore(%arg19 : memref<!tpu.dma_semaphore, #tpu.memory_space<semaphore_mem>>)
      %dma_wait3A_366 = arith.constant 2 : i32
      %dma_wait3A_367 = arith.constant 1 : i32
      %dma_wait3A_368 = tpu.memref_slice %arg2[%arg0, %scan3A_29, %dma_wait3A_366, %dma_wait3A_367, %mul3A_0] : memref<2x12x4x8x147456xf32, #tpu.memory_space<hbm>> -> memref<1x1x1x1x9216xf32, #tpu.memory_space<hbm>>
      %dma_wait3A_369 = tpu.memref_squeeze %dma_wait3A_368 : memref<1x1x1x1x9216xf32, #tpu.memory_space<hbm>> -> memref<9216xf32, #tpu.memory_space<hbm>>
      %dma_wait3A_370 = tpu.memref_slice %arg2[%arg0, %scan3A_29, %dma_wait3A_366, %dma_wait3A_367, %mul3A_0] : memref<2x12x4x8x147456xf32, #tpu.memory_space<hbm>> -> memref<1x1x1x1x9216xf32, #tpu.memory_space<hbm>>
      %dma_wait3A_371 = tpu.memref_squeeze %dma_wait3A_370 : memref<1x1x1x1x9216xf32, #tpu.memory_space<hbm>> -> memref<9216xf32, #tpu.memory_space<hbm>>
      tpu.wait_dma2 semaphore(%arg19 : memref<!tpu.dma_semaphore, #tpu.memory_space<semaphore_mem>>) src(%dma_wait3A_371 : memref<9216xf32, #tpu.memory_space<hbm>>) dst(%arg17 : memref<9216xf32, #tpu.memory_space<vmem>>)
      %dma_start3A_372 = arith.constant 18432 : i32
      %dma_start3A_373 = tpu.memref_slice %arg15[%dma_start3A_372] : memref<36864xi32, #tpu.memory_space<vmem>> -> memref<9216xi32, #tpu.memory_space<vmem>>
      %dma_start3A_374 = arith.constant 0 : i32
      %dma_start3A_375 = tpu.memref_slice %arg8[%dma_start3A_374] : memref<147456xf32, #tpu.memory_space<vmem_shared>> -> memref<147456xf32, #tpu.memory_space<vmem_shared>>
      tpu.enqueue_indirect_dma source(%arg17 : memref<9216xf32, #tpu.memory_space<vmem>>) target(%dma_start3A_375 : memref<147456xf32, #tpu.memory_space<vmem_shared>>) offsets(%dma_start3A_373 : memref<9216xi32, #tpu.memory_space<vmem>>) semaphore(%arg21 : memref<!tpu.dma_semaphore, #tpu.memory_space<semaphore_mem>>) {add = true}
      %dma_wait3A_376 = arith.constant 18432 : i32
      %dma_wait3A_377 = tpu.memref_slice %arg15[%dma_wait3A_376] : memref<36864xi32, #tpu.memory_space<vmem>> -> memref<9216xi32, #tpu.memory_space<vmem>>
      %dma_wait3A_378 = arith.constant 0 : i32
      %dma_wait3A_379 = tpu.memref_slice %arg7[%dma_wait3A_378] : memref<147456xf32, #tpu.memory_space<vmem_shared>> -> memref<147456xf32, #tpu.memory_space<vmem_shared>>
      tpu.wait_indirect_dma semaphore(%arg20 : memref<!tpu.dma_semaphore, #tpu.memory_space<semaphore_mem>>) src(%arg16 : memref<9216xf32, #tpu.memory_space<vmem>>) dst(%dma_wait3A_379 : memref<147456xf32, #tpu.memory_space<vmem_shared>>)
      %dma_start3A_380 = arith.constant 2 : i32
      %dma_start3A_381 = arith.constant 2 : i32
      %dma_start3A_382 = tpu.memref_slice %arg2[%arg0, %scan3A_29, %dma_start3A_380, %dma_start3A_381, %mul3A_0] : memref<2x12x4x8x147456xf32, #tpu.memory_space<hbm>> -> memref<1x1x1x1x9216xf32, #tpu.memory_space<hbm>>
      %dma_start3A_383 = tpu.memref_squeeze %dma_start3A_382 : memref<1x1x1x1x9216xf32, #tpu.memory_space<hbm>> -> memref<9216xf32, #tpu.memory_space<hbm>>
      %dma_start3A_384 = tpu.memref_slice %arg2[%arg0, %scan3A_29, %dma_start3A_380, %dma_start3A_381, %mul3A_0] : memref<2x12x4x8x147456xf32, #tpu.memory_space<hbm>> -> memref<1x1x1x1x9216xf32, #tpu.memory_space<hbm>>
      %dma_start3A_385 = tpu.memref_squeeze %dma_start3A_384 : memref<1x1x1x1x9216xf32, #tpu.memory_space<hbm>> -> memref<9216xf32, #tpu.memory_space<hbm>>
      tpu.enqueue_dma source(%dma_start3A_385 : memref<9216xf32, #tpu.memory_space<hbm>>) target(%arg16 : memref<9216xf32, #tpu.memory_space<vmem>>) target_semaphore(%arg18 : memref<!tpu.dma_semaphore, #tpu.memory_space<semaphore_mem>>)
      %dma_wait3A_386 = arith.constant 2 : i32
      %dma_wait3A_387 = arith.constant 2 : i32
      %dma_wait3A_388 = tpu.memref_slice %arg2[%arg0, %scan3A_29, %dma_wait3A_386, %dma_wait3A_387, %mul3A_0] : memref<2x12x4x8x147456xf32, #tpu.memory_space<hbm>> -> memref<1x1x1x1x9216xf32, #tpu.memory_space<hbm>>
      %dma_wait3A_389 = tpu.memref_squeeze %dma_wait3A_388 : memref<1x1x1x1x9216xf32, #tpu.memory_space<hbm>> -> memref<9216xf32, #tpu.memory_space<hbm>>
      %dma_wait3A_390 = tpu.memref_slice %arg2[%arg0, %scan3A_29, %dma_wait3A_386, %dma_wait3A_387, %mul3A_0] : memref<2x12x4x8x147456xf32, #tpu.memory_space<hbm>> -> memref<1x1x1x1x9216xf32, #tpu.memory_space<hbm>>
      %dma_wait3A_391 = tpu.memref_squeeze %dma_wait3A_390 : memref<1x1x1x1x9216xf32, #tpu.memory_space<hbm>> -> memref<9216xf32, #tpu.memory_space<hbm>>
      tpu.wait_dma2 semaphore(%arg18 : memref<!tpu.dma_semaphore, #tpu.memory_space<semaphore_mem>>) src(%dma_wait3A_391 : memref<9216xf32, #tpu.memory_space<hbm>>) dst(%arg16 : memref<9216xf32, #tpu.memory_space<vmem>>)
      %dma_start3A_392 = arith.constant 18432 : i32
      %dma_start3A_393 = tpu.memref_slice %arg15[%dma_start3A_392] : memref<36864xi32, #tpu.memory_space<vmem>> -> memref<9216xi32, #tpu.memory_space<vmem>>
      %dma_start3A_394 = arith.constant 0 : i32
      %dma_start3A_395 = tpu.memref_slice %arg9[%dma_start3A_394] : memref<147456xf32, #tpu.memory_space<vmem_shared>> -> memref<147456xf32, #tpu.memory_space<vmem_shared>>
      tpu.enqueue_indirect_dma source(%arg16 : memref<9216xf32, #tpu.memory_space<vmem>>) target(%dma_start3A_395 : memref<147456xf32, #tpu.memory_space<vmem_shared>>) offsets(%dma_start3A_393 : memref<9216xi32, #tpu.memory_space<vmem>>) semaphore(%arg20 : memref<!tpu.dma_semaphore, #tpu.memory_space<semaphore_mem>>) {add = true}
      %dma_wait3A_396 = arith.constant 18432 : i32
      %dma_wait3A_397 = tpu.memref_slice %arg15[%dma_wait3A_396] : memref<36864xi32, #tpu.memory_space<vmem>> -> memref<9216xi32, #tpu.memory_space<vmem>>
      %dma_wait3A_398 = arith.constant 0 : i32
      %dma_wait3A_399 = tpu.memref_slice %arg8[%dma_wait3A_398] : memref<147456xf32, #tpu.memory_space<vmem_shared>> -> memref<147456xf32, #tpu.memory_space<vmem_shared>>
      tpu.wait_indirect_dma semaphore(%arg21 : memref<!tpu.dma_semaphore, #tpu.memory_space<semaphore_mem>>) src(%arg17 : memref<9216xf32, #tpu.memory_space<vmem>>) dst(%dma_wait3A_399 : memref<147456xf32, #tpu.memory_space<vmem_shared>>)
      %dma_start3A_400 = arith.constant 2 : i32
      %dma_start3A_401 = arith.constant 3 : i32
      %dma_start3A_402 = tpu.memref_slice %arg2[%arg0, %scan3A_29, %dma_start3A_400, %dma_start3A_401, %mul3A_0] : memref<2x12x4x8x147456xf32, #tpu.memory_space<hbm>> -> memref<1x1x1x1x9216xf32, #tpu.memory_space<hbm>>
      %dma_start3A_403 = tpu.memref_squeeze %dma_start3A_402 : memref<1x1x1x1x9216xf32, #tpu.memory_space<hbm>> -> memref<9216xf32, #tpu.memory_space<hbm>>
      %dma_start3A_404 = tpu.memref_slice %arg2[%arg0, %scan3A_29, %dma_start3A_400, %dma_start3A_401, %mul3A_0] : memref<2x12x4x8x147456xf32, #tpu.memory_space<hbm>> -> memref<1x1x1x1x9216xf32, #tpu.memory_space<hbm>>
      %dma_start3A_405 = tpu.memref_squeeze %dma_start3A_404 : memref<1x1x1x1x9216xf32, #tpu.memory_space<hbm>> -> memref<9216xf32, #tpu.memory_space<hbm>>
      tpu.enqueue_dma source(%dma_start3A_405 : memref<9216xf32, #tpu.memory_space<hbm>>) target(%arg17 : memref<9216xf32, #tpu.memory_space<vmem>>) target_semaphore(%arg19 : memref<!tpu.dma_semaphore, #tpu.memory_space<semaphore_mem>>)
      %dma_wait3A_406 = arith.constant 2 : i32
      %dma_wait3A_407 = arith.constant 3 : i32
      %dma_wait3A_408 = tpu.memref_slice %arg2[%arg0, %scan3A_29, %dma_wait3A_406, %dma_wait3A_407, %mul3A_0] : memref<2x12x4x8x147456xf32, #tpu.memory_space<hbm>> -> memref<1x1x1x1x9216xf32, #tpu.memory_space<hbm>>
      %dma_wait3A_409 = tpu.memref_squeeze %dma_wait3A_408 : memref<1x1x1x1x9216xf32, #tpu.memory_space<hbm>> -> memref<9216xf32, #tpu.memory_space<hbm>>
      %dma_wait3A_410 = tpu.memref_slice %arg2[%arg0, %scan3A_29, %dma_wait3A_406, %dma_wait3A_407, %mul3A_0] : memref<2x12x4x8x147456xf32, #tpu.memory_space<hbm>> -> memref<1x1x1x1x9216xf32, #tpu.memory_space<hbm>>
      %dma_wait3A_411 = tpu.memref_squeeze %dma_wait3A_410 : memref<1x1x1x1x9216xf32, #tpu.memory_space<hbm>> -> memref<9216xf32, #tpu.memory_space<hbm>>
      tpu.wait_dma2 semaphore(%arg19 : memref<!tpu.dma_semaphore, #tpu.memory_space<semaphore_mem>>) src(%dma_wait3A_411 : memref<9216xf32, #tpu.memory_space<hbm>>) dst(%arg17 : memref<9216xf32, #tpu.memory_space<vmem>>)
      %dma_start3A_412 = arith.constant 18432 : i32
      %dma_start3A_413 = tpu.memref_slice %arg15[%dma_start3A_412] : memref<36864xi32, #tpu.memory_space<vmem>> -> memref<9216xi32, #tpu.memory_space<vmem>>
      %dma_start3A_414 = arith.constant 0 : i32
      %dma_start3A_415 = tpu.memref_slice %arg10[%dma_start3A_414] : memref<147456xf32, #tpu.memory_space<vmem_shared>> -> memref<147456xf32, #tpu.memory_space<vmem_shared>>
      tpu.enqueue_indirect_dma source(%arg17 : memref<9216xf32, #tpu.memory_space<vmem>>) target(%dma_start3A_415 : memref<147456xf32, #tpu.memory_space<vmem_shared>>) offsets(%dma_start3A_413 : memref<9216xi32, #tpu.memory_space<vmem>>) semaphore(%arg21 : memref<!tpu.dma_semaphore, #tpu.memory_space<semaphore_mem>>) {add = true}
      %dma_wait3A_416 = arith.constant 18432 : i32
      %dma_wait3A_417 = tpu.memref_slice %arg15[%dma_wait3A_416] : memref<36864xi32, #tpu.memory_space<vmem>> -> memref<9216xi32, #tpu.memory_space<vmem>>
      %dma_wait3A_418 = arith.constant 0 : i32
      %dma_wait3A_419 = tpu.memref_slice %arg9[%dma_wait3A_418] : memref<147456xf32, #tpu.memory_space<vmem_shared>> -> memref<147456xf32, #tpu.memory_space<vmem_shared>>
      tpu.wait_indirect_dma semaphore(%arg20 : memref<!tpu.dma_semaphore, #tpu.memory_space<semaphore_mem>>) src(%arg16 : memref<9216xf32, #tpu.memory_space<vmem>>) dst(%dma_wait3A_419 : memref<147456xf32, #tpu.memory_space<vmem_shared>>)
      %dma_start3A_420 = arith.constant 2 : i32
      %dma_start3A_421 = arith.constant 4 : i32
      %dma_start3A_422 = tpu.memref_slice %arg2[%arg0, %scan3A_29, %dma_start3A_420, %dma_start3A_421, %mul3A_0] : memref<2x12x4x8x147456xf32, #tpu.memory_space<hbm>> -> memref<1x1x1x1x9216xf32, #tpu.memory_space<hbm>>
      %dma_start3A_423 = tpu.memref_squeeze %dma_start3A_422 : memref<1x1x1x1x9216xf32, #tpu.memory_space<hbm>> -> memref<9216xf32, #tpu.memory_space<hbm>>
      %dma_start3A_424 = tpu.memref_slice %arg2[%arg0, %scan3A_29, %dma_start3A_420, %dma_start3A_421, %mul3A_0] : memref<2x12x4x8x147456xf32, #tpu.memory_space<hbm>> -> memref<1x1x1x1x9216xf32, #tpu.memory_space<hbm>>
      %dma_start3A_425 = tpu.memref_squeeze %dma_start3A_424 : memref<1x1x1x1x9216xf32, #tpu.memory_space<hbm>> -> memref<9216xf32, #tpu.memory_space<hbm>>
      tpu.enqueue_dma source(%dma_start3A_425 : memref<9216xf32, #tpu.memory_space<hbm>>) target(%arg16 : memref<9216xf32, #tpu.memory_space<vmem>>) target_semaphore(%arg18 : memref<!tpu.dma_semaphore, #tpu.memory_space<semaphore_mem>>)
      %dma_wait3A_426 = arith.constant 2 : i32
      %dma_wait3A_427 = arith.constant 4 : i32
      %dma_wait3A_428 = tpu.memref_slice %arg2[%arg0, %scan3A_29, %dma_wait3A_426, %dma_wait3A_427, %mul3A_0] : memref<2x12x4x8x147456xf32, #tpu.memory_space<hbm>> -> memref<1x1x1x1x9216xf32, #tpu.memory_space<hbm>>
      %dma_wait3A_429 = tpu.memref_squeeze %dma_wait3A_428 : memref<1x1x1x1x9216xf32, #tpu.memory_space<hbm>> -> memref<9216xf32, #tpu.memory_space<hbm>>
      %dma_wait3A_430 = tpu.memref_slice %arg2[%arg0, %scan3A_29, %dma_wait3A_426, %dma_wait3A_427, %mul3A_0] : memref<2x12x4x8x147456xf32, #tpu.memory_space<hbm>> -> memref<1x1x1x1x9216xf32, #tpu.memory_space<hbm>>
      %dma_wait3A_431 = tpu.memref_squeeze %dma_wait3A_430 : memref<1x1x1x1x9216xf32, #tpu.memory_space<hbm>> -> memref<9216xf32, #tpu.memory_space<hbm>>
      tpu.wait_dma2 semaphore(%arg18 : memref<!tpu.dma_semaphore, #tpu.memory_space<semaphore_mem>>) src(%dma_wait3A_431 : memref<9216xf32, #tpu.memory_space<hbm>>) dst(%arg16 : memref<9216xf32, #tpu.memory_space<vmem>>)
      %dma_start3A_432 = arith.constant 18432 : i32
      %dma_start3A_433 = tpu.memref_slice %arg15[%dma_start3A_432] : memref<36864xi32, #tpu.memory_space<vmem>> -> memref<9216xi32, #tpu.memory_space<vmem>>
      %dma_start3A_434 = arith.constant 0 : i32
      %dma_start3A_435 = tpu.memref_slice %arg11[%dma_start3A_434] : memref<147456xf32, #tpu.memory_space<vmem_shared>> -> memref<147456xf32, #tpu.memory_space<vmem_shared>>
      tpu.enqueue_indirect_dma source(%arg16 : memref<9216xf32, #tpu.memory_space<vmem>>) target(%dma_start3A_435 : memref<147456xf32, #tpu.memory_space<vmem_shared>>) offsets(%dma_start3A_433 : memref<9216xi32, #tpu.memory_space<vmem>>) semaphore(%arg20 : memref<!tpu.dma_semaphore, #tpu.memory_space<semaphore_mem>>) {add = true}
      %dma_wait3A_436 = arith.constant 18432 : i32
      %dma_wait3A_437 = tpu.memref_slice %arg15[%dma_wait3A_436] : memref<36864xi32, #tpu.memory_space<vmem>> -> memref<9216xi32, #tpu.memory_space<vmem>>
      %dma_wait3A_438 = arith.constant 0 : i32
      %dma_wait3A_439 = tpu.memref_slice %arg10[%dma_wait3A_438] : memref<147456xf32, #tpu.memory_space<vmem_shared>> -> memref<147456xf32, #tpu.memory_space<vmem_shared>>
      tpu.wait_indirect_dma semaphore(%arg21 : memref<!tpu.dma_semaphore, #tpu.memory_space<semaphore_mem>>) src(%arg17 : memref<9216xf32, #tpu.memory_space<vmem>>) dst(%dma_wait3A_439 : memref<147456xf32, #tpu.memory_space<vmem_shared>>)
      %dma_start3A_440 = arith.constant 2 : i32
      %dma_start3A_441 = arith.constant 5 : i32
      %dma_start3A_442 = tpu.memref_slice %arg2[%arg0, %scan3A_29, %dma_start3A_440, %dma_start3A_441, %mul3A_0] : memref<2x12x4x8x147456xf32, #tpu.memory_space<hbm>> -> memref<1x1x1x1x9216xf32, #tpu.memory_space<hbm>>
      %dma_start3A_443 = tpu.memref_squeeze %dma_start3A_442 : memref<1x1x1x1x9216xf32, #tpu.memory_space<hbm>> -> memref<9216xf32, #tpu.memory_space<hbm>>
      %dma_start3A_444 = tpu.memref_slice %arg2[%arg0, %scan3A_29, %dma_start3A_440, %dma_start3A_441, %mul3A_0] : memref<2x12x4x8x147456xf32, #tpu.memory_space<hbm>> -> memref<1x1x1x1x9216xf32, #tpu.memory_space<hbm>>
      %dma_start3A_445 = tpu.memref_squeeze %dma_start3A_444 : memref<1x1x1x1x9216xf32, #tpu.memory_space<hbm>> -> memref<9216xf32, #tpu.memory_space<hbm>>
      tpu.enqueue_dma source(%dma_start3A_445 : memref<9216xf32, #tpu.memory_space<hbm>>) target(%arg17 : memref<9216xf32, #tpu.memory_space<vmem>>) target_semaphore(%arg19 : memref<!tpu.dma_semaphore, #tpu.memory_space<semaphore_mem>>)
      %dma_wait3A_446 = arith.constant 2 : i32
      %dma_wait3A_447 = arith.constant 5 : i32
      %dma_wait3A_448 = tpu.memref_slice %arg2[%arg0, %scan3A_29, %dma_wait3A_446, %dma_wait3A_447, %mul3A_0] : memref<2x12x4x8x147456xf32, #tpu.memory_space<hbm>> -> memref<1x1x1x1x9216xf32, #tpu.memory_space<hbm>>
      %dma_wait3A_449 = tpu.memref_squeeze %dma_wait3A_448 : memref<1x1x1x1x9216xf32, #tpu.memory_space<hbm>> -> memref<9216xf32, #tpu.memory_space<hbm>>
      %dma_wait3A_450 = tpu.memref_slice %arg2[%arg0, %scan3A_29, %dma_wait3A_446, %dma_wait3A_447, %mul3A_0] : memref<2x12x4x8x147456xf32, #tpu.memory_space<hbm>> -> memref<1x1x1x1x9216xf32, #tpu.memory_space<hbm>>
      %dma_wait3A_451 = tpu.memref_squeeze %dma_wait3A_450 : memref<1x1x1x1x9216xf32, #tpu.memory_space<hbm>> -> memref<9216xf32, #tpu.memory_space<hbm>>
      tpu.wait_dma2 semaphore(%arg19 : memref<!tpu.dma_semaphore, #tpu.memory_space<semaphore_mem>>) src(%dma_wait3A_451 : memref<9216xf32, #tpu.memory_space<hbm>>) dst(%arg17 : memref<9216xf32, #tpu.memory_space<vmem>>)
      %dma_start3A_452 = arith.constant 18432 : i32
      %dma_start3A_453 = tpu.memref_slice %arg15[%dma_start3A_452] : memref<36864xi32, #tpu.memory_space<vmem>> -> memref<9216xi32, #tpu.memory_space<vmem>>
      %dma_start3A_454 = arith.constant 0 : i32
      %dma_start3A_455 = tpu.memref_slice %arg12[%dma_start3A_454] : memref<147456xf32, #tpu.memory_space<vmem_shared>> -> memref<147456xf32, #tpu.memory_space<vmem_shared>>
      tpu.enqueue_indirect_dma source(%arg17 : memref<9216xf32, #tpu.memory_space<vmem>>) target(%dma_start3A_455 : memref<147456xf32, #tpu.memory_space<vmem_shared>>) offsets(%dma_start3A_453 : memref<9216xi32, #tpu.memory_space<vmem>>) semaphore(%arg21 : memref<!tpu.dma_semaphore, #tpu.memory_space<semaphore_mem>>) {add = true}
      %dma_wait3A_456 = arith.constant 18432 : i32
      %dma_wait3A_457 = tpu.memref_slice %arg15[%dma_wait3A_456] : memref<36864xi32, #tpu.memory_space<vmem>> -> memref<9216xi32, #tpu.memory_space<vmem>>
      %dma_wait3A_458 = arith.constant 0 : i32
      %dma_wait3A_459 = tpu.memref_slice %arg11[%dma_wait3A_458] : memref<147456xf32, #tpu.memory_space<vmem_shared>> -> memref<147456xf32, #tpu.memory_space<vmem_shared>>
      tpu.wait_indirect_dma semaphore(%arg20 : memref<!tpu.dma_semaphore, #tpu.memory_space<semaphore_mem>>) src(%arg16 : memref<9216xf32, #tpu.memory_space<vmem>>) dst(%dma_wait3A_459 : memref<147456xf32, #tpu.memory_space<vmem_shared>>)
      %dma_start3A_460 = arith.constant 2 : i32
      %dma_start3A_461 = arith.constant 6 : i32
      %dma_start3A_462 = tpu.memref_slice %arg2[%arg0, %scan3A_29, %dma_start3A_460, %dma_start3A_461, %mul3A_0] : memref<2x12x4x8x147456xf32, #tpu.memory_space<hbm>> -> memref<1x1x1x1x9216xf32, #tpu.memory_space<hbm>>
      %dma_start3A_463 = tpu.memref_squeeze %dma_start3A_462 : memref<1x1x1x1x9216xf32, #tpu.memory_space<hbm>> -> memref<9216xf32, #tpu.memory_space<hbm>>
      %dma_start3A_464 = tpu.memref_slice %arg2[%arg0, %scan3A_29, %dma_start3A_460, %dma_start3A_461, %mul3A_0] : memref<2x12x4x8x147456xf32, #tpu.memory_space<hbm>> -> memref<1x1x1x1x9216xf32, #tpu.memory_space<hbm>>
      %dma_start3A_465 = tpu.memref_squeeze %dma_start3A_464 : memref<1x1x1x1x9216xf32, #tpu.memory_space<hbm>> -> memref<9216xf32, #tpu.memory_space<hbm>>
      tpu.enqueue_dma source(%dma_start3A_465 : memref<9216xf32, #tpu.memory_space<hbm>>) target(%arg16 : memref<9216xf32, #tpu.memory_space<vmem>>) target_semaphore(%arg18 : memref<!tpu.dma_semaphore, #tpu.memory_space<semaphore_mem>>)
      %dma_wait3A_466 = arith.constant 2 : i32
      %dma_wait3A_467 = arith.constant 6 : i32
      %dma_wait3A_468 = tpu.memref_slice %arg2[%arg0, %scan3A_29, %dma_wait3A_466, %dma_wait3A_467, %mul3A_0] : memref<2x12x4x8x147456xf32, #tpu.memory_space<hbm>> -> memref<1x1x1x1x9216xf32, #tpu.memory_space<hbm>>
      %dma_wait3A_469 = tpu.memref_squeeze %dma_wait3A_468 : memref<1x1x1x1x9216xf32, #tpu.memory_space<hbm>> -> memref<9216xf32, #tpu.memory_space<hbm>>
      %dma_wait3A_470 = tpu.memref_slice %arg2[%arg0, %scan3A_29, %dma_wait3A_466, %dma_wait3A_467, %mul3A_0] : memref<2x12x4x8x147456xf32, #tpu.memory_space<hbm>> -> memref<1x1x1x1x9216xf32, #tpu.memory_space<hbm>>
      %dma_wait3A_471 = tpu.memref_squeeze %dma_wait3A_470 : memref<1x1x1x1x9216xf32, #tpu.memory_space<hbm>> -> memref<9216xf32, #tpu.memory_space<hbm>>
      tpu.wait_dma2 semaphore(%arg18 : memref<!tpu.dma_semaphore, #tpu.memory_space<semaphore_mem>>) src(%dma_wait3A_471 : memref<9216xf32, #tpu.memory_space<hbm>>) dst(%arg16 : memref<9216xf32, #tpu.memory_space<vmem>>)
      %dma_start3A_472 = arith.constant 18432 : i32
      %dma_start3A_473 = tpu.memref_slice %arg15[%dma_start3A_472] : memref<36864xi32, #tpu.memory_space<vmem>> -> memref<9216xi32, #tpu.memory_space<vmem>>
      %dma_start3A_474 = arith.constant 0 : i32
      %dma_start3A_475 = tpu.memref_slice %arg13[%dma_start3A_474] : memref<147456xf32, #tpu.memory_space<vmem_shared>> -> memref<147456xf32, #tpu.memory_space<vmem_shared>>
      tpu.enqueue_indirect_dma source(%arg16 : memref<9216xf32, #tpu.memory_space<vmem>>) target(%dma_start3A_475 : memref<147456xf32, #tpu.memory_space<vmem_shared>>) offsets(%dma_start3A_473 : memref<9216xi32, #tpu.memory_space<vmem>>) semaphore(%arg20 : memref<!tpu.dma_semaphore, #tpu.memory_space<semaphore_mem>>) {add = true}
      %dma_wait3A_476 = arith.constant 18432 : i32
      %dma_wait3A_477 = tpu.memref_slice %arg15[%dma_wait3A_476] : memref<36864xi32, #tpu.memory_space<vmem>> -> memref<9216xi32, #tpu.memory_space<vmem>>
      %dma_wait3A_478 = arith.constant 0 : i32
      %dma_wait3A_479 = tpu.memref_slice %arg12[%dma_wait3A_478] : memref<147456xf32, #tpu.memory_space<vmem_shared>> -> memref<147456xf32, #tpu.memory_space<vmem_shared>>
      tpu.wait_indirect_dma semaphore(%arg21 : memref<!tpu.dma_semaphore, #tpu.memory_space<semaphore_mem>>) src(%arg17 : memref<9216xf32, #tpu.memory_space<vmem>>) dst(%dma_wait3A_479 : memref<147456xf32, #tpu.memory_space<vmem_shared>>)
      %dma_start3A_480 = arith.constant 2 : i32
      %dma_start3A_481 = arith.constant 7 : i32
      %dma_start3A_482 = tpu.memref_slice %arg2[%arg0, %scan3A_29, %dma_start3A_480, %dma_start3A_481, %mul3A_0] : memref<2x12x4x8x147456xf32, #tpu.memory_space<hbm>> -> memref<1x1x1x1x9216xf32, #tpu.memory_space<hbm>>
      %dma_start3A_483 = tpu.memref_squeeze %dma_start3A_482 : memref<1x1x1x1x9216xf32, #tpu.memory_space<hbm>> -> memref<9216xf32, #tpu.memory_space<hbm>>
      %dma_start3A_484 = tpu.memref_slice %arg2[%arg0, %scan3A_29, %dma_start3A_480, %dma_start3A_481, %mul3A_0] : memref<2x12x4x8x147456xf32, #tpu.memory_space<hbm>> -> memref<1x1x1x1x9216xf32, #tpu.memory_space<hbm>>
      %dma_start3A_485 = tpu.memref_squeeze %dma_start3A_484 : memref<1x1x1x1x9216xf32, #tpu.memory_space<hbm>> -> memref<9216xf32, #tpu.memory_space<hbm>>
      tpu.enqueue_dma source(%dma_start3A_485 : memref<9216xf32, #tpu.memory_space<hbm>>) target(%arg17 : memref<9216xf32, #tpu.memory_space<vmem>>) target_semaphore(%arg19 : memref<!tpu.dma_semaphore, #tpu.memory_space<semaphore_mem>>)
      %dma_wait3A_486 = arith.constant 2 : i32
      %dma_wait3A_487 = arith.constant 7 : i32
      %dma_wait3A_488 = tpu.memref_slice %arg2[%arg0, %scan3A_29, %dma_wait3A_486, %dma_wait3A_487, %mul3A_0] : memref<2x12x4x8x147456xf32, #tpu.memory_space<hbm>> -> memref<1x1x1x1x9216xf32, #tpu.memory_space<hbm>>
      %dma_wait3A_489 = tpu.memref_squeeze %dma_wait3A_488 : memref<1x1x1x1x9216xf32, #tpu.memory_space<hbm>> -> memref<9216xf32, #tpu.memory_space<hbm>>
      %dma_wait3A_490 = tpu.memref_slice %arg2[%arg0, %scan3A_29, %dma_wait3A_486, %dma_wait3A_487, %mul3A_0] : memref<2x12x4x8x147456xf32, #tpu.memory_space<hbm>> -> memref<1x1x1x1x9216xf32, #tpu.memory_space<hbm>>
      %dma_wait3A_491 = tpu.memref_squeeze %dma_wait3A_490 : memref<1x1x1x1x9216xf32, #tpu.memory_space<hbm>> -> memref<9216xf32, #tpu.memory_space<hbm>>
      tpu.wait_dma2 semaphore(%arg19 : memref<!tpu.dma_semaphore, #tpu.memory_space<semaphore_mem>>) src(%dma_wait3A_491 : memref<9216xf32, #tpu.memory_space<hbm>>) dst(%arg17 : memref<9216xf32, #tpu.memory_space<vmem>>)
      %dma_start3A_492 = arith.constant 18432 : i32
      %dma_start3A_493 = tpu.memref_slice %arg15[%dma_start3A_492] : memref<36864xi32, #tpu.memory_space<vmem>> -> memref<9216xi32, #tpu.memory_space<vmem>>
      %dma_start3A_494 = arith.constant 0 : i32
      %dma_start3A_495 = tpu.memref_slice %arg14[%dma_start3A_494] : memref<147456xf32, #tpu.memory_space<vmem_shared>> -> memref<147456xf32, #tpu.memory_space<vmem_shared>>
      tpu.enqueue_indirect_dma source(%arg17 : memref<9216xf32, #tpu.memory_space<vmem>>) target(%dma_start3A_495 : memref<147456xf32, #tpu.memory_space<vmem_shared>>) offsets(%dma_start3A_493 : memref<9216xi32, #tpu.memory_space<vmem>>) semaphore(%arg21 : memref<!tpu.dma_semaphore, #tpu.memory_space<semaphore_mem>>) {add = true}
      %dma_wait3A_496 = arith.constant 18432 : i32
      %dma_wait3A_497 = tpu.memref_slice %arg15[%dma_wait3A_496] : memref<36864xi32, #tpu.memory_space<vmem>> -> memref<9216xi32, #tpu.memory_space<vmem>>
      %dma_wait3A_498 = arith.constant 0 : i32
      %dma_wait3A_499 = tpu.memref_slice %arg13[%dma_wait3A_498] : memref<147456xf32, #tpu.memory_space<vmem_shared>> -> memref<147456xf32, #tpu.memory_space<vmem_shared>>
      tpu.wait_indirect_dma semaphore(%arg20 : memref<!tpu.dma_semaphore, #tpu.memory_space<semaphore_mem>>) src(%arg16 : memref<9216xf32, #tpu.memory_space<vmem>>) dst(%dma_wait3A_499 : memref<147456xf32, #tpu.memory_space<vmem_shared>>)
      %dma_start3A_500 = arith.constant 3 : i32
      %dma_start3A_501 = arith.constant 0 : i32
      %dma_start3A_502 = tpu.memref_slice %arg2[%arg0, %scan3A_29, %dma_start3A_500, %dma_start3A_501, %mul3A_0] : memref<2x12x4x8x147456xf32, #tpu.memory_space<hbm>> -> memref<1x1x1x1x9216xf32, #tpu.memory_space<hbm>>
      %dma_start3A_503 = tpu.memref_squeeze %dma_start3A_502 : memref<1x1x1x1x9216xf32, #tpu.memory_space<hbm>> -> memref<9216xf32, #tpu.memory_space<hbm>>
      %dma_start3A_504 = tpu.memref_slice %arg2[%arg0, %scan3A_29, %dma_start3A_500, %dma_start3A_501, %mul3A_0] : memref<2x12x4x8x147456xf32, #tpu.memory_space<hbm>> -> memref<1x1x1x1x9216xf32, #tpu.memory_space<hbm>>
      %dma_start3A_505 = tpu.memref_squeeze %dma_start3A_504 : memref<1x1x1x1x9216xf32, #tpu.memory_space<hbm>> -> memref<9216xf32, #tpu.memory_space<hbm>>
      tpu.enqueue_dma source(%dma_start3A_505 : memref<9216xf32, #tpu.memory_space<hbm>>) target(%arg16 : memref<9216xf32, #tpu.memory_space<vmem>>) target_semaphore(%arg18 : memref<!tpu.dma_semaphore, #tpu.memory_space<semaphore_mem>>)
      %dma_wait3A_506 = arith.constant 3 : i32
      %dma_wait3A_507 = arith.constant 0 : i32
      %dma_wait3A_508 = tpu.memref_slice %arg2[%arg0, %scan3A_29, %dma_wait3A_506, %dma_wait3A_507, %mul3A_0] : memref<2x12x4x8x147456xf32, #tpu.memory_space<hbm>> -> memref<1x1x1x1x9216xf32, #tpu.memory_space<hbm>>
      %dma_wait3A_509 = tpu.memref_squeeze %dma_wait3A_508 : memref<1x1x1x1x9216xf32, #tpu.memory_space<hbm>> -> memref<9216xf32, #tpu.memory_space<hbm>>
      %dma_wait3A_510 = tpu.memref_slice %arg2[%arg0, %scan3A_29, %dma_wait3A_506, %dma_wait3A_507, %mul3A_0] : memref<2x12x4x8x147456xf32, #tpu.memory_space<hbm>> -> memref<1x1x1x1x9216xf32, #tpu.memory_space<hbm>>
      %dma_wait3A_511 = tpu.memref_squeeze %dma_wait3A_510 : memref<1x1x1x1x9216xf32, #tpu.memory_space<hbm>> -> memref<9216xf32, #tpu.memory_space<hbm>>
      tpu.wait_dma2 semaphore(%arg18 : memref<!tpu.dma_semaphore, #tpu.memory_space<semaphore_mem>>) src(%dma_wait3A_511 : memref<9216xf32, #tpu.memory_space<hbm>>) dst(%arg16 : memref<9216xf32, #tpu.memory_space<vmem>>)
      %dma_start3A_512 = arith.constant 27648 : i32
      %dma_start3A_513 = tpu.memref_slice %arg15[%dma_start3A_512] : memref<36864xi32, #tpu.memory_space<vmem>> -> memref<9216xi32, #tpu.memory_space<vmem>>
      %dma_start3A_514 = arith.constant 0 : i32
      %dma_start3A_515 = tpu.memref_slice %arg7[%dma_start3A_514] : memref<147456xf32, #tpu.memory_space<vmem_shared>> -> memref<147456xf32, #tpu.memory_space<vmem_shared>>
      tpu.enqueue_indirect_dma source(%arg16 : memref<9216xf32, #tpu.memory_space<vmem>>) target(%dma_start3A_515 : memref<147456xf32, #tpu.memory_space<vmem_shared>>) offsets(%dma_start3A_513 : memref<9216xi32, #tpu.memory_space<vmem>>) semaphore(%arg20 : memref<!tpu.dma_semaphore, #tpu.memory_space<semaphore_mem>>) {add = true}
      %dma_wait3A_516 = arith.constant 18432 : i32
      %dma_wait3A_517 = tpu.memref_slice %arg15[%dma_wait3A_516] : memref<36864xi32, #tpu.memory_space<vmem>> -> memref<9216xi32, #tpu.memory_space<vmem>>
      %dma_wait3A_518 = arith.constant 0 : i32
      %dma_wait3A_519 = tpu.memref_slice %arg14[%dma_wait3A_518] : memref<147456xf32, #tpu.memory_space<vmem_shared>> -> memref<147456xf32, #tpu.memory_space<vmem_shared>>
      tpu.wait_indirect_dma semaphore(%arg21 : memref<!tpu.dma_semaphore, #tpu.memory_space<semaphore_mem>>) src(%arg17 : memref<9216xf32, #tpu.memory_space<vmem>>) dst(%dma_wait3A_519 : memref<147456xf32, #tpu.memory_space<vmem_shared>>)
      %dma_start3A_520 = arith.constant 3 : i32
      %dma_start3A_521 = arith.constant 1 : i32
      %dma_start3A_522 = tpu.memref_slice %arg2[%arg0, %scan3A_29, %dma_start3A_520, %dma_start3A_521, %mul3A_0] : memref<2x12x4x8x147456xf32, #tpu.memory_space<hbm>> -> memref<1x1x1x1x9216xf32, #tpu.memory_space<hbm>>
      %dma_start3A_523 = tpu.memref_squeeze %dma_start3A_522 : memref<1x1x1x1x9216xf32, #tpu.memory_space<hbm>> -> memref<9216xf32, #tpu.memory_space<hbm>>
      %dma_start3A_524 = tpu.memref_slice %arg2[%arg0, %scan3A_29, %dma_start3A_520, %dma_start3A_521, %mul3A_0] : memref<2x12x4x8x147456xf32, #tpu.memory_space<hbm>> -> memref<1x1x1x1x9216xf32, #tpu.memory_space<hbm>>
      %dma_start3A_525 = tpu.memref_squeeze %dma_start3A_524 : memref<1x1x1x1x9216xf32, #tpu.memory_space<hbm>> -> memref<9216xf32, #tpu.memory_space<hbm>>
      tpu.enqueue_dma source(%dma_start3A_525 : memref<9216xf32, #tpu.memory_space<hbm>>) target(%arg17 : memref<9216xf32, #tpu.memory_space<vmem>>) target_semaphore(%arg19 : memref<!tpu.dma_semaphore, #tpu.memory_space<semaphore_mem>>)
      %dma_wait3A_526 = arith.constant 3 : i32
      %dma_wait3A_527 = arith.constant 1 : i32
      %dma_wait3A_528 = tpu.memref_slice %arg2[%arg0, %scan3A_29, %dma_wait3A_526, %dma_wait3A_527, %mul3A_0] : memref<2x12x4x8x147456xf32, #tpu.memory_space<hbm>> -> memref<1x1x1x1x9216xf32, #tpu.memory_space<hbm>>
      %dma_wait3A_529 = tpu.memref_squeeze %dma_wait3A_528 : memref<1x1x1x1x9216xf32, #tpu.memory_space<hbm>> -> memref<9216xf32, #tpu.memory_space<hbm>>
      %dma_wait3A_530 = tpu.memref_slice %arg2[%arg0, %scan3A_29, %dma_wait3A_526, %dma_wait3A_527, %mul3A_0] : memref<2x12x4x8x147456xf32, #tpu.memory_space<hbm>> -> memref<1x1x1x1x9216xf32, #tpu.memory_space<hbm>>
      %dma_wait3A_531 = tpu.memref_squeeze %dma_wait3A_530 : memref<1x1x1x1x9216xf32, #tpu.memory_space<hbm>> -> memref<9216xf32, #tpu.memory_space<hbm>>
      tpu.wait_dma2 semaphore(%arg19 : memref<!tpu.dma_semaphore, #tpu.memory_space<semaphore_mem>>) src(%dma_wait3A_531 : memref<9216xf32, #tpu.memory_space<hbm>>) dst(%arg17 : memref<9216xf32, #tpu.memory_space<vmem>>)
      %dma_start3A_532 = arith.constant 27648 : i32
      %dma_start3A_533 = tpu.memref_slice %arg15[%dma_start3A_532] : memref<36864xi32, #tpu.memory_space<vmem>> -> memref<9216xi32, #tpu.memory_space<vmem>>
      %dma_start3A_534 = arith.constant 0 : i32
      %dma_start3A_535 = tpu.memref_slice %arg8[%dma_start3A_534] : memref<147456xf32, #tpu.memory_space<vmem_shared>> -> memref<147456xf32, #tpu.memory_space<vmem_shared>>
      tpu.enqueue_indirect_dma source(%arg17 : memref<9216xf32, #tpu.memory_space<vmem>>) target(%dma_start3A_535 : memref<147456xf32, #tpu.memory_space<vmem_shared>>) offsets(%dma_start3A_533 : memref<9216xi32, #tpu.memory_space<vmem>>) semaphore(%arg21 : memref<!tpu.dma_semaphore, #tpu.memory_space<semaphore_mem>>) {add = true}
      %dma_wait3A_536 = arith.constant 27648 : i32
      %dma_wait3A_537 = tpu.memref_slice %arg15[%dma_wait3A_536] : memref<36864xi32, #tpu.memory_space<vmem>> -> memref<9216xi32, #tpu.memory_space<vmem>>
      %dma_wait3A_538 = arith.constant 0 : i32
      %dma_wait3A_539 = tpu.memref_slice %arg7[%dma_wait3A_538] : memref<147456xf32, #tpu.memory_space<vmem_shared>> -> memref<147456xf32, #tpu.memory_space<vmem_shared>>
      tpu.wait_indirect_dma semaphore(%arg20 : memref<!tpu.dma_semaphore, #tpu.memory_space<semaphore_mem>>) src(%arg16 : memref<9216xf32, #tpu.memory_space<vmem>>) dst(%dma_wait3A_539 : memref<147456xf32, #tpu.memory_space<vmem_shared>>)
      %dma_start3A_540 = arith.constant 3 : i32
      %dma_start3A_541 = arith.constant 2 : i32
      %dma_start3A_542 = tpu.memref_slice %arg2[%arg0, %scan3A_29, %dma_start3A_540, %dma_start3A_541, %mul3A_0] : memref<2x12x4x8x147456xf32, #tpu.memory_space<hbm>> -> memref<1x1x1x1x9216xf32, #tpu.memory_space<hbm>>
      %dma_start3A_543 = tpu.memref_squeeze %dma_start3A_542 : memref<1x1x1x1x9216xf32, #tpu.memory_space<hbm>> -> memref<9216xf32, #tpu.memory_space<hbm>>
      %dma_start3A_544 = tpu.memref_slice %arg2[%arg0, %scan3A_29, %dma_start3A_540, %dma_start3A_541, %mul3A_0] : memref<2x12x4x8x147456xf32, #tpu.memory_space<hbm>> -> memref<1x1x1x1x9216xf32, #tpu.memory_space<hbm>>
      %dma_start3A_545 = tpu.memref_squeeze %dma_start3A_544 : memref<1x1x1x1x9216xf32, #tpu.memory_space<hbm>> -> memref<9216xf32, #tpu.memory_space<hbm>>
      tpu.enqueue_dma source(%dma_start3A_545 : memref<9216xf32, #tpu.memory_space<hbm>>) target(%arg16 : memref<9216xf32, #tpu.memory_space<vmem>>) target_semaphore(%arg18 : memref<!tpu.dma_semaphore, #tpu.memory_space<semaphore_mem>>)
      %dma_wait3A_546 = arith.constant 3 : i32
      %dma_wait3A_547 = arith.constant 2 : i32
      %dma_wait3A_548 = tpu.memref_slice %arg2[%arg0, %scan3A_29, %dma_wait3A_546, %dma_wait3A_547, %mul3A_0] : memref<2x12x4x8x147456xf32, #tpu.memory_space<hbm>> -> memref<1x1x1x1x9216xf32, #tpu.memory_space<hbm>>
      %dma_wait3A_549 = tpu.memref_squeeze %dma_wait3A_548 : memref<1x1x1x1x9216xf32, #tpu.memory_space<hbm>> -> memref<9216xf32, #tpu.memory_space<hbm>>
      %dma_wait3A_550 = tpu.memref_slice %arg2[%arg0, %scan3A_29, %dma_wait3A_546, %dma_wait3A_547, %mul3A_0] : memref<2x12x4x8x147456xf32, #tpu.memory_space<hbm>> -> memref<1x1x1x1x9216xf32, #tpu.memory_space<hbm>>
      %dma_wait3A_551 = tpu.memref_squeeze %dma_wait3A_550 : memref<1x1x1x1x9216xf32, #tpu.memory_space<hbm>> -> memref<9216xf32, #tpu.memory_space<hbm>>
      tpu.wait_dma2 semaphore(%arg18 : memref<!tpu.dma_semaphore, #tpu.memory_space<semaphore_mem>>) src(%dma_wait3A_551 : memref<9216xf32, #tpu.memory_space<hbm>>) dst(%arg16 : memref<9216xf32, #tpu.memory_space<vmem>>)
      %dma_start3A_552 = arith.constant 27648 : i32
      %dma_start3A_553 = tpu.memref_slice %arg15[%dma_start3A_552] : memref<36864xi32, #tpu.memory_space<vmem>> -> memref<9216xi32, #tpu.memory_space<vmem>>
      %dma_start3A_554 = arith.constant 0 : i32
      %dma_start3A_555 = tpu.memref_slice %arg9[%dma_start3A_554] : memref<147456xf32, #tpu.memory_space<vmem_shared>> -> memref<147456xf32, #tpu.memory_space<vmem_shared>>
      tpu.enqueue_indirect_dma source(%arg16 : memref<9216xf32, #tpu.memory_space<vmem>>) target(%dma_start3A_555 : memref<147456xf32, #tpu.memory_space<vmem_shared>>) offsets(%dma_start3A_553 : memref<9216xi32, #tpu.memory_space<vmem>>) semaphore(%arg20 : memref<!tpu.dma_semaphore, #tpu.memory_space<semaphore_mem>>) {add = true}
      %dma_wait3A_556 = arith.constant 27648 : i32
      %dma_wait3A_557 = tpu.memref_slice %arg15[%dma_wait3A_556] : memref<36864xi32, #tpu.memory_space<vmem>> -> memref<9216xi32, #tpu.memory_space<vmem>>
      %dma_wait3A_558 = arith.constant 0 : i32
      %dma_wait3A_559 = tpu.memref_slice %arg8[%dma_wait3A_558] : memref<147456xf32, #tpu.memory_space<vmem_shared>> -> memref<147456xf32, #tpu.memory_space<vmem_shared>>
      tpu.wait_indirect_dma semaphore(%arg21 : memref<!tpu.dma_semaphore, #tpu.memory_space<semaphore_mem>>) src(%arg17 : memref<9216xf32, #tpu.memory_space<vmem>>) dst(%dma_wait3A_559 : memref<147456xf32, #tpu.memory_space<vmem_shared>>)
      %dma_start3A_560 = arith.constant 3 : i32
      %dma_start3A_561 = arith.constant 3 : i32
      %dma_start3A_562 = tpu.memref_slice %arg2[%arg0, %scan3A_29, %dma_start3A_560, %dma_start3A_561, %mul3A_0] : memref<2x12x4x8x147456xf32, #tpu.memory_space<hbm>> -> memref<1x1x1x1x9216xf32, #tpu.memory_space<hbm>>
      %dma_start3A_563 = tpu.memref_squeeze %dma_start3A_562 : memref<1x1x1x1x9216xf32, #tpu.memory_space<hbm>> -> memref<9216xf32, #tpu.memory_space<hbm>>
      %dma_start3A_564 = tpu.memref_slice %arg2[%arg0, %scan3A_29, %dma_start3A_560, %dma_start3A_561, %mul3A_0] : memref<2x12x4x8x147456xf32, #tpu.memory_space<hbm>> -> memref<1x1x1x1x9216xf32, #tpu.memory_space<hbm>>
      %dma_start3A_565 = tpu.memref_squeeze %dma_start3A_564 : memref<1x1x1x1x9216xf32, #tpu.memory_space<hbm>> -> memref<9216xf32, #tpu.memory_space<hbm>>
      tpu.enqueue_dma source(%dma_start3A_565 : memref<9216xf32, #tpu.memory_space<hbm>>) target(%arg17 : memref<9216xf32, #tpu.memory_space<vmem>>) target_semaphore(%arg19 : memref<!tpu.dma_semaphore, #tpu.memory_space<semaphore_mem>>)
      %dma_wait3A_566 = arith.constant 3 : i32
      %dma_wait3A_567 = arith.constant 3 : i32
      %dma_wait3A_568 = tpu.memref_slice %arg2[%arg0, %scan3A_29, %dma_wait3A_566, %dma_wait3A_567, %mul3A_0] : memref<2x12x4x8x147456xf32, #tpu.memory_space<hbm>> -> memref<1x1x1x1x9216xf32, #tpu.memory_space<hbm>>
      %dma_wait3A_569 = tpu.memref_squeeze %dma_wait3A_568 : memref<1x1x1x1x9216xf32, #tpu.memory_space<hbm>> -> memref<9216xf32, #tpu.memory_space<hbm>>
      %dma_wait3A_570 = tpu.memref_slice %arg2[%arg0, %scan3A_29, %dma_wait3A_566, %dma_wait3A_567, %mul3A_0] : memref<2x12x4x8x147456xf32, #tpu.memory_space<hbm>> -> memref<1x1x1x1x9216xf32, #tpu.memory_space<hbm>>
      %dma_wait3A_571 = tpu.memref_squeeze %dma_wait3A_570 : memref<1x1x1x1x9216xf32, #tpu.memory_space<hbm>> -> memref<9216xf32, #tpu.memory_space<hbm>>
      tpu.wait_dma2 semaphore(%arg19 : memref<!tpu.dma_semaphore, #tpu.memory_space<semaphore_mem>>) src(%dma_wait3A_571 : memref<9216xf32, #tpu.memory_space<hbm>>) dst(%arg17 : memref<9216xf32, #tpu.memory_space<vmem>>)
      %dma_start3A_572 = arith.constant 27648 : i32
      %dma_start3A_573 = tpu.memref_slice %arg15[%dma_start3A_572] : memref<36864xi32, #tpu.memory_space<vmem>> -> memref<9216xi32, #tpu.memory_space<vmem>>
      %dma_start3A_574 = arith.constant 0 : i32
      %dma_start3A_575 = tpu.memref_slice %arg10[%dma_start3A_574] : memref<147456xf32, #tpu.memory_space<vmem_shared>> -> memref<147456xf32, #tpu.memory_space<vmem_shared>>
      tpu.enqueue_indirect_dma source(%arg17 : memref<9216xf32, #tpu.memory_space<vmem>>) target(%dma_start3A_575 : memref<147456xf32, #tpu.memory_space<vmem_shared>>) offsets(%dma_start3A_573 : memref<9216xi32, #tpu.memory_space<vmem>>) semaphore(%arg21 : memref<!tpu.dma_semaphore, #tpu.memory_space<semaphore_mem>>) {add = true}
      %dma_wait3A_576 = arith.constant 27648 : i32
      %dma_wait3A_577 = tpu.memref_slice %arg15[%dma_wait3A_576] : memref<36864xi32, #tpu.memory_space<vmem>> -> memref<9216xi32, #tpu.memory_space<vmem>>
      %dma_wait3A_578 = arith.constant 0 : i32
      %dma_wait3A_579 = tpu.memref_slice %arg9[%dma_wait3A_578] : memref<147456xf32, #tpu.memory_space<vmem_shared>> -> memref<147456xf32, #tpu.memory_space<vmem_shared>>
      tpu.wait_indirect_dma semaphore(%arg20 : memref<!tpu.dma_semaphore, #tpu.memory_space<semaphore_mem>>) src(%arg16 : memref<9216xf32, #tpu.memory_space<vmem>>) dst(%dma_wait3A_579 : memref<147456xf32, #tpu.memory_space<vmem_shared>>)
      %dma_start3A_580 = arith.constant 3 : i32
      %dma_start3A_581 = arith.constant 4 : i32
      %dma_start3A_582 = tpu.memref_slice %arg2[%arg0, %scan3A_29, %dma_start3A_580, %dma_start3A_581, %mul3A_0] : memref<2x12x4x8x147456xf32, #tpu.memory_space<hbm>> -> memref<1x1x1x1x9216xf32, #tpu.memory_space<hbm>>
      %dma_start3A_583 = tpu.memref_squeeze %dma_start3A_582 : memref<1x1x1x1x9216xf32, #tpu.memory_space<hbm>> -> memref<9216xf32, #tpu.memory_space<hbm>>
      %dma_start3A_584 = tpu.memref_slice %arg2[%arg0, %scan3A_29, %dma_start3A_580, %dma_start3A_581, %mul3A_0] : memref<2x12x4x8x147456xf32, #tpu.memory_space<hbm>> -> memref<1x1x1x1x9216xf32, #tpu.memory_space<hbm>>
      %dma_start3A_585 = tpu.memref_squeeze %dma_start3A_584 : memref<1x1x1x1x9216xf32, #tpu.memory_space<hbm>> -> memref<9216xf32, #tpu.memory_space<hbm>>
      tpu.enqueue_dma source(%dma_start3A_585 : memref<9216xf32, #tpu.memory_space<hbm>>) target(%arg16 : memref<9216xf32, #tpu.memory_space<vmem>>) target_semaphore(%arg18 : memref<!tpu.dma_semaphore, #tpu.memory_space<semaphore_mem>>)
      %dma_wait3A_586 = arith.constant 3 : i32
      %dma_wait3A_587 = arith.constant 4 : i32
      %dma_wait3A_588 = tpu.memref_slice %arg2[%arg0, %scan3A_29, %dma_wait3A_586, %dma_wait3A_587, %mul3A_0] : memref<2x12x4x8x147456xf32, #tpu.memory_space<hbm>> -> memref<1x1x1x1x9216xf32, #tpu.memory_space<hbm>>
      %dma_wait3A_589 = tpu.memref_squeeze %dma_wait3A_588 : memref<1x1x1x1x9216xf32, #tpu.memory_space<hbm>> -> memref<9216xf32, #tpu.memory_space<hbm>>
      %dma_wait3A_590 = tpu.memref_slice %arg2[%arg0, %scan3A_29, %dma_wait3A_586, %dma_wait3A_587, %mul3A_0] : memref<2x12x4x8x147456xf32, #tpu.memory_space<hbm>> -> memref<1x1x1x1x9216xf32, #tpu.memory_space<hbm>>
      %dma_wait3A_591 = tpu.memref_squeeze %dma_wait3A_590 : memref<1x1x1x1x9216xf32, #tpu.memory_space<hbm>> -> memref<9216xf32, #tpu.memory_space<hbm>>
      tpu.wait_dma2 semaphore(%arg18 : memref<!tpu.dma_semaphore, #tpu.memory_space<semaphore_mem>>) src(%dma_wait3A_591 : memref<9216xf32, #tpu.memory_space<hbm>>) dst(%arg16 : memref<9216xf32, #tpu.memory_space<vmem>>)
      %dma_start3A_592 = arith.constant 27648 : i32
      %dma_start3A_593 = tpu.memref_slice %arg15[%dma_start3A_592] : memref<36864xi32, #tpu.memory_space<vmem>> -> memref<9216xi32, #tpu.memory_space<vmem>>
      %dma_start3A_594 = arith.constant 0 : i32
      %dma_start3A_595 = tpu.memref_slice %arg11[%dma_start3A_594] : memref<147456xf32, #tpu.memory_space<vmem_shared>> -> memref<147456xf32, #tpu.memory_space<vmem_shared>>
      tpu.enqueue_indirect_dma source(%arg16 : memref<9216xf32, #tpu.memory_space<vmem>>) target(%dma_start3A_595 : memref<147456xf32, #tpu.memory_space<vmem_shared>>) offsets(%dma_start3A_593 : memref<9216xi32, #tpu.memory_space<vmem>>) semaphore(%arg20 : memref<!tpu.dma_semaphore, #tpu.memory_space<semaphore_mem>>) {add = true}
      %dma_wait3A_596 = arith.constant 27648 : i32
      %dma_wait3A_597 = tpu.memref_slice %arg15[%dma_wait3A_596] : memref<36864xi32, #tpu.memory_space<vmem>> -> memref<9216xi32, #tpu.memory_space<vmem>>
      %dma_wait3A_598 = arith.constant 0 : i32
      %dma_wait3A_599 = tpu.memref_slice %arg10[%dma_wait3A_598] : memref<147456xf32, #tpu.memory_space<vmem_shared>> -> memref<147456xf32, #tpu.memory_space<vmem_shared>>
      tpu.wait_indirect_dma semaphore(%arg21 : memref<!tpu.dma_semaphore, #tpu.memory_space<semaphore_mem>>) src(%arg17 : memref<9216xf32, #tpu.memory_space<vmem>>) dst(%dma_wait3A_599 : memref<147456xf32, #tpu.memory_space<vmem_shared>>)
      %dma_start3A_600 = arith.constant 3 : i32
      %dma_start3A_601 = arith.constant 5 : i32
      %dma_start3A_602 = tpu.memref_slice %arg2[%arg0, %scan3A_29, %dma_start3A_600, %dma_start3A_601, %mul3A_0] : memref<2x12x4x8x147456xf32, #tpu.memory_space<hbm>> -> memref<1x1x1x1x9216xf32, #tpu.memory_space<hbm>>
      %dma_start3A_603 = tpu.memref_squeeze %dma_start3A_602 : memref<1x1x1x1x9216xf32, #tpu.memory_space<hbm>> -> memref<9216xf32, #tpu.memory_space<hbm>>
      %dma_start3A_604 = tpu.memref_slice %arg2[%arg0, %scan3A_29, %dma_start3A_600, %dma_start3A_601, %mul3A_0] : memref<2x12x4x8x147456xf32, #tpu.memory_space<hbm>> -> memref<1x1x1x1x9216xf32, #tpu.memory_space<hbm>>
      %dma_start3A_605 = tpu.memref_squeeze %dma_start3A_604 : memref<1x1x1x1x9216xf32, #tpu.memory_space<hbm>> -> memref<9216xf32, #tpu.memory_space<hbm>>
      tpu.enqueue_dma source(%dma_start3A_605 : memref<9216xf32, #tpu.memory_space<hbm>>) target(%arg17 : memref<9216xf32, #tpu.memory_space<vmem>>) target_semaphore(%arg19 : memref<!tpu.dma_semaphore, #tpu.memory_space<semaphore_mem>>)
      %dma_wait3A_606 = arith.constant 3 : i32
      %dma_wait3A_607 = arith.constant 5 : i32
      %dma_wait3A_608 = tpu.memref_slice %arg2[%arg0, %scan3A_29, %dma_wait3A_606, %dma_wait3A_607, %mul3A_0] : memref<2x12x4x8x147456xf32, #tpu.memory_space<hbm>> -> memref<1x1x1x1x9216xf32, #tpu.memory_space<hbm>>
      %dma_wait3A_609 = tpu.memref_squeeze %dma_wait3A_608 : memref<1x1x1x1x9216xf32, #tpu.memory_space<hbm>> -> memref<9216xf32, #tpu.memory_space<hbm>>
      %dma_wait3A_610 = tpu.memref_slice %arg2[%arg0, %scan3A_29, %dma_wait3A_606, %dma_wait3A_607, %mul3A_0] : memref<2x12x4x8x147456xf32, #tpu.memory_space<hbm>> -> memref<1x1x1x1x9216xf32, #tpu.memory_space<hbm>>
      %dma_wait3A_611 = tpu.memref_squeeze %dma_wait3A_610 : memref<1x1x1x1x9216xf32, #tpu.memory_space<hbm>> -> memref<9216xf32, #tpu.memory_space<hbm>>
      tpu.wait_dma2 semaphore(%arg19 : memref<!tpu.dma_semaphore, #tpu.memory_space<semaphore_mem>>) src(%dma_wait3A_611 : memref<9216xf32, #tpu.memory_space<hbm>>) dst(%arg17 : memref<9216xf32, #tpu.memory_space<vmem>>)
      %dma_start3A_612 = arith.constant 27648 : i32
      %dma_start3A_613 = tpu.memref_slice %arg15[%dma_start3A_612] : memref<36864xi32, #tpu.memory_space<vmem>> -> memref<9216xi32, #tpu.memory_space<vmem>>
      %dma_start3A_614 = arith.constant 0 : i32
      %dma_start3A_615 = tpu.memref_slice %arg12[%dma_start3A_614] : memref<147456xf32, #tpu.memory_space<vmem_shared>> -> memref<147456xf32, #tpu.memory_space<vmem_shared>>
      tpu.enqueue_indirect_dma source(%arg17 : memref<9216xf32, #tpu.memory_space<vmem>>) target(%dma_start3A_615 : memref<147456xf32, #tpu.memory_space<vmem_shared>>) offsets(%dma_start3A_613 : memref<9216xi32, #tpu.memory_space<vmem>>) semaphore(%arg21 : memref<!tpu.dma_semaphore, #tpu.memory_space<semaphore_mem>>) {add = true}
      %dma_wait3A_616 = arith.constant 27648 : i32
      %dma_wait3A_617 = tpu.memref_slice %arg15[%dma_wait3A_616] : memref<36864xi32, #tpu.memory_space<vmem>> -> memref<9216xi32, #tpu.memory_space<vmem>>
      %dma_wait3A_618 = arith.constant 0 : i32
      %dma_wait3A_619 = tpu.memref_slice %arg11[%dma_wait3A_618] : memref<147456xf32, #tpu.memory_space<vmem_shared>> -> memref<147456xf32, #tpu.memory_space<vmem_shared>>
      tpu.wait_indirect_dma semaphore(%arg20 : memref<!tpu.dma_semaphore, #tpu.memory_space<semaphore_mem>>) src(%arg16 : memref<9216xf32, #tpu.memory_space<vmem>>) dst(%dma_wait3A_619 : memref<147456xf32, #tpu.memory_space<vmem_shared>>)
      %dma_start3A_620 = arith.constant 3 : i32
      %dma_start3A_621 = arith.constant 6 : i32
      %dma_start3A_622 = tpu.memref_slice %arg2[%arg0, %scan3A_29, %dma_start3A_620, %dma_start3A_621, %mul3A_0] : memref<2x12x4x8x147456xf32, #tpu.memory_space<hbm>> -> memref<1x1x1x1x9216xf32, #tpu.memory_space<hbm>>
      %dma_start3A_623 = tpu.memref_squeeze %dma_start3A_622 : memref<1x1x1x1x9216xf32, #tpu.memory_space<hbm>> -> memref<9216xf32, #tpu.memory_space<hbm>>
      %dma_start3A_624 = tpu.memref_slice %arg2[%arg0, %scan3A_29, %dma_start3A_620, %dma_start3A_621, %mul3A_0] : memref<2x12x4x8x147456xf32, #tpu.memory_space<hbm>> -> memref<1x1x1x1x9216xf32, #tpu.memory_space<hbm>>
      %dma_start3A_625 = tpu.memref_squeeze %dma_start3A_624 : memref<1x1x1x1x9216xf32, #tpu.memory_space<hbm>> -> memref<9216xf32, #tpu.memory_space<hbm>>
      tpu.enqueue_dma source(%dma_start3A_625 : memref<9216xf32, #tpu.memory_space<hbm>>) target(%arg16 : memref<9216xf32, #tpu.memory_space<vmem>>) target_semaphore(%arg18 : memref<!tpu.dma_semaphore, #tpu.memory_space<semaphore_mem>>)
      %dma_wait3A_626 = arith.constant 3 : i32
      %dma_wait3A_627 = arith.constant 6 : i32
      %dma_wait3A_628 = tpu.memref_slice %arg2[%arg0, %scan3A_29, %dma_wait3A_626, %dma_wait3A_627, %mul3A_0] : memref<2x12x4x8x147456xf32, #tpu.memory_space<hbm>> -> memref<1x1x1x1x9216xf32, #tpu.memory_space<hbm>>
      %dma_wait3A_629 = tpu.memref_squeeze %dma_wait3A_628 : memref<1x1x1x1x9216xf32, #tpu.memory_space<hbm>> -> memref<9216xf32, #tpu.memory_space<hbm>>
      %dma_wait3A_630 = tpu.memref_slice %arg2[%arg0, %scan3A_29, %dma_wait3A_626, %dma_wait3A_627, %mul3A_0] : memref<2x12x4x8x147456xf32, #tpu.memory_space<hbm>> -> memref<1x1x1x1x9216xf32, #tpu.memory_space<hbm>>
      %dma_wait3A_631 = tpu.memref_squeeze %dma_wait3A_630 : memref<1x1x1x1x9216xf32, #tpu.memory_space<hbm>> -> memref<9216xf32, #tpu.memory_space<hbm>>
      tpu.wait_dma2 semaphore(%arg18 : memref<!tpu.dma_semaphore, #tpu.memory_space<semaphore_mem>>) src(%dma_wait3A_631 : memref<9216xf32, #tpu.memory_space<hbm>>) dst(%arg16 : memref<9216xf32, #tpu.memory_space<vmem>>)
      %dma_start3A_632 = arith.constant 27648 : i32
      %dma_start3A_633 = tpu.memref_slice %arg15[%dma_start3A_632] : memref<36864xi32, #tpu.memory_space<vmem>> -> memref<9216xi32, #tpu.memory_space<vmem>>
      %dma_start3A_634 = arith.constant 0 : i32
      %dma_start3A_635 = tpu.memref_slice %arg13[%dma_start3A_634] : memref<147456xf32, #tpu.memory_space<vmem_shared>> -> memref<147456xf32, #tpu.memory_space<vmem_shared>>
      tpu.enqueue_indirect_dma source(%arg16 : memref<9216xf32, #tpu.memory_space<vmem>>) target(%dma_start3A_635 : memref<147456xf32, #tpu.memory_space<vmem_shared>>) offsets(%dma_start3A_633 : memref<9216xi32, #tpu.memory_space<vmem>>) semaphore(%arg20 : memref<!tpu.dma_semaphore, #tpu.memory_space<semaphore_mem>>) {add = true}
      %dma_wait3A_636 = arith.constant 27648 : i32
      %dma_wait3A_637 = tpu.memref_slice %arg15[%dma_wait3A_636] : memref<36864xi32, #tpu.memory_space<vmem>> -> memref<9216xi32, #tpu.memory_space<vmem>>
      %dma_wait3A_638 = arith.constant 0 : i32
      %dma_wait3A_639 = tpu.memref_slice %arg12[%dma_wait3A_638] : memref<147456xf32, #tpu.memory_space<vmem_shared>> -> memref<147456xf32, #tpu.memory_space<vmem_shared>>
      tpu.wait_indirect_dma semaphore(%arg21 : memref<!tpu.dma_semaphore, #tpu.memory_space<semaphore_mem>>) src(%arg17 : memref<9216xf32, #tpu.memory_space<vmem>>) dst(%dma_wait3A_639 : memref<147456xf32, #tpu.memory_space<vmem_shared>>)
      %dma_start3A_640 = arith.constant 3 : i32
      %dma_start3A_641 = arith.constant 7 : i32
      %dma_start3A_642 = tpu.memref_slice %arg2[%arg0, %scan3A_29, %dma_start3A_640, %dma_start3A_641, %mul3A_0] : memref<2x12x4x8x147456xf32, #tpu.memory_space<hbm>> -> memref<1x1x1x1x9216xf32, #tpu.memory_space<hbm>>
      %dma_start3A_643 = tpu.memref_squeeze %dma_start3A_642 : memref<1x1x1x1x9216xf32, #tpu.memory_space<hbm>> -> memref<9216xf32, #tpu.memory_space<hbm>>
      %dma_start3A_644 = tpu.memref_slice %arg2[%arg0, %scan3A_29, %dma_start3A_640, %dma_start3A_641, %mul3A_0] : memref<2x12x4x8x147456xf32, #tpu.memory_space<hbm>> -> memref<1x1x1x1x9216xf32, #tpu.memory_space<hbm>>
      %dma_start3A_645 = tpu.memref_squeeze %dma_start3A_644 : memref<1x1x1x1x9216xf32, #tpu.memory_space<hbm>> -> memref<9216xf32, #tpu.memory_space<hbm>>
      tpu.enqueue_dma source(%dma_start3A_645 : memref<9216xf32, #tpu.memory_space<hbm>>) target(%arg17 : memref<9216xf32, #tpu.memory_space<vmem>>) target_semaphore(%arg19 : memref<!tpu.dma_semaphore, #tpu.memory_space<semaphore_mem>>)
      %dma_wait3A_646 = arith.constant 3 : i32
      %dma_wait3A_647 = arith.constant 7 : i32
      %dma_wait3A_648 = tpu.memref_slice %arg2[%arg0, %scan3A_29, %dma_wait3A_646, %dma_wait3A_647, %mul3A_0] : memref<2x12x4x8x147456xf32, #tpu.memory_space<hbm>> -> memref<1x1x1x1x9216xf32, #tpu.memory_space<hbm>>
      %dma_wait3A_649 = tpu.memref_squeeze %dma_wait3A_648 : memref<1x1x1x1x9216xf32, #tpu.memory_space<hbm>> -> memref<9216xf32, #tpu.memory_space<hbm>>
      %dma_wait3A_650 = tpu.memref_slice %arg2[%arg0, %scan3A_29, %dma_wait3A_646, %dma_wait3A_647, %mul3A_0] : memref<2x12x4x8x147456xf32, #tpu.memory_space<hbm>> -> memref<1x1x1x1x9216xf32, #tpu.memory_space<hbm>>
      %dma_wait3A_651 = tpu.memref_squeeze %dma_wait3A_650 : memref<1x1x1x1x9216xf32, #tpu.memory_space<hbm>> -> memref<9216xf32, #tpu.memory_space<hbm>>
      tpu.wait_dma2 semaphore(%arg19 : memref<!tpu.dma_semaphore, #tpu.memory_space<semaphore_mem>>) src(%dma_wait3A_651 : memref<9216xf32, #tpu.memory_space<hbm>>) dst(%arg17 : memref<9216xf32, #tpu.memory_space<vmem>>)
      %dma_start3A_652 = arith.constant 27648 : i32
      %dma_start3A_653 = tpu.memref_slice %arg15[%dma_start3A_652] : memref<36864xi32, #tpu.memory_space<vmem>> -> memref<9216xi32, #tpu.memory_space<vmem>>
      %dma_start3A_654 = arith.constant 0 : i32
      %dma_start3A_655 = tpu.memref_slice %arg14[%dma_start3A_654] : memref<147456xf32, #tpu.memory_space<vmem_shared>> -> memref<147456xf32, #tpu.memory_space<vmem_shared>>
      tpu.enqueue_indirect_dma source(%arg17 : memref<9216xf32, #tpu.memory_space<vmem>>) target(%dma_start3A_655 : memref<147456xf32, #tpu.memory_space<vmem_shared>>) offsets(%dma_start3A_653 : memref<9216xi32, #tpu.memory_space<vmem>>) semaphore(%arg21 : memref<!tpu.dma_semaphore, #tpu.memory_space<semaphore_mem>>) {add = true}
      %dma_wait3A_656 = arith.constant 27648 : i32
      %dma_wait3A_657 = tpu.memref_slice %arg15[%dma_wait3A_656] : memref<36864xi32, #tpu.memory_space<vmem>> -> memref<9216xi32, #tpu.memory_space<vmem>>
      %dma_wait3A_658 = arith.constant 0 : i32
      %dma_wait3A_659 = tpu.memref_slice %arg13[%dma_wait3A_658] : memref<147456xf32, #tpu.memory_space<vmem_shared>> -> memref<147456xf32, #tpu.memory_space<vmem_shared>>
      tpu.wait_indirect_dma semaphore(%arg20 : memref<!tpu.dma_semaphore, #tpu.memory_space<semaphore_mem>>) src(%arg16 : memref<9216xf32, #tpu.memory_space<vmem>>) dst(%dma_wait3A_659 : memref<147456xf32, #tpu.memory_space<vmem_shared>>)
      %dma_wait3A_660 = arith.constant 27648 : i32
      %dma_wait3A_661 = tpu.memref_slice %arg15[%dma_wait3A_660] : memref<36864xi32, #tpu.memory_space<vmem>> -> memref<9216xi32, #tpu.memory_space<vmem>>
      %dma_wait3A_662 = arith.constant 0 : i32
      %dma_wait3A_663 = tpu.memref_slice %arg14[%dma_wait3A_662] : memref<147456xf32, #tpu.memory_space<vmem_shared>> -> memref<147456xf32, #tpu.memory_space<vmem_shared>>
      tpu.wait_indirect_dma semaphore(%arg21 : memref<!tpu.dma_semaphore, #tpu.memory_space<semaphore_mem>>) src(%arg17 : memref<9216xf32, #tpu.memory_space<vmem>>) dst(%dma_wait3A_663 : memref<147456xf32, #tpu.memory_space<vmem_shared>>)
      %add3A = arith.constant 1 : i32
      %add3A_664 = arith.addi %scan3A_29, %add3A : i32
      %min3A = arith.constant 11 : i32
      %min3A_665 = arith.minsi %add3A_664, %min3A : i32
      %dma_start3A_666 = arith.constant 0 : i32
      %dma_start3A_667 = arith.constant 0 : i32
      %dma_start3A_668 = tpu.memref_slice %arg2[%arg0, %min3A_665, %dma_start3A_666, %dma_start3A_667, %mul3A_0] : memref<2x12x4x8x147456xf32, #tpu.memory_space<hbm>> -> memref<1x1x1x1x9216xf32, #tpu.memory_space<hbm>>
      %dma_start3A_669 = tpu.memref_squeeze %dma_start3A_668 : memref<1x1x1x1x9216xf32, #tpu.memory_space<hbm>> -> memref<9216xf32, #tpu.memory_space<hbm>>
      %dma_start3A_670 = tpu.memref_slice %arg2[%arg0, %min3A_665, %dma_start3A_666, %dma_start3A_667, %mul3A_0] : memref<2x12x4x8x147456xf32, #tpu.memory_space<hbm>> -> memref<1x1x1x1x9216xf32, #tpu.memory_space<hbm>>
      %dma_start3A_671 = tpu.memref_squeeze %dma_start3A_670 : memref<1x1x1x1x9216xf32, #tpu.memory_space<hbm>> -> memref<9216xf32, #tpu.memory_space<hbm>>
      tpu.enqueue_dma source(%dma_start3A_671 : memref<9216xf32, #tpu.memory_space<hbm>>) target(%arg16 : memref<9216xf32, #tpu.memory_space<vmem>>) target_semaphore(%arg18 : memref<!tpu.dma_semaphore, #tpu.memory_space<semaphore_mem>>)
      %barrier3A_672 = arith.constant 0 : index
      tpu.barrier barrier_id(%barrier3A_672)
      %dma_start3A_673 = arith.constant 0 : i32
      %dma_start3A_674 = tpu.memref_slice %arg6[%arg0, %scan3A_29, %dma_start3A_673, %mul3A_0] : memref<2x13x8x147456xf32, #tpu.memory_space<hbm>> -> memref<1x1x1x9216xf32, #tpu.memory_space<hbm>>
      %dma_start3A_675 = tpu.memref_squeeze %dma_start3A_674 : memref<1x1x1x9216xf32, #tpu.memory_space<hbm>> -> memref<9216xf32, #tpu.memory_space<hbm>>
      %dma_start3A_676 = tpu.memref_slice %arg7[%mul3A_0] : memref<147456xf32, #tpu.memory_space<vmem_shared>> -> memref<9216xf32, #tpu.memory_space<vmem_shared>>
      tpu.enqueue_dma source(%dma_start3A_676 : memref<9216xf32, #tpu.memory_space<vmem_shared>>) target(%dma_start3A_675 : memref<9216xf32, #tpu.memory_space<hbm>>) target_semaphore(%arg20 : memref<!tpu.dma_semaphore, #tpu.memory_space<semaphore_mem>>)
      %dma_start3A_677 = arith.constant 1 : i32
      %dma_start3A_678 = tpu.memref_slice %arg6[%arg0, %scan3A_29, %dma_start3A_677, %mul3A_0] : memref<2x13x8x147456xf32, #tpu.memory_space<hbm>> -> memref<1x1x1x9216xf32, #tpu.memory_space<hbm>>
      %dma_start3A_679 = tpu.memref_squeeze %dma_start3A_678 : memref<1x1x1x9216xf32, #tpu.memory_space<hbm>> -> memref<9216xf32, #tpu.memory_space<hbm>>
      %dma_start3A_680 = tpu.memref_slice %arg8[%mul3A_0] : memref<147456xf32, #tpu.memory_space<vmem_shared>> -> memref<9216xf32, #tpu.memory_space<vmem_shared>>
      tpu.enqueue_dma source(%dma_start3A_680 : memref<9216xf32, #tpu.memory_space<vmem_shared>>) target(%dma_start3A_679 : memref<9216xf32, #tpu.memory_space<hbm>>) target_semaphore(%arg20 : memref<!tpu.dma_semaphore, #tpu.memory_space<semaphore_mem>>)
      %dma_start3A_681 = arith.constant 2 : i32
      %dma_start3A_682 = tpu.memref_slice %arg6[%arg0, %scan3A_29, %dma_start3A_681, %mul3A_0] : memref<2x13x8x147456xf32, #tpu.memory_space<hbm>> -> memref<1x1x1x9216xf32, #tpu.memory_space<hbm>>
      %dma_start3A_683 = tpu.memref_squeeze %dma_start3A_682 : memref<1x1x1x9216xf32, #tpu.memory_space<hbm>> -> memref<9216xf32, #tpu.memory_space<hbm>>
      %dma_start3A_684 = tpu.memref_slice %arg9[%mul3A_0] : memref<147456xf32, #tpu.memory_space<vmem_shared>> -> memref<9216xf32, #tpu.memory_space<vmem_shared>>
      tpu.enqueue_dma source(%dma_start3A_684 : memref<9216xf32, #tpu.memory_space<vmem_shared>>) target(%dma_start3A_683 : memref<9216xf32, #tpu.memory_space<hbm>>) target_semaphore(%arg20 : memref<!tpu.dma_semaphore, #tpu.memory_space<semaphore_mem>>)
      %dma_start3A_685 = arith.constant 3 : i32
      %dma_start3A_686 = tpu.memref_slice %arg6[%arg0, %scan3A_29, %dma_start3A_685, %mul3A_0] : memref<2x13x8x147456xf32, #tpu.memory_space<hbm>> -> memref<1x1x1x9216xf32, #tpu.memory_space<hbm>>
      %dma_start3A_687 = tpu.memref_squeeze %dma_start3A_686 : memref<1x1x1x9216xf32, #tpu.memory_space<hbm>> -> memref<9216xf32, #tpu.memory_space<hbm>>
      %dma_start3A_688 = tpu.memref_slice %arg10[%mul3A_0] : memref<147456xf32, #tpu.memory_space<vmem_shared>> -> memref<9216xf32, #tpu.memory_space<vmem_shared>>
      tpu.enqueue_dma source(%dma_start3A_688 : memref<9216xf32, #tpu.memory_space<vmem_shared>>) target(%dma_start3A_687 : memref<9216xf32, #tpu.memory_space<hbm>>) target_semaphore(%arg20 : memref<!tpu.dma_semaphore, #tpu.memory_space<semaphore_mem>>)
      %dma_start3A_689 = arith.constant 4 : i32
      %dma_start3A_690 = tpu.memref_slice %arg6[%arg0, %scan3A_29, %dma_start3A_689, %mul3A_0] : memref<2x13x8x147456xf32, #tpu.memory_space<hbm>> -> memref<1x1x1x9216xf32, #tpu.memory_space<hbm>>
      %dma_start3A_691 = tpu.memref_squeeze %dma_start3A_690 : memref<1x1x1x9216xf32, #tpu.memory_space<hbm>> -> memref<9216xf32, #tpu.memory_space<hbm>>
      %dma_start3A_692 = tpu.memref_slice %arg11[%mul3A_0] : memref<147456xf32, #tpu.memory_space<vmem_shared>> -> memref<9216xf32, #tpu.memory_space<vmem_shared>>
      tpu.enqueue_dma source(%dma_start3A_692 : memref<9216xf32, #tpu.memory_space<vmem_shared>>) target(%dma_start3A_691 : memref<9216xf32, #tpu.memory_space<hbm>>) target_semaphore(%arg20 : memref<!tpu.dma_semaphore, #tpu.memory_space<semaphore_mem>>)
      %dma_start3A_693 = arith.constant 5 : i32
      %dma_start3A_694 = tpu.memref_slice %arg6[%arg0, %scan3A_29, %dma_start3A_693, %mul3A_0] : memref<2x13x8x147456xf32, #tpu.memory_space<hbm>> -> memref<1x1x1x9216xf32, #tpu.memory_space<hbm>>
      %dma_start3A_695 = tpu.memref_squeeze %dma_start3A_694 : memref<1x1x1x9216xf32, #tpu.memory_space<hbm>> -> memref<9216xf32, #tpu.memory_space<hbm>>
      %dma_start3A_696 = tpu.memref_slice %arg12[%mul3A_0] : memref<147456xf32, #tpu.memory_space<vmem_shared>> -> memref<9216xf32, #tpu.memory_space<vmem_shared>>
      tpu.enqueue_dma source(%dma_start3A_696 : memref<9216xf32, #tpu.memory_space<vmem_shared>>) target(%dma_start3A_695 : memref<9216xf32, #tpu.memory_space<hbm>>) target_semaphore(%arg20 : memref<!tpu.dma_semaphore, #tpu.memory_space<semaphore_mem>>)
      %dma_start3A_697 = arith.constant 6 : i32
      %dma_start3A_698 = tpu.memref_slice %arg6[%arg0, %scan3A_29, %dma_start3A_697, %mul3A_0] : memref<2x13x8x147456xf32, #tpu.memory_space<hbm>> -> memref<1x1x1x9216xf32, #tpu.memory_space<hbm>>
      %dma_start3A_699 = tpu.memref_squeeze %dma_start3A_698 : memref<1x1x1x9216xf32, #tpu.memory_space<hbm>> -> memref<9216xf32, #tpu.memory_space<hbm>>
      %dma_start3A_700 = tpu.memref_slice %arg13[%mul3A_0] : memref<147456xf32, #tpu.memory_space<vmem_shared>> -> memref<9216xf32, #tpu.memory_space<vmem_shared>>
      tpu.enqueue_dma source(%dma_start3A_700 : memref<9216xf32, #tpu.memory_space<vmem_shared>>) target(%dma_start3A_699 : memref<9216xf32, #tpu.memory_space<hbm>>) target_semaphore(%arg20 : memref<!tpu.dma_semaphore, #tpu.memory_space<semaphore_mem>>)
      %dma_start3A_701 = arith.constant 7 : i32
      %dma_start3A_702 = tpu.memref_slice %arg6[%arg0, %scan3A_29, %dma_start3A_701, %mul3A_0] : memref<2x13x8x147456xf32, #tpu.memory_space<hbm>> -> memref<1x1x1x9216xf32, #tpu.memory_space<hbm>>
      %dma_start3A_703 = tpu.memref_squeeze %dma_start3A_702 : memref<1x1x1x9216xf32, #tpu.memory_space<hbm>> -> memref<9216xf32, #tpu.memory_space<hbm>>
      %dma_start3A_704 = tpu.memref_slice %arg14[%mul3A_0] : memref<147456xf32, #tpu.memory_space<vmem_shared>> -> memref<9216xf32, #tpu.memory_space<vmem_shared>>
      tpu.enqueue_dma source(%dma_start3A_704 : memref<9216xf32, #tpu.memory_space<vmem_shared>>) target(%dma_start3A_703 : memref<9216xf32, #tpu.memory_space<hbm>>) target_semaphore(%arg20 : memref<!tpu.dma_semaphore, #tpu.memory_space<semaphore_mem>>)
      %dma_wait3A_705 = arith.constant 0 : i32
      %dma_wait3A_706 = tpu.memref_slice %arg6[%arg0, %scan3A_29, %dma_wait3A_705, %mul3A_0] : memref<2x13x8x147456xf32, #tpu.memory_space<hbm>> -> memref<1x1x1x9216xf32, #tpu.memory_space<hbm>>
      %dma_wait3A_707 = tpu.memref_squeeze %dma_wait3A_706 : memref<1x1x1x9216xf32, #tpu.memory_space<hbm>> -> memref<9216xf32, #tpu.memory_space<hbm>>
      %dma_wait3A_708 = tpu.memref_slice %arg7[%mul3A_0] : memref<147456xf32, #tpu.memory_space<vmem_shared>> -> memref<9216xf32, #tpu.memory_space<vmem_shared>>
      tpu.wait_dma2 semaphore(%arg20 : memref<!tpu.dma_semaphore, #tpu.memory_space<semaphore_mem>>) src(%dma_wait3A_708 : memref<9216xf32, #tpu.memory_space<vmem_shared>>) dst(%dma_wait3A_707 : memref<9216xf32, #tpu.memory_space<hbm>>)
      %dma_start3A_709 = tpu.memref_slice %arg7[%mul3A_0] : memref<147456xf32, #tpu.memory_space<vmem_shared>> -> memref<9216xf32, #tpu.memory_space<vmem_shared>>
      tpu.enqueue_dma source(%arg5 : memref<9216xf32, #tpu.memory_space<hbm>>) target(%dma_start3A_709 : memref<9216xf32, #tpu.memory_space<vmem_shared>>) target_semaphore(%arg21 : memref<!tpu.dma_semaphore, #tpu.memory_space<semaphore_mem>>)
      %dma_wait3A_710 = arith.constant 1 : i32
      %dma_wait3A_711 = tpu.memref_slice %arg6[%arg0, %scan3A_29, %dma_wait3A_710, %mul3A_0] : memref<2x13x8x147456xf32, #tpu.memory_space<hbm>> -> memref<1x1x1x9216xf32, #tpu.memory_space<hbm>>
      %dma_wait3A_712 = tpu.memref_squeeze %dma_wait3A_711 : memref<1x1x1x9216xf32, #tpu.memory_space<hbm>> -> memref<9216xf32, #tpu.memory_space<hbm>>
      %dma_wait3A_713 = tpu.memref_slice %arg8[%mul3A_0] : memref<147456xf32, #tpu.memory_space<vmem_shared>> -> memref<9216xf32, #tpu.memory_space<vmem_shared>>
      tpu.wait_dma2 semaphore(%arg20 : memref<!tpu.dma_semaphore, #tpu.memory_space<semaphore_mem>>) src(%dma_wait3A_713 : memref<9216xf32, #tpu.memory_space<vmem_shared>>) dst(%dma_wait3A_712 : memref<9216xf32, #tpu.memory_space<hbm>>)
      %dma_start3A_714 = tpu.memref_slice %arg8[%mul3A_0] : memref<147456xf32, #tpu.memory_space<vmem_shared>> -> memref<9216xf32, #tpu.memory_space<vmem_shared>>
      tpu.enqueue_dma source(%arg5 : memref<9216xf32, #tpu.memory_space<hbm>>) target(%dma_start3A_714 : memref<9216xf32, #tpu.memory_space<vmem_shared>>) target_semaphore(%arg21 : memref<!tpu.dma_semaphore, #tpu.memory_space<semaphore_mem>>)
      %dma_wait3A_715 = arith.constant 2 : i32
      %dma_wait3A_716 = tpu.memref_slice %arg6[%arg0, %scan3A_29, %dma_wait3A_715, %mul3A_0] : memref<2x13x8x147456xf32, #tpu.memory_space<hbm>> -> memref<1x1x1x9216xf32, #tpu.memory_space<hbm>>
      %dma_wait3A_717 = tpu.memref_squeeze %dma_wait3A_716 : memref<1x1x1x9216xf32, #tpu.memory_space<hbm>> -> memref<9216xf32, #tpu.memory_space<hbm>>
      %dma_wait3A_718 = tpu.memref_slice %arg9[%mul3A_0] : memref<147456xf32, #tpu.memory_space<vmem_shared>> -> memref<9216xf32, #tpu.memory_space<vmem_shared>>
      tpu.wait_dma2 semaphore(%arg20 : memref<!tpu.dma_semaphore, #tpu.memory_space<semaphore_mem>>) src(%dma_wait3A_718 : memref<9216xf32, #tpu.memory_space<vmem_shared>>) dst(%dma_wait3A_717 : memref<9216xf32, #tpu.memory_space<hbm>>)
      %dma_start3A_719 = tpu.memref_slice %arg9[%mul3A_0] : memref<147456xf32, #tpu.memory_space<vmem_shared>> -> memref<9216xf32, #tpu.memory_space<vmem_shared>>
      tpu.enqueue_dma source(%arg5 : memref<9216xf32, #tpu.memory_space<hbm>>) target(%dma_start3A_719 : memref<9216xf32, #tpu.memory_space<vmem_shared>>) target_semaphore(%arg21 : memref<!tpu.dma_semaphore, #tpu.memory_space<semaphore_mem>>)
      %dma_wait3A_720 = arith.constant 3 : i32
      %dma_wait3A_721 = tpu.memref_slice %arg6[%arg0, %scan3A_29, %dma_wait3A_720, %mul3A_0] : memref<2x13x8x147456xf32, #tpu.memory_space<hbm>> -> memref<1x1x1x9216xf32, #tpu.memory_space<hbm>>
      %dma_wait3A_722 = tpu.memref_squeeze %dma_wait3A_721 : memref<1x1x1x9216xf32, #tpu.memory_space<hbm>> -> memref<9216xf32, #tpu.memory_space<hbm>>
      %dma_wait3A_723 = tpu.memref_slice %arg10[%mul3A_0] : memref<147456xf32, #tpu.memory_space<vmem_shared>> -> memref<9216xf32, #tpu.memory_space<vmem_shared>>
      tpu.wait_dma2 semaphore(%arg20 : memref<!tpu.dma_semaphore, #tpu.memory_space<semaphore_mem>>) src(%dma_wait3A_723 : memref<9216xf32, #tpu.memory_space<vmem_shared>>) dst(%dma_wait3A_722 : memref<9216xf32, #tpu.memory_space<hbm>>)
      %dma_start3A_724 = tpu.memref_slice %arg10[%mul3A_0] : memref<147456xf32, #tpu.memory_space<vmem_shared>> -> memref<9216xf32, #tpu.memory_space<vmem_shared>>
      tpu.enqueue_dma source(%arg5 : memref<9216xf32, #tpu.memory_space<hbm>>) target(%dma_start3A_724 : memref<9216xf32, #tpu.memory_space<vmem_shared>>) target_semaphore(%arg21 : memref<!tpu.dma_semaphore, #tpu.memory_space<semaphore_mem>>)
      %dma_wait3A_725 = arith.constant 4 : i32
      %dma_wait3A_726 = tpu.memref_slice %arg6[%arg0, %scan3A_29, %dma_wait3A_725, %mul3A_0] : memref<2x13x8x147456xf32, #tpu.memory_space<hbm>> -> memref<1x1x1x9216xf32, #tpu.memory_space<hbm>>
      %dma_wait3A_727 = tpu.memref_squeeze %dma_wait3A_726 : memref<1x1x1x9216xf32, #tpu.memory_space<hbm>> -> memref<9216xf32, #tpu.memory_space<hbm>>
      %dma_wait3A_728 = tpu.memref_slice %arg11[%mul3A_0] : memref<147456xf32, #tpu.memory_space<vmem_shared>> -> memref<9216xf32, #tpu.memory_space<vmem_shared>>
      tpu.wait_dma2 semaphore(%arg20 : memref<!tpu.dma_semaphore, #tpu.memory_space<semaphore_mem>>) src(%dma_wait3A_728 : memref<9216xf32, #tpu.memory_space<vmem_shared>>) dst(%dma_wait3A_727 : memref<9216xf32, #tpu.memory_space<hbm>>)
      %dma_start3A_729 = tpu.memref_slice %arg11[%mul3A_0] : memref<147456xf32, #tpu.memory_space<vmem_shared>> -> memref<9216xf32, #tpu.memory_space<vmem_shared>>
      tpu.enqueue_dma source(%arg5 : memref<9216xf32, #tpu.memory_space<hbm>>) target(%dma_start3A_729 : memref<9216xf32, #tpu.memory_space<vmem_shared>>) target_semaphore(%arg21 : memref<!tpu.dma_semaphore, #tpu.memory_space<semaphore_mem>>)
      %dma_wait3A_730 = arith.constant 5 : i32
      %dma_wait3A_731 = tpu.memref_slice %arg6[%arg0, %scan3A_29, %dma_wait3A_730, %mul3A_0] : memref<2x13x8x147456xf32, #tpu.memory_space<hbm>> -> memref<1x1x1x9216xf32, #tpu.memory_space<hbm>>
      %dma_wait3A_732 = tpu.memref_squeeze %dma_wait3A_731 : memref<1x1x1x9216xf32, #tpu.memory_space<hbm>> -> memref<9216xf32, #tpu.memory_space<hbm>>
      %dma_wait3A_733 = tpu.memref_slice %arg12[%mul3A_0] : memref<147456xf32, #tpu.memory_space<vmem_shared>> -> memref<9216xf32, #tpu.memory_space<vmem_shared>>
      tpu.wait_dma2 semaphore(%arg20 : memref<!tpu.dma_semaphore, #tpu.memory_space<semaphore_mem>>) src(%dma_wait3A_733 : memref<9216xf32, #tpu.memory_space<vmem_shared>>) dst(%dma_wait3A_732 : memref<9216xf32, #tpu.memory_space<hbm>>)
      %dma_start3A_734 = tpu.memref_slice %arg12[%mul3A_0] : memref<147456xf32, #tpu.memory_space<vmem_shared>> -> memref<9216xf32, #tpu.memory_space<vmem_shared>>
      tpu.enqueue_dma source(%arg5 : memref<9216xf32, #tpu.memory_space<hbm>>) target(%dma_start3A_734 : memref<9216xf32, #tpu.memory_space<vmem_shared>>) target_semaphore(%arg21 : memref<!tpu.dma_semaphore, #tpu.memory_space<semaphore_mem>>)
      %dma_wait3A_735 = arith.constant 6 : i32
      %dma_wait3A_736 = tpu.memref_slice %arg6[%arg0, %scan3A_29, %dma_wait3A_735, %mul3A_0] : memref<2x13x8x147456xf32, #tpu.memory_space<hbm>> -> memref<1x1x1x9216xf32, #tpu.memory_space<hbm>>
      %dma_wait3A_737 = tpu.memref_squeeze %dma_wait3A_736 : memref<1x1x1x9216xf32, #tpu.memory_space<hbm>> -> memref<9216xf32, #tpu.memory_space<hbm>>
      %dma_wait3A_738 = tpu.memref_slice %arg13[%mul3A_0] : memref<147456xf32, #tpu.memory_space<vmem_shared>> -> memref<9216xf32, #tpu.memory_space<vmem_shared>>
      tpu.wait_dma2 semaphore(%arg20 : memref<!tpu.dma_semaphore, #tpu.memory_space<semaphore_mem>>) src(%dma_wait3A_738 : memref<9216xf32, #tpu.memory_space<vmem_shared>>) dst(%dma_wait3A_737 : memref<9216xf32, #tpu.memory_space<hbm>>)
      %dma_start3A_739 = tpu.memref_slice %arg13[%mul3A_0] : memref<147456xf32, #tpu.memory_space<vmem_shared>> -> memref<9216xf32, #tpu.memory_space<vmem_shared>>
      tpu.enqueue_dma source(%arg5 : memref<9216xf32, #tpu.memory_space<hbm>>) target(%dma_start3A_739 : memref<9216xf32, #tpu.memory_space<vmem_shared>>) target_semaphore(%arg21 : memref<!tpu.dma_semaphore, #tpu.memory_space<semaphore_mem>>)
      %dma_wait3A_740 = arith.constant 7 : i32
      %dma_wait3A_741 = tpu.memref_slice %arg6[%arg0, %scan3A_29, %dma_wait3A_740, %mul3A_0] : memref<2x13x8x147456xf32, #tpu.memory_space<hbm>> -> memref<1x1x1x9216xf32, #tpu.memory_space<hbm>>
      %dma_wait3A_742 = tpu.memref_squeeze %dma_wait3A_741 : memref<1x1x1x9216xf32, #tpu.memory_space<hbm>> -> memref<9216xf32, #tpu.memory_space<hbm>>
      %dma_wait3A_743 = tpu.memref_slice %arg14[%mul3A_0] : memref<147456xf32, #tpu.memory_space<vmem_shared>> -> memref<9216xf32, #tpu.memory_space<vmem_shared>>
      tpu.wait_dma2 semaphore(%arg20 : memref<!tpu.dma_semaphore, #tpu.memory_space<semaphore_mem>>) src(%dma_wait3A_743 : memref<9216xf32, #tpu.memory_space<vmem_shared>>) dst(%dma_wait3A_742 : memref<9216xf32, #tpu.memory_space<hbm>>)
      %dma_start3A_744 = tpu.memref_slice %arg14[%mul3A_0] : memref<147456xf32, #tpu.memory_space<vmem_shared>> -> memref<9216xf32, #tpu.memory_space<vmem_shared>>
      tpu.enqueue_dma source(%arg5 : memref<9216xf32, #tpu.memory_space<hbm>>) target(%dma_start3A_744 : memref<9216xf32, #tpu.memory_space<vmem_shared>>) target_semaphore(%arg21 : memref<!tpu.dma_semaphore, #tpu.memory_space<semaphore_mem>>)
      %dma_wait3A_745 = tpu.memref_slice %arg7[%mul3A_0] : memref<147456xf32, #tpu.memory_space<vmem_shared>> -> memref<9216xf32, #tpu.memory_space<vmem_shared>>
      tpu.wait_dma2 semaphore(%arg21 : memref<!tpu.dma_semaphore, #tpu.memory_space<semaphore_mem>>) src(%arg5 : memref<9216xf32, #tpu.memory_space<hbm>>) dst(%dma_wait3A_745 : memref<9216xf32, #tpu.memory_space<vmem_shared>>)
      %dma_wait3A_746 = tpu.memref_slice %arg8[%mul3A_0] : memref<147456xf32, #tpu.memory_space<vmem_shared>> -> memref<9216xf32, #tpu.memory_space<vmem_shared>>
      tpu.wait_dma2 semaphore(%arg21 : memref<!tpu.dma_semaphore, #tpu.memory_space<semaphore_mem>>) src(%arg5 : memref<9216xf32, #tpu.memory_space<hbm>>) dst(%dma_wait3A_746 : memref<9216xf32, #tpu.memory_space<vmem_shared>>)
      %dma_wait3A_747 = tpu.memref_slice %arg9[%mul3A_0] : memref<147456xf32, #tpu.memory_space<vmem_shared>> -> memref<9216xf32, #tpu.memory_space<vmem_shared>>
      tpu.wait_dma2 semaphore(%arg21 : memref<!tpu.dma_semaphore, #tpu.memory_space<semaphore_mem>>) src(%arg5 : memref<9216xf32, #tpu.memory_space<hbm>>) dst(%dma_wait3A_747 : memref<9216xf32, #tpu.memory_space<vmem_shared>>)
      %dma_wait3A_748 = tpu.memref_slice %arg10[%mul3A_0] : memref<147456xf32, #tpu.memory_space<vmem_shared>> -> memref<9216xf32, #tpu.memory_space<vmem_shared>>
      tpu.wait_dma2 semaphore(%arg21 : memref<!tpu.dma_semaphore, #tpu.memory_space<semaphore_mem>>) src(%arg5 : memref<9216xf32, #tpu.memory_space<hbm>>) dst(%dma_wait3A_748 : memref<9216xf32, #tpu.memory_space<vmem_shared>>)
      %dma_wait3A_749 = tpu.memref_slice %arg11[%mul3A_0] : memref<147456xf32, #tpu.memory_space<vmem_shared>> -> memref<9216xf32, #tpu.memory_space<vmem_shared>>
      tpu.wait_dma2 semaphore(%arg21 : memref<!tpu.dma_semaphore, #tpu.memory_space<semaphore_mem>>) src(%arg5 : memref<9216xf32, #tpu.memory_space<hbm>>) dst(%dma_wait3A_749 : memref<9216xf32, #tpu.memory_space<vmem_shared>>)
      %dma_wait3A_750 = tpu.memref_slice %arg12[%mul3A_0] : memref<147456xf32, #tpu.memory_space<vmem_shared>> -> memref<9216xf32, #tpu.memory_space<vmem_shared>>
      tpu.wait_dma2 semaphore(%arg21 : memref<!tpu.dma_semaphore, #tpu.memory_space<semaphore_mem>>) src(%arg5 : memref<9216xf32, #tpu.memory_space<hbm>>) dst(%dma_wait3A_750 : memref<9216xf32, #tpu.memory_space<vmem_shared>>)
      %dma_wait3A_751 = tpu.memref_slice %arg13[%mul3A_0] : memref<147456xf32, #tpu.memory_space<vmem_shared>> -> memref<9216xf32, #tpu.memory_space<vmem_shared>>
      tpu.wait_dma2 semaphore(%arg21 : memref<!tpu.dma_semaphore, #tpu.memory_space<semaphore_mem>>) src(%arg5 : memref<9216xf32, #tpu.memory_space<hbm>>) dst(%dma_wait3A_751 : memref<9216xf32, #tpu.memory_space<vmem_shared>>)
      %dma_wait3A_752 = tpu.memref_slice %arg14[%mul3A_0] : memref<147456xf32, #tpu.memory_space<vmem_shared>> -> memref<9216xf32, #tpu.memory_space<vmem_shared>>
      tpu.wait_dma2 semaphore(%arg21 : memref<!tpu.dma_semaphore, #tpu.memory_space<semaphore_mem>>) src(%arg5 : memref<9216xf32, #tpu.memory_space<hbm>>) dst(%dma_wait3A_752 : memref<9216xf32, #tpu.memory_space<vmem_shared>>)
      %barrier3A_753 = arith.constant 0 : index
      tpu.barrier barrier_id(%barrier3A_753)
    }
    %scan3A_14 = arith.constant 12 : i32
    %dma_wait3A = arith.constant 11 : i32
    %dma_wait3A_15 = arith.constant 0 : i32
    %dma_wait3A_16 = arith.constant 0 : i32
    %dma_wait3A_17 = tpu.memref_slice %arg2[%arg0, %dma_wait3A, %dma_wait3A_15, %dma_wait3A_16, %mul3A_0] : memref<2x12x4x8x147456xf32, #tpu.memory_space<hbm>> -> memref<1x1x1x1x9216xf32, #tpu.memory_space<hbm>>
    %dma_wait3A_18 = tpu.memref_squeeze %dma_wait3A_17 : memref<1x1x1x1x9216xf32, #tpu.memory_space<hbm>> -> memref<9216xf32, #tpu.memory_space<hbm>>
    %dma_wait3A_19 = tpu.memref_slice %arg2[%arg0, %dma_wait3A, %dma_wait3A_15, %dma_wait3A_16, %mul3A_0] : memref<2x12x4x8x147456xf32, #tpu.memory_space<hbm>> -> memref<1x1x1x1x9216xf32, #tpu.memory_space<hbm>>
    %dma_wait3A_20 = tpu.memref_squeeze %dma_wait3A_19 : memref<1x1x1x1x9216xf32, #tpu.memory_space<hbm>> -> memref<9216xf32, #tpu.memory_space<hbm>>
    tpu.wait_dma2 semaphore(%arg18 : memref<!tpu.dma_semaphore, #tpu.memory_space<semaphore_mem>>) src(%dma_wait3A_20 : memref<9216xf32, #tpu.memory_space<hbm>>) dst(%arg16 : memref<9216xf32, #tpu.memory_space<vmem>>)
    %run_scoped3A_21 = arith.constant 0 : i32
    "tpu.region"() ({
      %run_scoped3A_29 = tpu.sem_alloc : memref<!tpu.dma_semaphore, #tpu.memory_space<semaphore_mem>>
      %dma_start3A_30 = tpu.memref_slice %arg3[%arg0, %run_scoped3A_21, %mul3A_0] : memref<2x4x147456xf32, #tpu.memory_space<hbm>> -> memref<1x1x9216xf32, #tpu.memory_space<hbm>>
      %dma_start3A_31 = tpu.memref_squeeze %dma_start3A_30 : memref<1x1x9216xf32, #tpu.memory_space<hbm>> -> memref<9216xf32, #tpu.memory_space<hbm>>
      %dma_start3A_32 = tpu.memref_slice %arg3[%arg0, %run_scoped3A_21, %mul3A_0] : memref<2x4x147456xf32, #tpu.memory_space<hbm>> -> memref<1x1x9216xf32, #tpu.memory_space<hbm>>
      %dma_start3A_33 = tpu.memref_squeeze %dma_start3A_32 : memref<1x1x9216xf32, #tpu.memory_space<hbm>> -> memref<9216xf32, #tpu.memory_space<hbm>>
      tpu.enqueue_dma source(%dma_start3A_33 : memref<9216xf32, #tpu.memory_space<hbm>>) target(%arg16 : memref<9216xf32, #tpu.memory_space<vmem>>) target_semaphore(%run_scoped3A_29 : memref<!tpu.dma_semaphore, #tpu.memory_space<semaphore_mem>>)
      %dma_wait3A_34 = tpu.memref_slice %arg3[%arg0, %run_scoped3A_21, %mul3A_0] : memref<2x4x147456xf32, #tpu.memory_space<hbm>> -> memref<1x1x9216xf32, #tpu.memory_space<hbm>>
      %dma_wait3A_35 = tpu.memref_squeeze %dma_wait3A_34 : memref<1x1x9216xf32, #tpu.memory_space<hbm>> -> memref<9216xf32, #tpu.memory_space<hbm>>
      %dma_wait3A_36 = tpu.memref_slice %arg3[%arg0, %run_scoped3A_21, %mul3A_0] : memref<2x4x147456xf32, #tpu.memory_space<hbm>> -> memref<1x1x9216xf32, #tpu.memory_space<hbm>>
      %dma_wait3A_37 = tpu.memref_squeeze %dma_wait3A_36 : memref<1x1x9216xf32, #tpu.memory_space<hbm>> -> memref<9216xf32, #tpu.memory_space<hbm>>
      tpu.wait_dma2 semaphore(%run_scoped3A_29 : memref<!tpu.dma_semaphore, #tpu.memory_space<semaphore_mem>>) src(%dma_wait3A_37 : memref<9216xf32, #tpu.memory_space<hbm>>) dst(%arg16 : memref<9216xf32, #tpu.memory_space<vmem>>)
      tpu.yield
    }) : () -> ()
    "tpu.region"() ({
      %run_scoped3A_29 = tpu.sem_alloc : memref<!tpu.dma_semaphore, #tpu.memory_space<semaphore_mem>>
      %dma_start3A_30 = arith.constant 0 : i32
      %dma_start3A_31 = tpu.memref_slice %arg15[%dma_start3A_30] : memref<36864xi32, #tpu.memory_space<vmem>> -> memref<9216xi32, #tpu.memory_space<vmem>>
      %dma_start3A_32 = arith.constant 0 : i32
      %dma_start3A_33 = tpu.memref_slice %arg7[%dma_start3A_32] : memref<147456xf32, #tpu.memory_space<vmem_shared>> -> memref<147456xf32, #tpu.memory_space<vmem_shared>>
      tpu.enqueue_indirect_dma source(%arg16 : memref<9216xf32, #tpu.memory_space<vmem>>) target(%dma_start3A_33 : memref<147456xf32, #tpu.memory_space<vmem_shared>>) offsets(%dma_start3A_31 : memref<9216xi32, #tpu.memory_space<vmem>>) semaphore(%run_scoped3A_29 : memref<!tpu.dma_semaphore, #tpu.memory_space<semaphore_mem>>) {add = true}
      %dma_wait3A_34 = arith.constant 0 : i32
      %dma_wait3A_35 = tpu.memref_slice %arg15[%dma_wait3A_34] : memref<36864xi32, #tpu.memory_space<vmem>> -> memref<9216xi32, #tpu.memory_space<vmem>>
      %dma_wait3A_36 = arith.constant 0 : i32
      %dma_wait3A_37 = tpu.memref_slice %arg7[%dma_wait3A_36] : memref<147456xf32, #tpu.memory_space<vmem_shared>> -> memref<147456xf32, #tpu.memory_space<vmem_shared>>
      tpu.wait_indirect_dma semaphore(%run_scoped3A_29 : memref<!tpu.dma_semaphore, #tpu.memory_space<semaphore_mem>>) src(%arg16 : memref<9216xf32, #tpu.memory_space<vmem>>) dst(%dma_wait3A_37 : memref<147456xf32, #tpu.memory_space<vmem_shared>>)
      tpu.yield
    }) : () -> ()
    %run_scoped3A_22 = arith.constant 1 : i32
    "tpu.region"() ({
      %run_scoped3A_29 = tpu.sem_alloc : memref<!tpu.dma_semaphore, #tpu.memory_space<semaphore_mem>>
      %dma_start3A_30 = tpu.memref_slice %arg3[%arg0, %run_scoped3A_22, %mul3A_0] : memref<2x4x147456xf32, #tpu.memory_space<hbm>> -> memref<1x1x9216xf32, #tpu.memory_space<hbm>>
      %dma_start3A_31 = tpu.memref_squeeze %dma_start3A_30 : memref<1x1x9216xf32, #tpu.memory_space<hbm>> -> memref<9216xf32, #tpu.memory_space<hbm>>
      %dma_start3A_32 = tpu.memref_slice %arg3[%arg0, %run_scoped3A_22, %mul3A_0] : memref<2x4x147456xf32, #tpu.memory_space<hbm>> -> memref<1x1x9216xf32, #tpu.memory_space<hbm>>
      %dma_start3A_33 = tpu.memref_squeeze %dma_start3A_32 : memref<1x1x9216xf32, #tpu.memory_space<hbm>> -> memref<9216xf32, #tpu.memory_space<hbm>>
      tpu.enqueue_dma source(%dma_start3A_33 : memref<9216xf32, #tpu.memory_space<hbm>>) target(%arg16 : memref<9216xf32, #tpu.memory_space<vmem>>) target_semaphore(%run_scoped3A_29 : memref<!tpu.dma_semaphore, #tpu.memory_space<semaphore_mem>>)
      %dma_wait3A_34 = tpu.memref_slice %arg3[%arg0, %run_scoped3A_22, %mul3A_0] : memref<2x4x147456xf32, #tpu.memory_space<hbm>> -> memref<1x1x9216xf32, #tpu.memory_space<hbm>>
      %dma_wait3A_35 = tpu.memref_squeeze %dma_wait3A_34 : memref<1x1x9216xf32, #tpu.memory_space<hbm>> -> memref<9216xf32, #tpu.memory_space<hbm>>
      %dma_wait3A_36 = tpu.memref_slice %arg3[%arg0, %run_scoped3A_22, %mul3A_0] : memref<2x4x147456xf32, #tpu.memory_space<hbm>> -> memref<1x1x9216xf32, #tpu.memory_space<hbm>>
      %dma_wait3A_37 = tpu.memref_squeeze %dma_wait3A_36 : memref<1x1x9216xf32, #tpu.memory_space<hbm>> -> memref<9216xf32, #tpu.memory_space<hbm>>
      tpu.wait_dma2 semaphore(%run_scoped3A_29 : memref<!tpu.dma_semaphore, #tpu.memory_space<semaphore_mem>>) src(%dma_wait3A_37 : memref<9216xf32, #tpu.memory_space<hbm>>) dst(%arg16 : memref<9216xf32, #tpu.memory_space<vmem>>)
      tpu.yield
    }) : () -> ()
    "tpu.region"() ({
      %run_scoped3A_29 = tpu.sem_alloc : memref<!tpu.dma_semaphore, #tpu.memory_space<semaphore_mem>>
      %dma_start3A_30 = arith.constant 9216 : i32
      %dma_start3A_31 = tpu.memref_slice %arg15[%dma_start3A_30] : memref<36864xi32, #tpu.memory_space<vmem>> -> memref<9216xi32, #tpu.memory_space<vmem>>
      %dma_start3A_32 = arith.constant 0 : i32
      %dma_start3A_33 = tpu.memref_slice %arg7[%dma_start3A_32] : memref<147456xf32, #tpu.memory_space<vmem_shared>> -> memref<147456xf32, #tpu.memory_space<vmem_shared>>
      tpu.enqueue_indirect_dma source(%arg16 : memref<9216xf32, #tpu.memory_space<vmem>>) target(%dma_start3A_33 : memref<147456xf32, #tpu.memory_space<vmem_shared>>) offsets(%dma_start3A_31 : memref<9216xi32, #tpu.memory_space<vmem>>) semaphore(%run_scoped3A_29 : memref<!tpu.dma_semaphore, #tpu.memory_space<semaphore_mem>>) {add = true}
      %dma_wait3A_34 = arith.constant 9216 : i32
      %dma_wait3A_35 = tpu.memref_slice %arg15[%dma_wait3A_34] : memref<36864xi32, #tpu.memory_space<vmem>> -> memref<9216xi32, #tpu.memory_space<vmem>>
      %dma_wait3A_36 = arith.constant 0 : i32
      %dma_wait3A_37 = tpu.memref_slice %arg7[%dma_wait3A_36] : memref<147456xf32, #tpu.memory_space<vmem_shared>> -> memref<147456xf32, #tpu.memory_space<vmem_shared>>
      tpu.wait_indirect_dma semaphore(%run_scoped3A_29 : memref<!tpu.dma_semaphore, #tpu.memory_space<semaphore_mem>>) src(%arg16 : memref<9216xf32, #tpu.memory_space<vmem>>) dst(%dma_wait3A_37 : memref<147456xf32, #tpu.memory_space<vmem_shared>>)
      tpu.yield
    }) : () -> ()
    %run_scoped3A_23 = arith.constant 2 : i32
    "tpu.region"() ({
      %run_scoped3A_29 = tpu.sem_alloc : memref<!tpu.dma_semaphore, #tpu.memory_space<semaphore_mem>>
      %dma_start3A_30 = tpu.memref_slice %arg3[%arg0, %run_scoped3A_23, %mul3A_0] : memref<2x4x147456xf32, #tpu.memory_space<hbm>> -> memref<1x1x9216xf32, #tpu.memory_space<hbm>>
      %dma_start3A_31 = tpu.memref_squeeze %dma_start3A_30 : memref<1x1x9216xf32, #tpu.memory_space<hbm>> -> memref<9216xf32, #tpu.memory_space<hbm>>
      %dma_start3A_32 = tpu.memref_slice %arg3[%arg0, %run_scoped3A_23, %mul3A_0] : memref<2x4x147456xf32, #tpu.memory_space<hbm>> -> memref<1x1x9216xf32, #tpu.memory_space<hbm>>
      %dma_start3A_33 = tpu.memref_squeeze %dma_start3A_32 : memref<1x1x9216xf32, #tpu.memory_space<hbm>> -> memref<9216xf32, #tpu.memory_space<hbm>>
      tpu.enqueue_dma source(%dma_start3A_33 : memref<9216xf32, #tpu.memory_space<hbm>>) target(%arg16 : memref<9216xf32, #tpu.memory_space<vmem>>) target_semaphore(%run_scoped3A_29 : memref<!tpu.dma_semaphore, #tpu.memory_space<semaphore_mem>>)
      %dma_wait3A_34 = tpu.memref_slice %arg3[%arg0, %run_scoped3A_23, %mul3A_0] : memref<2x4x147456xf32, #tpu.memory_space<hbm>> -> memref<1x1x9216xf32, #tpu.memory_space<hbm>>
      %dma_wait3A_35 = tpu.memref_squeeze %dma_wait3A_34 : memref<1x1x9216xf32, #tpu.memory_space<hbm>> -> memref<9216xf32, #tpu.memory_space<hbm>>
      %dma_wait3A_36 = tpu.memref_slice %arg3[%arg0, %run_scoped3A_23, %mul3A_0] : memref<2x4x147456xf32, #tpu.memory_space<hbm>> -> memref<1x1x9216xf32, #tpu.memory_space<hbm>>
      %dma_wait3A_37 = tpu.memref_squeeze %dma_wait3A_36 : memref<1x1x9216xf32, #tpu.memory_space<hbm>> -> memref<9216xf32, #tpu.memory_space<hbm>>
      tpu.wait_dma2 semaphore(%run_scoped3A_29 : memref<!tpu.dma_semaphore, #tpu.memory_space<semaphore_mem>>) src(%dma_wait3A_37 : memref<9216xf32, #tpu.memory_space<hbm>>) dst(%arg16 : memref<9216xf32, #tpu.memory_space<vmem>>)
      tpu.yield
    }) : () -> ()
    "tpu.region"() ({
      %run_scoped3A_29 = tpu.sem_alloc : memref<!tpu.dma_semaphore, #tpu.memory_space<semaphore_mem>>
      %dma_start3A_30 = arith.constant 18432 : i32
      %dma_start3A_31 = tpu.memref_slice %arg15[%dma_start3A_30] : memref<36864xi32, #tpu.memory_space<vmem>> -> memref<9216xi32, #tpu.memory_space<vmem>>
      %dma_start3A_32 = arith.constant 0 : i32
      %dma_start3A_33 = tpu.memref_slice %arg7[%dma_start3A_32] : memref<147456xf32, #tpu.memory_space<vmem_shared>> -> memref<147456xf32, #tpu.memory_space<vmem_shared>>
      tpu.enqueue_indirect_dma source(%arg16 : memref<9216xf32, #tpu.memory_space<vmem>>) target(%dma_start3A_33 : memref<147456xf32, #tpu.memory_space<vmem_shared>>) offsets(%dma_start3A_31 : memref<9216xi32, #tpu.memory_space<vmem>>) semaphore(%run_scoped3A_29 : memref<!tpu.dma_semaphore, #tpu.memory_space<semaphore_mem>>) {add = true}
      %dma_wait3A_34 = arith.constant 18432 : i32
      %dma_wait3A_35 = tpu.memref_slice %arg15[%dma_wait3A_34] : memref<36864xi32, #tpu.memory_space<vmem>> -> memref<9216xi32, #tpu.memory_space<vmem>>
      %dma_wait3A_36 = arith.constant 0 : i32
      %dma_wait3A_37 = tpu.memref_slice %arg7[%dma_wait3A_36] : memref<147456xf32, #tpu.memory_space<vmem_shared>> -> memref<147456xf32, #tpu.memory_space<vmem_shared>>
      tpu.wait_indirect_dma semaphore(%run_scoped3A_29 : memref<!tpu.dma_semaphore, #tpu.memory_space<semaphore_mem>>) src(%arg16 : memref<9216xf32, #tpu.memory_space<vmem>>) dst(%dma_wait3A_37 : memref<147456xf32, #tpu.memory_space<vmem_shared>>)
      tpu.yield
    }) : () -> ()
    %run_scoped3A_24 = arith.constant 3 : i32
    "tpu.region"() ({
      %run_scoped3A_29 = tpu.sem_alloc : memref<!tpu.dma_semaphore, #tpu.memory_space<semaphore_mem>>
      %dma_start3A_30 = tpu.memref_slice %arg3[%arg0, %run_scoped3A_24, %mul3A_0] : memref<2x4x147456xf32, #tpu.memory_space<hbm>> -> memref<1x1x9216xf32, #tpu.memory_space<hbm>>
      %dma_start3A_31 = tpu.memref_squeeze %dma_start3A_30 : memref<1x1x9216xf32, #tpu.memory_space<hbm>> -> memref<9216xf32, #tpu.memory_space<hbm>>
      %dma_start3A_32 = tpu.memref_slice %arg3[%arg0, %run_scoped3A_24, %mul3A_0] : memref<2x4x147456xf32, #tpu.memory_space<hbm>> -> memref<1x1x9216xf32, #tpu.memory_space<hbm>>
      %dma_start3A_33 = tpu.memref_squeeze %dma_start3A_32 : memref<1x1x9216xf32, #tpu.memory_space<hbm>> -> memref<9216xf32, #tpu.memory_space<hbm>>
      tpu.enqueue_dma source(%dma_start3A_33 : memref<9216xf32, #tpu.memory_space<hbm>>) target(%arg16 : memref<9216xf32, #tpu.memory_space<vmem>>) target_semaphore(%run_scoped3A_29 : memref<!tpu.dma_semaphore, #tpu.memory_space<semaphore_mem>>)
      %dma_wait3A_34 = tpu.memref_slice %arg3[%arg0, %run_scoped3A_24, %mul3A_0] : memref<2x4x147456xf32, #tpu.memory_space<hbm>> -> memref<1x1x9216xf32, #tpu.memory_space<hbm>>
      %dma_wait3A_35 = tpu.memref_squeeze %dma_wait3A_34 : memref<1x1x9216xf32, #tpu.memory_space<hbm>> -> memref<9216xf32, #tpu.memory_space<hbm>>
      %dma_wait3A_36 = tpu.memref_slice %arg3[%arg0, %run_scoped3A_24, %mul3A_0] : memref<2x4x147456xf32, #tpu.memory_space<hbm>> -> memref<1x1x9216xf32, #tpu.memory_space<hbm>>
      %dma_wait3A_37 = tpu.memref_squeeze %dma_wait3A_36 : memref<1x1x9216xf32, #tpu.memory_space<hbm>> -> memref<9216xf32, #tpu.memory_space<hbm>>
      tpu.wait_dma2 semaphore(%run_scoped3A_29 : memref<!tpu.dma_semaphore, #tpu.memory_space<semaphore_mem>>) src(%dma_wait3A_37 : memref<9216xf32, #tpu.memory_space<hbm>>) dst(%arg16 : memref<9216xf32, #tpu.memory_space<vmem>>)
      tpu.yield
    }) : () -> ()
    "tpu.region"() ({
      %run_scoped3A_29 = tpu.sem_alloc : memref<!tpu.dma_semaphore, #tpu.memory_space<semaphore_mem>>
      %dma_start3A_30 = arith.constant 27648 : i32
      %dma_start3A_31 = tpu.memref_slice %arg15[%dma_start3A_30] : memref<36864xi32, #tpu.memory_space<vmem>> -> memref<9216xi32, #tpu.memory_space<vmem>>
      %dma_start3A_32 = arith.constant 0 : i32
      %dma_start3A_33 = tpu.memref_slice %arg7[%dma_start3A_32] : memref<147456xf32, #tpu.memory_space<vmem_shared>> -> memref<147456xf32, #tpu.memory_space<vmem_shared>>
      tpu.enqueue_indirect_dma source(%arg16 : memref<9216xf32, #tpu.memory_space<vmem>>) target(%dma_start3A_33 : memref<147456xf32, #tpu.memory_space<vmem_shared>>) offsets(%dma_start3A_31 : memref<9216xi32, #tpu.memory_space<vmem>>) semaphore(%run_scoped3A_29 : memref<!tpu.dma_semaphore, #tpu.memory_space<semaphore_mem>>) {add = true}
      %dma_wait3A_34 = arith.constant 27648 : i32
      %dma_wait3A_35 = tpu.memref_slice %arg15[%dma_wait3A_34] : memref<36864xi32, #tpu.memory_space<vmem>> -> memref<9216xi32, #tpu.memory_space<vmem>>
      %dma_wait3A_36 = arith.constant 0 : i32
      %dma_wait3A_37 = tpu.memref_slice %arg7[%dma_wait3A_36] : memref<147456xf32, #tpu.memory_space<vmem_shared>> -> memref<147456xf32, #tpu.memory_space<vmem_shared>>
      tpu.wait_indirect_dma semaphore(%run_scoped3A_29 : memref<!tpu.dma_semaphore, #tpu.memory_space<semaphore_mem>>) src(%arg16 : memref<9216xf32, #tpu.memory_space<vmem>>) dst(%dma_wait3A_37 : memref<147456xf32, #tpu.memory_space<vmem_shared>>)
      tpu.yield
    }) : () -> ()
    %barrier3A_25 = arith.constant 0 : index
    tpu.barrier barrier_id(%barrier3A_25)
    %run_scoped3A_26 = arith.constant 12 : i32
    %run_scoped3A_27 = arith.constant 0 : i32
    "tpu.region"() ({
      %run_scoped3A_29 = tpu.sem_alloc : memref<!tpu.dma_semaphore, #tpu.memory_space<semaphore_mem>>
      %dma_start3A_30 = tpu.memref_slice %arg6[%arg0, %run_scoped3A_26, %run_scoped3A_27, %mul3A_0] : memref<2x13x8x147456xf32, #tpu.memory_space<hbm>> -> memref<1x1x1x9216xf32, #tpu.memory_space<hbm>>
      %dma_start3A_31 = tpu.memref_squeeze %dma_start3A_30 : memref<1x1x1x9216xf32, #tpu.memory_space<hbm>> -> memref<9216xf32, #tpu.memory_space<hbm>>
      %dma_start3A_32 = tpu.memref_slice %arg7[%mul3A_0] : memref<147456xf32, #tpu.memory_space<vmem_shared>> -> memref<9216xf32, #tpu.memory_space<vmem_shared>>
      tpu.enqueue_dma source(%dma_start3A_32 : memref<9216xf32, #tpu.memory_space<vmem_shared>>) target(%dma_start3A_31 : memref<9216xf32, #tpu.memory_space<hbm>>) target_semaphore(%run_scoped3A_29 : memref<!tpu.dma_semaphore, #tpu.memory_space<semaphore_mem>>)
      %dma_wait3A_33 = tpu.memref_slice %arg6[%arg0, %run_scoped3A_26, %run_scoped3A_27, %mul3A_0] : memref<2x13x8x147456xf32, #tpu.memory_space<hbm>> -> memref<1x1x1x9216xf32, #tpu.memory_space<hbm>>
      %dma_wait3A_34 = tpu.memref_squeeze %dma_wait3A_33 : memref<1x1x1x9216xf32, #tpu.memory_space<hbm>> -> memref<9216xf32, #tpu.memory_space<hbm>>
      %dma_wait3A_35 = tpu.memref_slice %arg7[%mul3A_0] : memref<147456xf32, #tpu.memory_space<vmem_shared>> -> memref<9216xf32, #tpu.memory_space<vmem_shared>>
      tpu.wait_dma2 semaphore(%run_scoped3A_29 : memref<!tpu.dma_semaphore, #tpu.memory_space<semaphore_mem>>) src(%dma_wait3A_35 : memref<9216xf32, #tpu.memory_space<vmem_shared>>) dst(%dma_wait3A_34 : memref<9216xf32, #tpu.memory_space<hbm>>)
      tpu.yield
    }) : () -> ()
    %barrier3A_28 = arith.constant 0 : index
    tpu.barrier barrier_id(%barrier3A_28)
    return
  }
}

</mosaic_0001>

<sc_bundles>
// kernel: _sc_splat.3.cloned.1.call-start
scs
__scs_entry_jumppad:
0x0: {  	(pc) =	sbr.rel $0x88, $3  }
0x1: {  	(tag) =	ssettag $0x0;
	lr =	simm.s32 $0x1  }
0x2: {  	[smem:$0x3F9D] =	sst lr;
	_ =	strace $0xD0000000  }
0x3: {  	_ = 	snop  }
0x4: {  	_ = 	snop  }
0x5: {  	_ = 	snop  }
0x6: {  	_ = 	snop  }
0x7: {  	_ = 	snop  }
__scs_overlays_trampoline_lowered:
0x8: {  	[smem:$0x3FAC] =	sst s0  }
0x9: {  	[smem:$0x3FAD] =	sst s1  }
0xa: {  	[smem:$0x3FAE] =	sst s2  }
0xb: {  	[smem:$0x3FAF] =	sst s3  }
0xc: {  	[smem:$0x3FB0] =	sst s4  }
0xd: {  	[smem:$0x3FB1] =	sst s5  }
0xe: {  	[smem:$0x3FB2] =	sst s6  }
0xf: {  	[smem:$0x3FB3] =	sst s7  }
0x10: {  	[smem:$0x3FB4] =	sst s8  }
0x11: {  	[smem:$0x3FB5] =	sst s9;
	s0 =	simm.s32 @!p0 $0x0  }
0x12: {  	s1 =	sld [smem:$0x3F9B];
	s0 =	simm.s32 @p0 $0x1  }
0x13: {  	[smem:$0x3FB6] =	sst s0;
	s0 =	simm.s32 @!p1 $0x0  }
0x14: {  	s2 =	sld [smem:$0x3F9A];
	s0 =	simm.s32 @p1 $0x1  }
0x15: {  	[smem:$0x3FB7] =	sst s0;
	s0 =	simm.s32 @!p2 $0x0  }
0x16: {  	s3 =	sld [smem:$0x3FDB];
	s0 =	simm.s32 @p2 $0x1  }
0x17: {  	s4 =	simm.s32 $0x1BF5;
	[smem:$0x3FB9] =	sst s0  }
0x18: {  	s0 =	sld [smem:$0x3F9C];
	_ =	swait.ge [sflag:s4], $0x0  }
0x19: {  	s7 =	sld [smem:$0x3F9D]  }
0x1a: {  	s8 =	sadd.s32 $0xFFFFE003, lr  }
0x1b: {  	s9 =	sadd.s32 $0xFFFFFEF7, lr;
	s5 =	simm.s32 $0xFFFFFFFF;
	p2 =	slt.u32 s8, $0xFFFFF086  }
0x1c: {  	p1 =	slt.u32 s9, $0xF7A;
	s5 =	simm.s32 @!p2 $0x0  }
0x1d: {  	s5 =	simm.s32 @p1 $0x1;
	p0 =	seq.s32 s7, s2  }
0x1e: {  	s7 =	smul.u32 @!p0 $0xF7A, s2;
	p2 =	seq.s32 @!p0 s5, $0x0  }
0x1f: {  	s9 =	smul.u32 $0xF7A, s1;
	s8 =	simm.s32 @!p0 $0x1BF5;
	p2 =	por !p2, p0  }
0x20: {  	[sflag:s8] =	ssyncset.s32 @!p0 $0xFFFFF086;
	s6 =	sadd.s32 @!p0 s3, s7;
	s7 =	simm.s32 @!p0 $0x108  }
0x21: {  	s3 =	sadd.s32 s3, s9;
	s6 =	sadd.s32 @!p0 $0x88, s6;
	s7 =	simm.s32 @p2 $0x1082  }
0x22: {  	[simem:s7], [sflag:s8] =	dma.local @!p0 [hbm:s6], $0xF7A  }
0x23: {  	s9 =	sor.u32 $0xD0000000, s2;
	s6 =	simm.s32 $0x108;
	_ =	swait.ge @!p0 [sflag:s8], $0x0  }
0x24: {  	s3 =	sadd.s32 $0x88, s3;
	s6 =	simm.s32 @!p1 $0x1082;
	[sflag:s4] =	ssyncset.s32 $0xFFFFF086  }
0x25: {  	[simem:s6], [sflag:s4] =	dma.local [hbm:s3], $0xF7A  }
0x26: {  	[smem:$0x3F9D] =	sst s1;
	(tag) =	ssettag s2;
	_ =	strace s9  }
0x27: {  	s1 =	sld [smem:$0x3FAD]  }
0x28: {  	s2 =	sld [smem:$0x3FAE]  }
0x29: {  	s4 =	sld [smem:$0x3FB0]  }
0x2a: {  	p0 =	seq.s32 s5, $0x0;
	s5 =	sld [smem:$0x3FB1]  }
0x2b: {  	s6 =	sld [smem:$0x3FB2]  }
0x2c: {  	s7 =	sld [smem:$0x3FB3]  }
0x2d: {  	s3 =	simm.s32 $0x108;
	s8 =	sld [smem:$0x3FB4]  }
0x2e: {  	s3 =	simm.s32 @!p0 $0x1082;
	s9 =	sld [smem:$0x3FB5]  }
0x2f: {  	lr =	sadd.s32 s0, s3;
	s0 =	sld [smem:$0x3FAC]  }
0x30: {  	s3 =	sld [smem:$0x3FAF]  }
0x31: {  	[smem:$0x3FB8] =	sst s10  }
0x32: {  	s10 =	sld [smem:$0x3FB6];
	_ =	sdelay $0x3  }
0x33: {  	p0 =	seq.s32 s10, $0x1;
	s10 =	sld [smem:$0x3FB8];
	_ =	sdelay $0x3  }
0x34: {  	[smem:$0x3FB8] =	sst s10  }
0x35: {  	s10 =	sld [smem:$0x3FB7];
	_ =	sdelay $0x3  }
0x36: {  	p1 =	seq.s32 s10, $0x1;
	s10 =	sld [smem:$0x3FB8];
	_ =	sdelay $0x3  }
0x37: {  	[smem:$0x3FB8] =	sst s10  }
0x38: {  	s10 =	sld [smem:$0x3FB9]  }
0x39: {  	_ = 	snop;
	(pc) =	sbr.ind lr, $3  }
0x3a: {  	_ = 	snop  }
0x3b: {  	_ = 	snop  }
0x3c: {  	p2 =	seq.s32 s10, $0x1;
	s10 =	sld [smem:$0x3FB8]  }
0x3d: {  	_ =	shalt  }
0x3e: {  	_ =	shalt  }
0x3f: {  	_ =	shalt  }
0x40: {  	_ =	shalt  }
0x41: {  	_ =	shalt  }
0x42: {  	_ =	shalt  }
0x43: {  	_ =	shalt  }
0x44: {  	_ =	shalt  }
0x45: {  	_ =	shalt  }
0x46: {  	_ =	shalt  }
0x47: {  	_ =	shalt  }
0x48: {  	_ =	shalt  }
0x49: {  	_ =	shalt  }
0x4a: {  	_ =	shalt  }
0x4b: {  	_ =	shalt  }
0x4c: {  	_ =	shalt  }
0x4d: {  	_ =	shalt  }
0x4e: {  	_ =	shalt  }
0x4f: {  	_ =	shalt  }
0x50: {  	_ =	shalt  }
0x51: {  	_ =	shalt  }
0x52: {  	_ =	shalt  }
0x53: {  	_ =	shalt  }
0x54: {  	_ =	shalt  }
0x55: {  	_ =	shalt  }
0x56: {  	_ =	shalt  }
0x57: {  	_ =	shalt  }
0x58: {  	_ =	shalt  }
0x59: {  	_ =	shalt  }
0x5a: {  	_ =	shalt  }
0x5b: {  	_ =	shalt  }
0x5c: {  	_ =	shalt  }
0x5d: {  	_ =	shalt  }
0x5e: {  	_ =	shalt  }
0x5f: {  	_ =	shalt  }
0x60: {  	_ =	shalt  }
0x61: {  	_ =	shalt  }
0x62: {  	_ =	shalt  }
0x63: {  	_ =	shalt  }
0x64: {  	_ =	shalt  }
0x65: {  	_ =	shalt  }
0x66: {  	_ =	shalt  }
0x67: {  	_ =	shalt  }
0x68: {  	_ =	shalt  }
0x69: {  	_ =	shalt  }
0x6a: {  	_ =	shalt  }
0x6b: {  	_ =	shalt  }
0x6c: {  	_ =	shalt  }
0x6d: {  	_ =	shalt  }
0x6e: {  	_ =	shalt  }
0x6f: {  	_ =	shalt  }
0x70: {  	_ =	shalt  }
0x71: {  	_ =	shalt  }
0x72: {  	_ =	shalt  }
0x73: {  	_ =	shalt  }
0x74: {  	_ =	shalt  }
0x75: {  	_ =	shalt  }
0x76: {  	_ =	shalt  }
0x77: {  	_ =	shalt  }
0x78: {  	_ =	shalt  }
0x79: {  	_ =	shalt  }
0x7a: {  	_ =	shalt  }
0x7b: {  	_ =	shalt  }
0x7c: {  	_ =	shalt  }
0x7d: {  	_ =	shalt  }
0x7e: {  	_ =	shalt  }
0x7f: {  	_ =	shalt  }
0x80: {  	_ =	shalt  }
0x81: {  	_ =	shalt  }
0x82: {  	_ =	shalt  }
0x83: {  	_ =	shalt  }
0x84: {  	_ =	shalt  }
0x85: {  	_ =	shalt  }
0x86: {  	_ =	shalt  }
0x87: {  	_ =	shalt  }
.Lfunc_end0:
.L_simem_size_0:
called_computation_lowered:
.L_overlay_start_0:
0x88: {  	s2 =	sld [smem:$0x3FD9]  }
0x89: {  	s3 =	sld [smem:$0x3FFE];
	_ =	sdelay $0x1  }
0x8a: {  	s1 =	srdreg.scid  }
0x8b: {  	s0 =	sand.u32 $0x1, s1  }
0x8c: {  	s18 =	sshll.u32 s0, $0xA;
	s2 =	sadd.s32 s3, s2  }
0x8d: {  	s2 =	sadd.s32 s2, s18  }
0x8e: {  	[smem:$0x3FC4] =	sst s2  }
0x8f: {  	_ = 	snop  }
0x90: {  	s2 =	sld [smem:$0x3FC9]  }
0x91: {  	s19 =	sld [smem:$0x3FC8]  }
0x92: {  	s4 =	sld [smem:$0x3FC7]  }
0x93: {  	s5 =	sld [smem:$0x3FC6]  }
0x94: {  	s6 =	sld [smem:$0x3FD0];
	(tm) =	ssettm $0x1  }
0x95: {  	s7 =	sld [smem:$0x3FFB];
	_ =	sdelay $0x3  }
0x96: {  	_ =	strace s7  }
0x97: {  	s7 =	sld [smem:$0x3FFC];
	_ =	sdelay $0x3  }
0x98: {  	_ =	strace s7  }
0x99: {  	s7 =	sld [smem:$0x3FFD];
	_ =	sdelay $0x3  }
0x9a: {  	_ =	strace s7  }
0x9b: {  	_ =	strace $0x8FFFFFFF  }
0x9c: {  	s20 =	sld [smem:$0x3FDB];
	_ =	sdelay $0x1  }
0x9d: {  	s8 =	simm.s32 $_scs_section_size  }
0x9e: {  	s9 =	simm.s32 $_size__tile_overlayer_lowered;
	s10 =	simm.s32 $_tile_overlayer_lowered  }
0x9f: {  	s23 =	simm.s32 $0x1BFF;
	s22 =	sshll.u32 s10, $0x1;
	s7 =	sadd.s32 s8, s20  }
0xa0: {  	s11 =	simm.s32 $0x0;
	s21 =	sshll.u32 s9, $0x1;
	s9 =	sadd.s32 s22, s7  }
0xa1: {  	[timem:s11], [sflag:s23] =	dma.local [hbm:s9], s21  }
0xa2: {  	_ =	swait.ge [sflag:s23], s21  }
0xa3: {  	s8 =	ssub.s32 $0x0, s21;
	[sflag:s23] =	ssyncset.done $0x0  }
0xa4: {  	[sflag:s23] =	ssyncadd.s32 s8;
	_ =	sdelay $0x1  }
0xa5: {  	s24 =	simm.s32 $0x1B8B  }
0xa6: {  	_ =	swait.ge [sflag:s24], $0x1  }
0xa7: {  	[sflag:s24] =	ssyncset.done $0x0  }
0xa8: {  	s25 =	simm.s32 $0x1B8E;
	[sflag:s24] =	ssyncadd.s32 $0xFFFFFFFF  }
0xa9: {  	s26 =	simm.s32 $execute0_lowered;
	[smem:$0x3FD2] =	sst s25  }
0xaa: {  	s8 =	sshll.u32 s26, $0x1;
	_ =	strace $0x80000046;
	[dreg:$0x1] =	wrdreg $0xFFFFFFFF  }
0xab: {  	s28 =	simm.s32 $_size_execute0_lowered;
	s7 =	sadd.s32 s7, s8;
	[dreg:$0x0] =	wrdreg $0x0  }
0xac: {  	s8 =	sshll.u32 s28, $0x1;
	[dreg:$0x2] =	wrdreg s7  }
0xad: {  	[dreg:$0x3] =	wrdreg s8  }
0xae: {  	[dreg:$0x4] =	wrdreg $0xC0  }
0xaf: {  	_ =	task [dreg:s11], $0x5FFFF  }
0xb0: {  	[dreg:$0x1] =	wrdreg $0xFFFFFFFF  }
0xb1: {  	[dreg:$0x0] =	wrdreg $0x60  }
0xb2: {  	[dreg:$0x2] =	wrdreg s2  }
0xb3: {  	[dreg:$0x3] =	wrdreg s19  }
0xb4: {  	[dreg:$0x4] =	wrdreg s4  }
0xb5: {  	[dreg:$0x5] =	wrdreg s5  }
0xb6: {  	[dreg:$0x6] =	wrdreg s6  }
0xb7: {  	[dreg:$0x7] =	wrdreg $0x0  }
0xb8: {  	[dreg:$0x8] =	wrdreg $0x24000  }
0xb9: {  	[dreg:$0x9] =	wrdreg $0x48000  }
0xba: {  	[dreg:$0xa] =	wrdreg $0x6C000  }
0xbb: {  	[dreg:$0xb] =	wrdreg $0x90000  }
0xbc: {  	[dreg:$0xc] =	wrdreg $0xB4000  }
0xbd: {  	[dreg:$0xd] =	wrdreg $0xD8000  }
0xbe: {  	[dreg:$0xe] =	wrdreg $0xFC000  }
0xbf: {  	[dreg:$0xf] =	wrdreg $0x9  }
0xc0: {  	_ =	task.clear_ibuf [dreg:s11], $0x10FFFF;
	_ =	strace $0x90000046  }
0xc1: {  	s29 =	simm.s32 $0x9;
	_ =	strace $0x80000048  }
0xc2: {  	_ =	swait.ge [sflag:s29], $0x1  }
0xc3: {  	[sflag:s29] =	ssyncadd.s32 $0xFFFFFFFF  }
0xc4: {  	_ =	strace $0x90000048  }
0xc5: {  	_ =	sfence  }
0xc6: {  	s30 =	sld [smem:$0x0];
	_ =	sdelay $0x2  }
0xc7: {  	s31 =	sshll.u32 s1, $0xD;
	s1 =	sshrl.u32 s1, $0x2  }
0xc8: {  	s3 =	sand.u32 $0x4000, s31;
	s1 =	sadd.s32 s1, s30  }
0xc9: {  	s0 =	sor.u32 s3, s0;
	s1 =	sshll.u32 s1, $0x11  }
0xca: {  	s0 =	sor.u32 s1, s0  }
0xcb: {  	s0 =	sadd.s32 $0x8F2B, s0  }
0xcc: {  	[sflag:s0] =	ssyncadd.remote.s32 $0x1  }
0xcd: {  	_ =	sfence.sel $0xFFFF  }
0xce: {  	[dreg:$0x0] =	wrdreg $0xFFFFFFFF;
	(pc) =	sbr.abs _section_cstart, $3  }
0xcf: {  	[dreg:$0x1] =	wrdreg $0xFFFFFFFF  }
0xd0: {  	_ =	task.clear_ibuf [dreg:s11], $0x2FFFF;
	_ =	strace $0x9FFFFFFF  }
0xd1: {  	(tm) =	ssettm $0x7FFFFFFF  }
tec
execute0_lowered:
.L_overlay_start_1:
0x0: {  	(tag) =	ssettag $0x1  }
0x1: {  	s10 =	rddreg [dreg:$0x0]  }
0x2: {  	s0 =	rddreg [dreg:$0x1]  }
0x3: {  	s2 =	rddreg [dreg:$0x2]  }
0x4: {  	s1 =	rddreg [dreg:$0x3]  }
0x5: {  	s3 =	rddreg [dreg:$0x4]  }
0x6: {  	s13 =	rddreg [dreg:$0x5]  }
0x7: {  	s14 =	rddreg [dreg:$0x6]  }
0x8: {  	s18 =	rddreg [dreg:$0x7]  }
0x9: {  	s16 =	rddreg [dreg:$0x8]  }
0xa: {  	s31 =	rddreg [dreg:$0x9];
	s4 =	srdreg.scid  }
0xb: {  	s17 =	rddreg [dreg:$0xa];
	s15 =	stileid.u32  }
0xc: {  	s19 =	rddreg [dreg:$0xb];
	s4 =	sand.u32 $0x1, s4;
	s6 =	smul.u32 $0x9000, s15  }
0xd: {  	s20 =	rddreg [dreg:$0xc];
	s21 =	simm.s32 $0x0;
	s5 =	smul.u32 $0x90000, s4  }
0xe: {  	s28 =	simm.s32 $0x2;
	s29 =	simm.s32 $0x3;
	s30 =	simm.s32 $0x4  }
0xf: {  	[smem:$0x7FF] =	sst s21;
	s7 =	ssub.s32 $0x2, s4;
	s5 =	sadd.s32 s6, s5  }
0x10: {  	s22 =	smul.u32 $0x3600000, s4;
	s11 =	sshrl.u32 s7, $0x1;
	s5 =	sshrl.u32 s5, $0x3  }
0x11: {  	s6 =	ssub.s32 s7, s11;
	s11 =	smul.u32 $0x12000, s15;
	s12 =	sadd.s32 s2, s5  }
0x12: {  	s8 =	sor.u32 $0x10, s5;
	s26 =	sadd.s32 s0, s5;
	[dreg:$0x1d] =	wrdreg s12  }
0x13: {  	s9 =	sor.u32 $0x20, s5;
	s12 =	sadd.s32 s2, s8;
	[smem:$0x7EF] =	sst s26  }
0x14: {  	s24 =	sor.u32 $0x30, s5;
	s23 =	sadd.s32 s2, s9;
	[dreg:$0x1e] =	wrdreg s12  }
0x15: {  	s25 =	smul.u32 $0xEA0000, s4;
	s2 =	sadd.s32 s2, s24;
	[dreg:$0x1f] =	wrdreg s23  }
0x16: {  	s7 =	sor.u32 s11, s22;
	s5 =	sadd.s32 s0, s8;
	[smem:$0x7EE] =	sst s2  }
0x17: {  	s8 =	sadd.s32 $0x360000, s7;
	s22 =	sadd.s32 s0, s9;
	[smem:$0x7F0] =	sst s5  }
0x18: {  	s0 =	sadd.s32 s0, s24;
	s24 =	sadd.s32 $0x240000, s7;
	[smem:$0x7F1] =	sst s22  }
0x19: {  	s4 =	sshrl.u32 s8, $0x3;
	[smem:$0x7F2] =	sst s0;
	s0 =	sshrl.u32 s24, $0x3  }
0x1a: {  	s24 =	smax.u32 s6, $0x1;
	_ =	strace $0x80000047;
	[dreg:$0x15] =	wrdreg s7  }
0x1b: {  	s26 =	smul.u32 $0x2400, s15;
	s23 =	sadd.s32 s4, s10;
	[smem:$0x7FB] =	sst s24  }
0x1c: {  	s12 =	smov.u32 s17;
	s0 =	sadd.s32 s0, s10;
	[dreg:$0xe] =	wrdreg s23  }
0x1d: {  	s2 =	sadd.s32 s11, s25;
	s8 =	sadd.s32 s26, s13;
	[dreg:$0xf] =	wrdreg s0  }
0x1e: {  	s25 =	sadd.s32 $0x120000, s7;
	s9 =	sadd.s32 s26, s14;
	[smem:$0x7F3] =	sst s8  }
0x1f: {  	s22 =	sshrl.u32 s7, $0x3;
	s11 =	sadd.s32 s26, s18;
	[smem:$0x7F4] =	sst s9  }
0x20: {  	s2 =	sshrl.u32 s2, $0x3;
	s13 =	sadd.s32 s26, s16;
	[smem:$0x7F5] =	sst s11  }
0x21: {  	s4 =	sshrl.u32 s25, $0x3;
	s15 =	sadd.s32 s26, s31;
	[smem:$0x7F6] =	sst s13  }
0x22: {  	s17 =	sadd.s32 s26, s17;
	s18 =	sadd.s32 s26, s19;
	[smem:$0x7F7] =	sst s15  }
0x23: {  	s24 =	simm.s32 $0x1;
	s2 =	sadd.s32 s2, s3;
	[smem:$0x7F8] =	sst s17  }
0x24: {  	s4 =	sadd.s32 s4, s10;
	[smem:$0x7F9] =	sst s18;
	s23 =	sadd.s32 s26, s20  }
0x25: {  	s0 =	sadd.s32 s22, s10;
	s13 =	simm.s32 $0x80;
	[dreg:$0x10] =	wrdreg s4  }
0x26: {  	s3 =	simm.s32 $0x200;
	s22 =	simm.s32 $0x400;
	[smem:$0x7FA] =	sst s23  }
0x27: {  	[dreg:$0x11] =	wrdreg s0;
	s25 =	sadd.s32 $0x1B0000, s2;
	s26 =	sadd.s32 $0x70, s2  }
0x28: {  	s4 =	simm.s32 $0x5;
	s23 =	simm.s32 $0x1B000;
	[smem:$0x7FC] =	sst s25  }
0x29: {  	[smem:$0x7FD] =	sst s26;
	s25 =	simm.s32 $0x2400;
	s26 =	simm.s32 $0x1D400  }
.LBB2_1:
0x2a: {  	[dreg:$0x1c] =	wrdreg s21  }
0x2b: {  	s0 =	rddreg [dreg:$0x1d];
	s7 =	simm.s32 $0x12000  }
0x2c: {  	[tilespmem:s7], [sflag:$0x5] =	stream.strided.gather [hbm4b:s0+s13], $0x2400, s3, s13, $0x38;
	[tilespmem:$0x1F800] =	vst v63  }
0x2d: {  	_ =	swait.ge [sflag:s4], $0x2400  }
0x2e: {  	[sflag:s4] =	ssyncset.done $0x0  }
0x2f: {  	s9 =	simm.s32 $0x14400;
	s10 =	rddreg [dreg:$0x1e];
	[sflag:s4] =	ssyncadd.s32 $0xFFFFDC00  }
0x30: {  	[tilespmem:s9], [sflag:$0x5] =	stream.strided.gather [hbm4b:s10+s13], $0x2400, s3, s13, $0x38;
	[tilespmem:$0x1F800] =	vst v63  }
0x31: {  	_ =	swait.ge [sflag:s4], $0x2400  }
0x32: {  	[sflag:s4] =	ssyncset.done $0x0  }
0x33: {  	s10 =	simm.s32 $0x16800;
	s11 =	rddreg [dreg:$0x1f];
	[sflag:s4] =	ssyncadd.s32 $0xFFFFDC00  }
0x34: {  	[tilespmem:s10], [sflag:$0x5] =	stream.strided.gather [hbm4b:s11+s13], $0x2400, s3, s13, $0x38;
	[tilespmem:$0x1F800] =	vst v63  }
0x35: {  	_ =	swait.ge [sflag:s4], $0x2400  }
0x36: {  	s15 =	sld [smem:$0x7EE]  }
0x37: {  	[sflag:s4] =	ssyncset.done $0x0  }
0x38: {  	s11 =	simm.s32 $0x18C00;
	[sflag:s4] =	ssyncadd.s32 $0xFFFFDC00  }
0x39: {  	[tilespmem:s11], [sflag:$0x5] =	stream.strided.gather [hbm4b:s15+s13], $0x2400, s3, s13, $0x38;
	[tilespmem:$0x1F800] =	vst v63  }
0x3a: {  	_ =	swait.ge [sflag:s4], $0x2400  }
0x3b: {  	s18 =	sld [smem:$0x7F3]  }
0x3c: {  	s17 =	stileid.u32  }
0x3d: {  	s2 =	sshll.u32 s17, $0x6;
	[sflag:s4] =	ssyncset.done $0x0  }
0x3e: {  	s3 =	sor.u32 $0x1C05, s2;
	[sflag:s4] =	ssyncadd.s32 $0xFFFFDC00;
	s6 =	sshrl.u32 s18, $0x3  }
0x3f: {  	[spmem:s6], [sflag:s3] =	dma.local [hbm:s1], $0x480  }
0x40: {  	_ =	swait.ge [sflag:s4], $0x480  }
0x41: {  	s21 =	sld [smem:$0x7F4];
	_ =	sdelay $0x1  }
0x42: {  	[sflag:s4] =	ssyncset.done $0x0  }
0x43: {  	[sflag:s4] =	ssyncadd.s32 $0xFFFFFB80;
	s17 =	sshrl.u32 s21, $0x3  }
0x44: {  	[spmem:s17], [sflag:s3] =	dma.local [hbm:s1], $0x480  }
0x45: {  	_ =	swait.ge [sflag:s4], $0x480  }
0x46: {  	s5 =	sld [smem:$0x7F5];
	_ =	sdelay $0x1  }
0x47: {  	[sflag:s4] =	ssyncset.done $0x0  }
0x48: {  	[sflag:s4] =	ssyncadd.s32 $0xFFFFFB80;
	s18 =	sshrl.u32 s5, $0x3  }
0x49: {  	[spmem:s18], [sflag:s3] =	dma.local [hbm:s1], $0x480  }
0x4a: {  	_ =	swait.ge [sflag:s4], $0x480  }
0x4b: {  	s8 =	sld [smem:$0x7F6];
	_ =	sdelay $0x2  }
0x4c: {  	[sflag:s4] =	ssyncset.done $0x0;
	s0 =	sshrl.u32 s8, $0x3  }
0x4d: {  	[sflag:s4] =	ssyncadd.s32 $0xFFFFFB80;
	[dreg:$0x16] =	wrdreg s0  }
0x4e: {  	[spmem:s0], [sflag:s3] =	dma.local [hbm:s1], $0x480  }
0x4f: {  	_ =	swait.ge [sflag:s4], $0x480  }
0x50: {  	s15 =	sld [smem:$0x7F7];
	_ =	sdelay $0x2  }
0x51: {  	[sflag:s4] =	ssyncset.done $0x0;
	s0 =	sshrl.u32 s15, $0x3  }
0x52: {  	[sflag:s4] =	ssyncadd.s32 $0xFFFFFB80;
	[dreg:$0x17] =	wrdreg s0  }
0x53: {  	[spmem:s0], [sflag:s3] =	dma.local [hbm:s1], $0x480  }
0x54: {  	_ =	swait.ge [sflag:s4], $0x480  }
0x55: {  	s21 =	sld [smem:$0x7F8];
	_ =	sdelay $0x1  }
0x56: {  	[sflag:s4] =	ssyncset.done $0x0  }
0x57: {  	[sflag:s4] =	ssyncadd.s32 $0xFFFFFB80;
	s21 =	sshrl.u32 s21, $0x3  }
0x58: {  	[spmem:s21], [sflag:s3] =	dma.local [hbm:s1], $0x480  }
0x59: {  	_ =	swait.ge [sflag:s4], $0x480  }
0x5a: {  	s5 =	sld [smem:$0x7F9];
	_ =	sdelay $0x1  }
0x5b: {  	[sflag:s4] =	ssyncset.done $0x0  }
0x5c: {  	[sflag:s4] =	ssyncadd.s32 $0xFFFFFB80;
	s15 =	sshrl.u32 s5, $0x3  }
0x5d: {  	[spmem:s15], [sflag:s3] =	dma.local [hbm:s1], $0x480  }
0x5e: {  	_ =	swait.ge [sflag:s4], $0x480  }
0x5f: {  	s8 =	sld [smem:$0x7FA];
	_ =	sdelay $0x1  }
0x60: {  	[sflag:s4] =	ssyncset.done $0x0  }
0x61: {  	[smem:$0x7ED] =	sst s3;
	[sflag:s4] =	ssyncadd.s32 $0xFFFFFB80;
	s8 =	sshrl.u32 s8, $0x3  }
0x62: {  	[spmem:s8], [sflag:s3] =	dma.local [hbm:s1], $0x480  }
0x63: {  	_ =	swait.ge [sflag:s4], $0x480  }
0x64: {  	[sflag:s4] =	ssyncset.done $0x0  }
0x65: {  	[sflag:s4] =	ssyncadd.s32 $0xFFFFFB80  }
0x66: {  	[bflag:$0x0] =	sbarrier.arrive $0xFFFF  }
0x67: {  	s5 =	rddreg [dreg:$0x11]  }
0x68: {  	[tilespmem:s23], [sflag:$0x1] =	stream.strided.gather [hbm4b:s5+s13], $0x2400, s22, s13, $0x38;
	[tilespmem:$0x1F800] =	vst v63  }
0x69: {  	_ =	swait.ge [sflag:s24], $0x2400  }
0x6a: {  	[sflag:s24] =	ssyncset.done $0x0  }
0x6b: {  	[sflag:s24] =	ssyncadd.s32 $0xFFFFDC00  }
0x6c: {  	s3 =	sadd.s32 $0x0, s5;
	s5 =	rddreg [dreg:$0x5]  }
0x6d: {  	[spmem:s5] =	stream.indirect.scatter.add.f32 [tilespmem:s23], [sflag:$0x3], $0x1, s7, s25, $0xb8;
	[tilespmem:$0x1F800] =	vst v63  }
0x6e: {  	s0 =	sadd.s32 $0x10, s3  }
0x6f: {  	[tilespmem:s26], [sflag:$0x2] =	stream.strided.gather [hbm4b:s0+s13], $0x2400, s22, s13, $0x38;
	[tilespmem:$0x1F800] =	vst v63  }
0x70: {  	_ =	swait.ge [sflag:s28], $0x2400  }
0x71: {  	[sflag:s28] =	ssyncset.done $0x0  }
0x72: {  	[sflag:s28] =	ssyncadd.s32 $0xFFFFDC00  }
0x73: {  	[spmem:s14] =	stream.indirect.scatter.add.f32 [tilespmem:s26], [sflag:$0x4], $0x1, s7, s25, $0xb8;
	[tilespmem:$0x1F800] =	vst v63  }
0x74: {  	_ =	swait.ge [sflag:s29], $0x2400  }
0x75: {  	[sflag:s29] =	ssyncset.done $0x0  }
0x76: {  	s0 =	sadd.s32 $0x20, s3;
	[sflag:s29] =	ssyncadd.s32 $0xFFFFDC00  }
0x77: {  	[tilespmem:s23], [sflag:$0x1] =	stream.strided.gather [hbm4b:s0+s13], $0x2400, s22, s13, $0x38;
	[tilespmem:$0x1F800] =	vst v63  }
0x78: {  	_ =	swait.ge [sflag:s24], $0x2400  }
0x79: {  	[sflag:s24] =	ssyncset.done $0x0  }
0x7a: {  	[sflag:s24] =	ssyncadd.s32 $0xFFFFDC00  }
0x7b: {  	s0 =	rddreg [dreg:$0x7]  }
0x7c: {  	[spmem:s0] =	stream.indirect.scatter.add.f32 [tilespmem:s23], [sflag:$0x3], $0x1, s7, s25, $0xb8;
	[tilespmem:$0x1F800] =	vst v63  }
0x7d: {  	_ =	swait.ge [sflag:s30], $0x2400  }
0x7e: {  	[sflag:s30] =	ssyncset.done $0x0  }
0x7f: {  	s4 =	sadd.s32 $0x30, s3;
	[sflag:s30] =	ssyncadd.s32 $0xFFFFDC00  }
0x80: {  	[tilespmem:s26], [sflag:$0x2] =	stream.strided.gather [hbm4b:s4+s13], $0x2400, s22, s13, $0x38;
	[tilespmem:$0x1F800] =	vst v63  }
0x81: {  	_ =	swait.ge [sflag:s28], $0x2400  }
0x82: {  	[sflag:s28] =	ssyncset.done $0x0  }
0x83: {  	[sflag:s28] =	ssyncadd.s32 $0xFFFFDC00  }
0x84: {  	[spmem:s16] =	stream.indirect.scatter.add.f32 [tilespmem:s26], [sflag:$0x4], $0x1, s7, s25, $0xb8;
	[tilespmem:$0x1F800] =	vst v63  }
0x85: {  	_ =	swait.ge [sflag:s29], $0x2400  }
0x86: {  	[sflag:s29] =	ssyncset.done $0x0  }
0x87: {  	s4 =	sadd.s32 $0x40, s3;
	[sflag:s29] =	ssyncadd.s32 $0xFFFFDC00  }
0x88: {  	[tilespmem:s23], [sflag:$0x1] =	stream.strided.gather [hbm4b:s4+s13], $0x2400, s22, s13, $0x38;
	[tilespmem:$0x1F800] =	vst v63  }
0x89: {  	_ =	swait.ge [sflag:s24], $0x2400  }
0x8a: {  	[sflag:s24] =	ssyncset.done $0x0  }
0x8b: {  	[sflag:s24] =	ssyncadd.s32 $0xFFFFDC00  }
0x8c: {  	[spmem:s31] =	stream.indirect.scatter.add.f32 [tilespmem:s23], [sflag:$0x3], $0x1, s7, s25, $0xb8;
	[tilespmem:$0x1F800] =	vst v63  }
0x8d: {  	_ =	swait.ge [sflag:s30], $0x2400  }
0x8e: {  	[sflag:s30] =	ssyncset.done $0x0  }
0x8f: {  	s4 =	sadd.s32 $0x50, s3;
	[sflag:s30] =	ssyncadd.s32 $0xFFFFDC00  }
0x90: {  	[tilespmem:s26], [sflag:$0x2] =	stream.strided.gather [hbm4b:s4+s13], $0x2400, s22, s13, $0x38;
	[tilespmem:$0x1F800] =	vst v63  }
0x91: {  	_ =	swait.ge [sflag:s28], $0x2400  }
0x92: {  	[sflag:s28] =	ssyncset.done $0x0  }
0x93: {  	[sflag:s28] =	ssyncadd.s32 $0xFFFFDC00  }
0x94: {  	[spmem:s12] =	stream.indirect.scatter.add.f32 [tilespmem:s26], [sflag:$0x4], $0x1, s7, s25, $0xb8;
	[tilespmem:$0x1F800] =	vst v63  }
0x95: {  	_ =	swait.ge [sflag:s29], $0x2400  }
0x96: {  	[sflag:s29] =	ssyncset.done $0x0  }
0x97: {  	s4 =	sadd.s32 $0x60, s3;
	[sflag:s29] =	ssyncadd.s32 $0xFFFFDC00  }
0x98: {  	[tilespmem:s23], [sflag:$0x1] =	stream.strided.gather [hbm4b:s4+s13], $0x2400, s22, s13, $0x38;
	[tilespmem:$0x1F800] =	vst v63  }
0x99: {  	_ =	swait.ge [sflag:s24], $0x2400  }
0x9a: {  	[sflag:s24] =	ssyncset.done $0x0  }
0x9b: {  	[sflag:s24] =	ssyncadd.s32 $0xFFFFDC00  }
0x9c: {  	[spmem:s19] =	stream.indirect.scatter.add.f32 [tilespmem:s23], [sflag:$0x3], $0x1, s7, s25, $0xb8;
	[tilespmem:$0x1F800] =	vst v63  }
0x9d: {  	_ =	swait.ge [sflag:s30], $0x2400  }
0x9e: {  	[sflag:s30] =	ssyncset.done $0x0  }
0x9f: {  	s3 =	sadd.s32 $0x70, s3;
	[sflag:s30] =	ssyncadd.s32 $0xFFFFDC00  }
0xa0: {  	[tilespmem:s26], [sflag:$0x2] =	stream.strided.gather [hbm4b:s3+s13], $0x2400, s22, s13, $0x38;
	[tilespmem:$0x1F800] =	vst v63  }
0xa1: {  	_ =	swait.ge [sflag:s28], $0x2400  }
0xa2: {  	[sflag:s28] =	ssyncset.done $0x0  }
0xa3: {  	[sflag:s28] =	ssyncadd.s32 $0xFFFFDC00  }
0xa4: {  	[spmem:s20] =	stream.indirect.scatter.add.f32 [tilespmem:s26], [sflag:$0x4], $0x1, s7, s25, $0xb8;
	[tilespmem:$0x1F800] =	vst v63  }
0xa5: {  	_ =	swait.ge [sflag:s29], $0x2400  }
0xa6: {  	s4 =	rddreg [dreg:$0x10];
	[sflag:s29] =	ssyncset.done $0x0  }
0xa7: {  	[sflag:s29] =	ssyncadd.s32 $0xFFFFDC00;
	s3 =	sadd.s32 $0x0, s4  }
0xa8: {  	[tilespmem:s23], [sflag:$0x1] =	stream.strided.gather [hbm4b:s3+s13], $0x2400, s22, s13, $0x38;
	[tilespmem:$0x1F800] =	vst v63  }
0xa9: {  	_ =	swait.ge [sflag:s24], $0x2400  }
0xaa: {  	[sflag:s24] =	ssyncset.done $0x0  }
0xab: {  	[sflag:s24] =	ssyncadd.s32 $0xFFFFDC00  }
0xac: {  	[spmem:s5] =	stream.indirect.scatter.add.f32 [tilespmem:s23], [sflag:$0x3], $0x1, s9, s25, $0xb8;
	[tilespmem:$0x1F800] =	vst v63  }
0xad: {  	_ =	swait.ge [sflag:s30], $0x2400  }
0xae: {  	[sflag:s30] =	ssyncset.done $0x0  }
0xaf: {  	s7 =	sadd.s32 $0x10, s3;
	[sflag:s30] =	ssyncadd.s32 $0xFFFFDC00  }
0xb0: {  	[tilespmem:s26], [sflag:$0x2] =	stream.strided.gather [hbm4b:s7+s13], $0x2400, s22, s13, $0x38;
	[tilespmem:$0x1F800] =	vst v63  }
0xb1: {  	_ =	swait.ge [sflag:s28], $0x2400  }
0xb2: {  	[sflag:s28] =	ssyncset.done $0x0  }
0xb3: {  	[sflag:s28] =	ssyncadd.s32 $0xFFFFDC00  }
0xb4: {  	[spmem:s14] =	stream.indirect.scatter.add.f32 [tilespmem:s26], [sflag:$0x4], $0x1, s9, s25, $0xb8;
	[tilespmem:$0x1F800] =	vst v63  }
0xb5: {  	_ =	swait.ge [sflag:s29], $0x2400  }
0xb6: {  	[sflag:s29] =	ssyncset.done $0x0  }
0xb7: {  	s7 =	sadd.s32 $0x20, s3;
	[sflag:s29] =	ssyncadd.s32 $0xFFFFDC00  }
0xb8: {  	[tilespmem:s23], [sflag:$0x1] =	stream.strided.gather [hbm4b:s7+s13], $0x2400, s22, s13, $0x38;
	[tilespmem:$0x1F800] =	vst v63  }
0xb9: {  	_ =	swait.ge [sflag:s24], $0x2400  }
0xba: {  	[sflag:s24] =	ssyncset.done $0x0  }
0xbb: {  	[sflag:s24] =	ssyncadd.s32 $0xFFFFDC00  }
0xbc: {  	[spmem:s0] =	stream.indirect.scatter.add.f32 [tilespmem:s23], [sflag:$0x3], $0x1, s9, s25, $0xb8;
	[tilespmem:$0x1F800] =	vst v63  }
0xbd: {  	_ =	swait.ge [sflag:s30], $0x2400  }
0xbe: {  	[sflag:s30] =	ssyncset.done $0x0  }
0xbf: {  	s7 =	sadd.s32 $0x30, s3;
	[sflag:s30] =	ssyncadd.s32 $0xFFFFDC00  }
0xc0: {  	[tilespmem:s26], [sflag:$0x2] =	stream.strided.gather [hbm4b:s7+s13], $0x2400, s22, s13, $0x38;
	[tilespmem:$0x1F800] =	vst v63  }
0xc1: {  	_ =	swait.ge [sflag:s28], $0x2400  }
0xc2: {  	[sflag:s28] =	ssyncset.done $0x0  }
0xc3: {  	[sflag:s28] =	ssyncadd.s32 $0xFFFFDC00  }
0xc4: {  	[spmem:s16] =	stream.indirect.scatter.add.f32 [tilespmem:s26], [sflag:$0x4], $0x1, s9, s25, $0xb8;
	[tilespmem:$0x1F800] =	vst v63  }
0xc5: {  	_ =	swait.ge [sflag:s29], $0x2400  }
0xc6: {  	[sflag:s29] =	ssyncset.done $0x0  }
0xc7: {  	s7 =	sadd.s32 $0x40, s3;
	[sflag:s29] =	ssyncadd.s32 $0xFFFFDC00  }
0xc8: {  	[tilespmem:s23], [sflag:$0x1] =	stream.strided.gather [hbm4b:s7+s13], $0x2400, s22, s13, $0x38;
	[tilespmem:$0x1F800] =	vst v63  }
0xc9: {  	_ =	swait.ge [sflag:s24], $0x2400  }
0xca: {  	[sflag:s24] =	ssyncset.done $0x0  }
0xcb: {  	[sflag:s24] =	ssyncadd.s32 $0xFFFFDC00  }
0xcc: {  	[spmem:s31] =	stream.indirect.scatter.add.f32 [tilespmem:s23], [sflag:$0x3], $0x1, s9, s25, $0xb8;
	[tilespmem:$0x1F800] =	vst v63  }
0xcd: {  	_ =	swait.ge [sflag:s30], $0x2400  }
0xce: {  	[sflag:s30] =	ssyncset.done $0x0  }
0xcf: {  	s7 =	sadd.s32 $0x50, s3;
	[sflag:s30] =	ssyncadd.s32 $0xFFFFDC00  }
0xd0: {  	[tilespmem:s26], [sflag:$0x2] =	stream.strided.gather [hbm4b:s7+s13], $0x2400, s22, s13, $0x38;
	[tilespmem:$0x1F800] =	vst v63  }
0xd1: {  	_ =	swait.ge [sflag:s28], $0x2400  }
0xd2: {  	[sflag:s28] =	ssyncset.done $0x0  }
0xd3: {  	[sflag:s28] =	ssyncadd.s32 $0xFFFFDC00  }
0xd4: {  	[spmem:s12] =	stream.indirect.scatter.add.f32 [tilespmem:s26], [sflag:$0x4], $0x1, s9, s25, $0xb8;
	[tilespmem:$0x1F800] =	vst v63  }
0xd5: {  	_ =	swait.ge [sflag:s29], $0x2400  }
0xd6: {  	[sflag:s29] =	ssyncset.done $0x0  }
0xd7: {  	s7 =	sadd.s32 $0x60, s3;
	[sflag:s29] =	ssyncadd.s32 $0xFFFFDC00  }
0xd8: {  	[tilespmem:s23], [sflag:$0x1] =	stream.strided.gather [hbm4b:s7+s13], $0x2400, s22, s13, $0x38;
	[tilespmem:$0x1F800] =	vst v63  }
0xd9: {  	_ =	swait.ge [sflag:s24], $0x2400  }
0xda: {  	[sflag:s24] =	ssyncset.done $0x0  }
0xdb: {  	[sflag:s24] =	ssyncadd.s32 $0xFFFFDC00  }
0xdc: {  	[spmem:s19] =	stream.indirect.scatter.add.f32 [tilespmem:s23], [sflag:$0x3], $0x1, s9, s25, $0xb8;
	[tilespmem:$0x1F800] =	vst v63  }
0xdd: {  	_ =	swait.ge [sflag:s30], $0x2400  }
0xde: {  	[sflag:s30] =	ssyncset.done $0x0  }
0xdf: {  	s3 =	sadd.s32 $0x70, s3;
	[sflag:s30] =	ssyncadd.s32 $0xFFFFDC00  }
0xe0: {  	[tilespmem:s26], [sflag:$0x2] =	stream.strided.gather [hbm4b:s3+s13], $0x2400, s22, s13, $0x38;
	[tilespmem:$0x1F800] =	vst v63  }
0xe1: {  	_ =	swait.ge [sflag:s28], $0x2400  }
0xe2: {  	[sflag:s28] =	ssyncset.done $0x0  }
0xe3: {  	[sflag:s28] =	ssyncadd.s32 $0xFFFFDC00  }
0xe4: {  	[spmem:s20] =	stream.indirect.scatter.add.f32 [tilespmem:s26], [sflag:$0x4], $0x1, s9, s25, $0xb8;
	[tilespmem:$0x1F800] =	vst v63  }
0xe5: {  	_ =	swait.ge [sflag:s29], $0x2400  }
0xe6: {  	s4 =	rddreg [dreg:$0xf];
	[sflag:s29] =	ssyncset.done $0x0  }
0xe7: {  	[sflag:s29] =	ssyncadd.s32 $0xFFFFDC00;
	s3 =	sadd.s32 $0x0, s4  }
0xe8: {  	[tilespmem:s23], [sflag:$0x1] =	stream.strided.gather [hbm4b:s3+s13], $0x2400, s22, s13, $0x38;
	[tilespmem:$0x1F800] =	vst v63  }
0xe9: {  	_ =	swait.ge [sflag:s24], $0x2400  }
0xea: {  	[sflag:s24] =	ssyncset.done $0x0  }
0xeb: {  	[sflag:s24] =	ssyncadd.s32 $0xFFFFDC00  }
0xec: {  	[spmem:s5] =	stream.indirect.scatter.add.f32 [tilespmem:s23], [sflag:$0x3], $0x1, s10, s25, $0xb8;
	[tilespmem:$0x1F800] =	vst v63  }
0xed: {  	_ =	swait.ge [sflag:s30], $0x2400  }
0xee: {  	[sflag:s30] =	ssyncset.done $0x0  }
0xef: {  	s7 =	sadd.s32 $0x10, s3;
	[sflag:s30] =	ssyncadd.s32 $0xFFFFDC00  }
0xf0: {  	[tilespmem:s26], [sflag:$0x2] =	stream.strided.gather [hbm4b:s7+s13], $0x2400, s22, s13, $0x38;
	[tilespmem:$0x1F800] =	vst v63  }
0xf1: {  	_ =	swait.ge [sflag:s28], $0x2400  }
0xf2: {  	[sflag:s28] =	ssyncset.done $0x0  }
0xf3: {  	[sflag:s28] =	ssyncadd.s32 $0xFFFFDC00  }
0xf4: {  	[spmem:s14] =	stream.indirect.scatter.add.f32 [tilespmem:s26], [sflag:$0x4], $0x1, s10, s25, $0xb8;
	[tilespmem:$0x1F800] =	vst v63  }
0xf5: {  	_ =	swait.ge [sflag:s29], $0x2400  }
0xf6: {  	[sflag:s29] =	ssyncset.done $0x0  }
0xf7: {  	s9 =	sadd.s32 $0x20, s3;
	[sflag:s29] =	ssyncadd.s32 $0xFFFFDC00  }
0xf8: {  	[tilespmem:s23], [sflag:$0x1] =	stream.strided.gather [hbm4b:s9+s13], $0x2400, s22, s13, $0x38;
	[tilespmem:$0x1F800] =	vst v63  }
0xf9: {  	_ =	swait.ge [sflag:s24], $0x2400  }
0xfa: {  	[sflag:s24] =	ssyncset.done $0x0  }
0xfb: {  	[sflag:s24] =	ssyncadd.s32 $0xFFFFDC00  }
0xfc: {  	[spmem:s0] =	stream.indirect.scatter.add.f32 [tilespmem:s23], [sflag:$0x3], $0x1, s10, s25, $0xb8;
	[tilespmem:$0x1F800] =	vst v63  }
0xfd: {  	_ =	swait.ge [sflag:s30], $0x2400  }
0xfe: {  	[sflag:s30] =	ssyncset.done $0x0  }
0xff: {  	s7 =	sadd.s32 $0x30, s3;
	[sflag:s30] =	ssyncadd.s32 $0xFFFFDC00  }
0x100: {  	[tilespmem:s26], [sflag:$0x2] =	stream.strided.gather [hbm4b:s7+s13], $0x2400, s22, s13, $0x38;
	[tilespmem:$0x1F800] =	vst v63  }
0x101: {  	_ =	swait.ge [sflag:s28], $0x2400  }
0x102: {  	[sflag:s28] =	ssyncset.done $0x0  }
0x103: {  	[sflag:s28] =	ssyncadd.s32 $0xFFFFDC00  }
0x104: {  	[spmem:s16] =	stream.indirect.scatter.add.f32 [tilespmem:s26], [sflag:$0x4], $0x1, s10, s25, $0xb8;
	[tilespmem:$0x1F800] =	vst v63  }
0x105: {  	_ =	swait.ge [sflag:s29], $0x2400  }
0x106: {  	[sflag:s29] =	ssyncset.done $0x0  }
0x107: {  	s9 =	sadd.s32 $0x40, s3;
	[sflag:s29] =	ssyncadd.s32 $0xFFFFDC00  }
0x108: {  	[tilespmem:s23], [sflag:$0x1] =	stream.strided.gather [hbm4b:s9+s13], $0x2400, s22, s13, $0x38;
	[tilespmem:$0x1F800] =	vst v63  }
0x109: {  	_ =	swait.ge [sflag:s24], $0x2400  }
0x10a: {  	[sflag:s24] =	ssyncset.done $0x0  }
0x10b: {  	[sflag:s24] =	ssyncadd.s32 $0xFFFFDC00  }
0x10c: {  	[spmem:s31] =	stream.indirect.scatter.add.f32 [tilespmem:s23], [sflag:$0x3], $0x1, s10, s25, $0xb8;
	[tilespmem:$0x1F800] =	vst v63  }
0x10d: {  	_ =	swait.ge [sflag:s30], $0x2400  }
0x10e: {  	[sflag:s30] =	ssyncset.done $0x0  }
0x10f: {  	s7 =	sadd.s32 $0x50, s3;
	[sflag:s30] =	ssyncadd.s32 $0xFFFFDC00  }
0x110: {  	[tilespmem:s26], [sflag:$0x2] =	stream.strided.gather [hbm4b:s7+s13], $0x2400, s22, s13, $0x38;
	[tilespmem:$0x1F800] =	vst v63  }
0x111: {  	_ =	swait.ge [sflag:s28], $0x2400  }
0x112: {  	[sflag:s28] =	ssyncset.done $0x0  }
0x113: {  	[sflag:s28] =	ssyncadd.s32 $0xFFFFDC00  }
0x114: {  	[spmem:s12] =	stream.indirect.scatter.add.f32 [tilespmem:s26], [sflag:$0x4], $0x1, s10, s25, $0xb8;
	[tilespmem:$0x1F800] =	vst v63  }
0x115: {  	_ =	swait.ge [sflag:s29], $0x2400  }
0x116: {  	[sflag:s29] =	ssyncset.done $0x0  }
0x117: {  	s9 =	sadd.s32 $0x60, s3;
	[sflag:s29] =	ssyncadd.s32 $0xFFFFDC00  }
0x118: {  	[tilespmem:s23], [sflag:$0x1] =	stream.strided.gather [hbm4b:s9+s13], $0x2400, s22, s13, $0x38;
	[tilespmem:$0x1F800] =	vst v63  }
0x119: {  	_ =	swait.ge [sflag:s24], $0x2400  }
0x11a: {  	[sflag:s24] =	ssyncset.done $0x0  }
0x11b: {  	[sflag:s24] =	ssyncadd.s32 $0xFFFFDC00  }
0x11c: {  	[spmem:s19] =	stream.indirect.scatter.add.f32 [tilespmem:s23], [sflag:$0x3], $0x1, s10, s25, $0xb8;
	[tilespmem:$0x1F800] =	vst v63  }
0x11d: {  	_ =	swait.ge [sflag:s30], $0x2400  }
0x11e: {  	[sflag:s30] =	ssyncset.done $0x0  }
0x11f: {  	s3 =	sadd.s32 $0x70, s3;
	[sflag:s30] =	ssyncadd.s32 $0xFFFFDC00  }
0x120: {  	[tilespmem:s26], [sflag:$0x2] =	stream.strided.gather [hbm4b:s3+s13], $0x2400, s22, s13, $0x38;
	[tilespmem:$0x1F800] =	vst v63  }
0x121: {  	_ =	swait.ge [sflag:s28], $0x2400  }
0x122: {  	[sflag:s28] =	ssyncset.done $0x0  }
0x123: {  	[sflag:s28] =	ssyncadd.s32 $0xFFFFDC00  }
0x124: {  	[spmem:s20] =	stream.indirect.scatter.add.f32 [tilespmem:s26], [sflag:$0x4], $0x1, s10, s25, $0xb8;
	[tilespmem:$0x1F800] =	vst v63  }
0x125: {  	_ =	swait.ge [sflag:s29], $0x2400  }
0x126: {  	s7 =	rddreg [dreg:$0xe];
	[sflag:s29] =	ssyncset.done $0x0  }
0x127: {  	[sflag:s29] =	ssyncadd.s32 $0xFFFFDC00;
	s3 =	sadd.s32 $0x0, s7  }
0x128: {  	[tilespmem:s23], [sflag:$0x1] =	stream.strided.gather [hbm4b:s3+s13], $0x2400, s22, s13, $0x38;
	[tilespmem:$0x1F800] =	vst v63  }
0x129: {  	_ =	swait.ge [sflag:s24], $0x2400  }
0x12a: {  	[sflag:s24] =	ssyncset.done $0x0  }
0x12b: {  	[sflag:s24] =	ssyncadd.s32 $0xFFFFDC00  }
0x12c: {  	[spmem:s5] =	stream.indirect.scatter.add.f32 [tilespmem:s23], [sflag:$0x3], $0x1, s11, s25, $0xb8;
	[tilespmem:$0x1F800] =	vst v63  }
0x12d: {  	_ =	swait.ge [sflag:s30], $0x2400  }
0x12e: {  	[sflag:s30] =	ssyncset.done $0x0  }
0x12f: {  	s9 =	sadd.s32 $0x10, s3;
	[sflag:s30] =	ssyncadd.s32 $0xFFFFDC00  }
0x130: {  	[tilespmem:s26], [sflag:$0x2] =	stream.strided.gather [hbm4b:s9+s13], $0x2400, s22, s13, $0x38;
	[tilespmem:$0x1F800] =	vst v63  }
0x131: {  	_ =	swait.ge [sflag:s28], $0x2400  }
0x132: {  	[sflag:s28] =	ssyncset.done $0x0  }
0x133: {  	[sflag:s28] =	ssyncadd.s32 $0xFFFFDC00  }
0x134: {  	[spmem:s14] =	stream.indirect.scatter.add.f32 [tilespmem:s26], [sflag:$0x4], $0x1, s11, s25, $0xb8;
	[tilespmem:$0x1F800] =	vst v63  }
0x135: {  	_ =	swait.ge [sflag:s29], $0x2400  }
0x136: {  	[sflag:s29] =	ssyncset.done $0x0  }
0x137: {  	s10 =	sadd.s32 $0x20, s3;
	[sflag:s29] =	ssyncadd.s32 $0xFFFFDC00  }
0x138: {  	[tilespmem:s23], [sflag:$0x1] =	stream.strided.gather [hbm4b:s10+s13], $0x2400, s22, s13, $0x38;
	[tilespmem:$0x1F800] =	vst v63  }
0x139: {  	_ =	swait.ge [sflag:s24], $0x2400  }
0x13a: {  	[sflag:s24] =	ssyncset.done $0x0  }
0x13b: {  	[sflag:s24] =	ssyncadd.s32 $0xFFFFDC00  }
0x13c: {  	[spmem:s0] =	stream.indirect.scatter.add.f32 [tilespmem:s23], [sflag:$0x3], $0x1, s11, s25, $0xb8;
	[tilespmem:$0x1F800] =	vst v63  }
0x13d: {  	_ =	swait.ge [sflag:s30], $0x2400  }
0x13e: {  	[sflag:s30] =	ssyncset.done $0x0  }
0x13f: {  	s5 =	sadd.s32 $0x30, s3;
	[sflag:s30] =	ssyncadd.s32 $0xFFFFDC00  }
0x140: {  	[tilespmem:s26], [sflag:$0x2] =	stream.strided.gather [hbm4b:s5+s13], $0x2400, s22, s13, $0x38;
	[tilespmem:$0x1F800] =	vst v63  }
0x141: {  	_ =	swait.ge [sflag:s28], $0x2400  }
0x142: {  	[sflag:s28] =	ssyncset.done $0x0  }
0x143: {  	[sflag:s28] =	ssyncadd.s32 $0xFFFFDC00  }
0x144: {  	[spmem:s16] =	stream.indirect.scatter.add.f32 [tilespmem:s26], [sflag:$0x4], $0x1, s11, s25, $0xb8;
	[tilespmem:$0x1F800] =	vst v63  }
0x145: {  	_ =	swait.ge [sflag:s29], $0x2400  }
0x146: {  	[sflag:s29] =	ssyncset.done $0x0  }
0x147: {  	s7 =	sadd.s32 $0x40, s3;
	[sflag:s29] =	ssyncadd.s32 $0xFFFFDC00  }
0x148: {  	[tilespmem:s23], [sflag:$0x1] =	stream.strided.gather [hbm4b:s7+s13], $0x2400, s22, s13, $0x38;
	[tilespmem:$0x1F800] =	vst v63  }
0x149: {  	_ =	swait.ge [sflag:s24], $0x2400  }
0x14a: {  	[sflag:s24] =	ssyncset.done $0x0  }
0x14b: {  	[sflag:s24] =	ssyncadd.s32 $0xFFFFDC00  }
0x14c: {  	[spmem:s31] =	stream.indirect.scatter.add.f32 [tilespmem:s23], [sflag:$0x3], $0x1, s11, s25, $0xb8;
	[tilespmem:$0x1F800] =	vst v63  }
0x14d: {  	_ =	swait.ge [sflag:s30], $0x2400  }
0x14e: {  	[sflag:s30] =	ssyncset.done $0x0  }
0x14f: {  	s9 =	sadd.s32 $0x50, s3;
	[sflag:s30] =	ssyncadd.s32 $0xFFFFDC00  }
0x150: {  	[tilespmem:s26], [sflag:$0x2] =	stream.strided.gather [hbm4b:s9+s13], $0x2400, s22, s13, $0x38;
	[tilespmem:$0x1F800] =	vst v63  }
0x151: {  	_ =	swait.ge [sflag:s28], $0x2400  }
0x152: {  	[sflag:s28] =	ssyncset.done $0x0  }
0x153: {  	[sflag:s28] =	ssyncadd.s32 $0xFFFFDC00  }
0x154: {  	[spmem:s12] =	stream.indirect.scatter.add.f32 [tilespmem:s26], [sflag:$0x4], $0x1, s11, s25, $0xb8;
	[tilespmem:$0x1F800] =	vst v63  }
0x155: {  	_ =	swait.ge [sflag:s29], $0x2400  }
0x156: {  	[sflag:s29] =	ssyncset.done $0x0  }
0x157: {  	s10 =	sadd.s32 $0x60, s3;
	[sflag:s29] =	ssyncadd.s32 $0xFFFFDC00  }
0x158: {  	[tilespmem:s23], [sflag:$0x1] =	stream.strided.gather [hbm4b:s10+s13], $0x2400, s22, s13, $0x38;
	[tilespmem:$0x1F800] =	vst v63  }
0x159: {  	_ =	swait.ge [sflag:s24], $0x2400  }
0x15a: {  	[sflag:s24] =	ssyncset.done $0x0  }
0x15b: {  	[sflag:s24] =	ssyncadd.s32 $0xFFFFDC00  }
0x15c: {  	[spmem:s19] =	stream.indirect.scatter.add.f32 [tilespmem:s23], [sflag:$0x3], $0x1, s11, s25, $0xb8;
	[tilespmem:$0x1F800] =	vst v63  }
0x15d: {  	_ =	swait.ge [sflag:s30], $0x2400  }
0x15e: {  	[sflag:s30] =	ssyncset.done $0x0  }
0x15f: {  	s3 =	sadd.s32 $0x70, s3;
	[sflag:s30] =	ssyncadd.s32 $0xFFFFDC00  }
0x160: {  	[tilespmem:s26], [sflag:$0x2] =	stream.strided.gather [hbm4b:s3+s13], $0x2400, s22, s13, $0x38;
	[tilespmem:$0x1F800] =	vst v63  }
0x161: {  	_ =	swait.ge [sflag:s28], $0x2400  }
0x162: {  	[sflag:s28] =	ssyncset.done $0x0  }
0x163: {  	[sflag:s28] =	ssyncadd.s32 $0xFFFFDC00  }
0x164: {  	[spmem:s20] =	stream.indirect.scatter.add.f32 [tilespmem:s26], [sflag:$0x4], $0x1, s11, s25, $0xb8;
	[tilespmem:$0x1F800] =	vst v63  }
0x165: {  	_ =	swait.ge [sflag:s29], $0x2400  }
0x166: {  	[sflag:s29] =	ssyncset.done $0x0  }
0x167: {  	s0 =	smin.u32 s24, $0xB;
	[sflag:s29] =	ssyncadd.s32 $0xFFFFDC00  }
0x168: {  	s3 =	smul.u32 $0x480000, s0;
	_ =	swait.ge [sflag:s30], $0x2400  }
0x169: {  	s4 =	rddreg [dreg:$0x15];
	[sflag:s30] =	ssyncset.done $0x0  }
0x16a: {  	s3 =	sadd.s32 s3, s4;
	[sflag:s30] =	ssyncadd.s32 $0xFFFFDC00  }
0x16b: {  	s3 =	sshrl.u32 s3, $0x3;
	s5 =	rddreg [dreg:$0x0]  }
0x16c: {  	s3 =	sadd.s32 s5, s3  }
0x16d: {  	[tilespmem:s23], [sflag:$0x1] =	stream.strided.gather [hbm4b:s3+s13], $0x2400, s22, s13, $0x38;
	[tilespmem:$0x1F800] =	vst v63  }
0x16e: {  	[bflag:$0x0] =	sbarrier.arrive $0xFFFF  }
0x16f: {  	s0 =	sld [smem:$0x7FD];
	_ =	sdelay $0x1  }
0x170: {  	s9 =	simm.s32 $0x10;
	s3 =	sor.u32 $0x1C03, s2  }
0x171: {  	s7 =	sadd.s32 $0xFFFFFF90, s0;
	s10 =	sadd.s32 $0xFFFFFFB0, s0;
	s11 =	sadd.s32 $0xFFFFFFA0, s0  }
0x172: {  	[hbm:s7@s13], [sflag:s3] =	dma.strided [spmem:s6@s9], $0x480, s24, $0x10   }
0x173: {  	[hbm:s11@s13], [sflag:s3] =	dma.strided [spmem:s17@s9], $0x480, s24, $0x10   }
0x174: {  	[hbm:s10@s13], [sflag:s3] =	dma.strided [spmem:s18@s9], $0x480, s24, $0x10   }
0x175: {  	s4 =	sadd.s32 $0xFFFFFFC0, s0;
	s5 =	sadd.s32 $0xFFFFFFD0, s0;
	s10 =	rddreg [dreg:$0x16]  }
0x176: {  	[hbm:s4@s13], [sflag:s3] =	dma.strided [spmem:s10@s9], $0x480, s24, $0x10   }
0x177: {  	s7 =	sadd.s32 $0xFFFFFFE0, s0;
	s4 =	sadd.s32 $0xFFFFFFF0, s0;
	s11 =	rddreg [dreg:$0x17]  }
0x178: {  	[hbm:s5@s13], [sflag:s3] =	dma.strided [spmem:s11@s9], $0x480, s24, $0x10   }
0x179: {  	[hbm:s7@s13], [sflag:s3] =	dma.strided [spmem:s21@s9], $0x480, s24, $0x10   }
0x17a: {  	[hbm:s4@s13], [sflag:s3] =	dma.strided [spmem:s15@s9], $0x480, s24, $0x10   }
0x17b: {  	[dreg:$0x1b] =	wrdreg s3  }
0x17c: {  	[hbm:s0@s13], [sflag:s3] =	dma.strided [spmem:s8@s9], $0x480, s24, $0x10   }
0x17d: {  	_ =	swait.ge [sflag:s29], $0x480  }
0x17e: {  	[sflag:s29] =	ssyncset.done $0x0  }
0x17f: {  	s2 =	sor.u32 $0x1C04, s2;
	[dreg:$0x12] =	wrdreg s6;
	[sflag:s29] =	ssyncadd.s32 $0xFFFFFB80  }
0x180: {  	[spmem:s6], [sflag:s2] =	dma.local [hbm:s1], $0x480  }
0x181: {  	_ =	swait.ge [sflag:s29], $0x480  }
0x182: {  	[sflag:s29] =	ssyncset.done $0x0  }
0x183: {  	[dreg:$0x13] =	wrdreg s17;
	[sflag:s29] =	ssyncadd.s32 $0xFFFFFB80  }
0x184: {  	[spmem:s17], [sflag:s2] =	dma.local [hbm:s1], $0x480  }
0x185: {  	_ =	swait.ge [sflag:s29], $0x480  }
0x186: {  	[sflag:s29] =	ssyncset.done $0x0  }
0x187: {  	[dreg:$0x14] =	wrdreg s18;
	[sflag:s29] =	ssyncadd.s32 $0xFFFFFB80  }
0x188: {  	[spmem:s18], [sflag:s2] =	dma.local [hbm:s1], $0x480  }
0x189: {  	_ =	swait.ge [sflag:s29], $0x480  }
0x18a: {  	[sflag:s29] =	ssyncset.done $0x0  }
0x18b: {  	[sflag:s29] =	ssyncadd.s32 $0xFFFFFB80  }
0x18c: {  	[spmem:s10], [sflag:s2] =	dma.local [hbm:s1], $0x480  }
0x18d: {  	_ =	swait.ge [sflag:s29], $0x480  }
0x18e: {  	[sflag:s29] =	ssyncset.done $0x0  }
0x18f: {  	[sflag:s29] =	ssyncadd.s32 $0xFFFFFB80  }
0x190: {  	[spmem:s11], [sflag:s2] =	dma.local [hbm:s1], $0x480  }
0x191: {  	_ =	swait.ge [sflag:s29], $0x480  }
0x192: {  	[sflag:s29] =	ssyncset.done $0x0  }
0x193: {  	[dreg:$0x18] =	wrdreg s21;
	[sflag:s29] =	ssyncadd.s32 $0xFFFFFB80  }
0x194: {  	[spmem:s21], [sflag:s2] =	dma.local [hbm:s1], $0x480  }
0x195: {  	_ =	swait.ge [sflag:s29], $0x480  }
0x196: {  	[sflag:s29] =	ssyncset.done $0x0  }
0x197: {  	[dreg:$0x19] =	wrdreg s15;
	[sflag:s29] =	ssyncadd.s32 $0xFFFFFB80  }
0x198: {  	[spmem:s15], [sflag:s2] =	dma.local [hbm:s1], $0x480  }
0x199: {  	_ =	swait.ge [sflag:s29], $0x480  }
0x19a: {  	[sflag:s29] =	ssyncset.done $0x0  }
0x19b: {  	[dreg:$0x1a] =	wrdreg s8;
	[sflag:s29] =	ssyncadd.s32 $0xFFFFFB80  }
0x19c: {  	[spmem:s8], [sflag:s2] =	dma.local [hbm:s1], $0x480  }
0x19d: {  	_ =	swait.ge [sflag:s30], $0x480  }
0x19e: {  	[sflag:s30] =	ssyncset.done $0x0  }
0x19f: {  	[sflag:s30] =	ssyncadd.s32 $0xFFFFFB80  }
0x1a0: {  	_ =	swait.ge [sflag:s30], $0x480  }
0x1a1: {  	[sflag:s30] =	ssyncset.done $0x0  }
0x1a2: {  	[sflag:s30] =	ssyncadd.s32 $0xFFFFFB80  }
0x1a3: {  	_ =	swait.ge [sflag:s30], $0x480  }
0x1a4: {  	[sflag:s30] =	ssyncset.done $0x0  }
0x1a5: {  	[sflag:s30] =	ssyncadd.s32 $0xFFFFFB80  }
0x1a6: {  	_ =	swait.ge [sflag:s30], $0x480  }
0x1a7: {  	[sflag:s30] =	ssyncset.done $0x0  }
0x1a8: {  	[sflag:s30] =	ssyncadd.s32 $0xFFFFFB80  }
0x1a9: {  	_ =	swait.ge [sflag:s30], $0x480  }
0x1aa: {  	[sflag:s30] =	ssyncset.done $0x0  }
0x1ab: {  	[sflag:s30] =	ssyncadd.s32 $0xFFFFFB80  }
0x1ac: {  	_ =	swait.ge [sflag:s30], $0x480  }
0x1ad: {  	[sflag:s30] =	ssyncset.done $0x0  }
0x1ae: {  	[sflag:s30] =	ssyncadd.s32 $0xFFFFFB80  }
0x1af: {  	_ =	swait.ge [sflag:s30], $0x480  }
0x1b0: {  	[sflag:s30] =	ssyncset.done $0x0  }
0x1b1: {  	[sflag:s30] =	ssyncadd.s32 $0xFFFFFB80  }
0x1b2: {  	_ =	swait.ge [sflag:s30], $0x480  }
0x1b3: {  	s5 =	smov.u32 s0;
	[sflag:s30] =	ssyncset.done $0x0  }
0x1b4: {  	s4 =	simm.s32 $0x90000;
	s18 =	simm.s32 $0x1;
	[sflag:s30] =	ssyncadd.s32 $0xFFFFFB80  }
.LBB2_2:
0x1b5: {  	[bflag:$0x0] =	sbarrier.arrive $0xFFFF  }
0x1b6: {  	_ =	swait.ge [sflag:s24], $0x2400  }
0x1b7: {  	[sflag:s24] =	ssyncset.done $0x0  }
0x1b8: {  	s8 =	smov.u32 s4;
	s0 =	rddreg [dreg:$0x11];
	[sflag:s24] =	ssyncadd.s32 $0xFFFFDC00  }
0x1b9: {  	s3 =	simm.s32 $0x12000;
	s9 =	sadd.s32 s8, s0;
	s11 =	rddreg [dreg:$0x5]  }
0x1ba: {  	[spmem:s11] =	stream.indirect.scatter.add.f32 [tilespmem:s23], [sflag:$0x3], $0x1, s3, s25, $0xb8;
	[tilespmem:$0x1F800] =	vst v63  }
0x1bb: {  	s10 =	sadd.s32 $0x10, s9  }
0x1bc: {  	[tilespmem:s26], [sflag:$0x2] =	stream.strided.gather [hbm4b:s10+s13], $0x2400, s22, s13, $0x38;
	[tilespmem:$0x1F800] =	vst v63  }
0x1bd: {  	_ =	swait.ge [sflag:s28], $0x2400  }
0x1be: {  	[sflag:s28] =	ssyncset.done $0x0  }
0x1bf: {  	[sflag:s28] =	ssyncadd.s32 $0xFFFFDC00  }
0x1c0: {  	[spmem:s14] =	stream.indirect.scatter.add.f32 [tilespmem:s26], [sflag:$0x4], $0x1, s3, s25, $0xb8;
	[tilespmem:$0x1F800] =	vst v63  }
0x1c1: {  	_ =	swait.ge [sflag:s29], $0x2400  }
0x1c2: {  	[sflag:s29] =	ssyncset.done $0x0  }
0x1c3: {  	s6 =	sadd.s32 $0x20, s9;
	[sflag:s29] =	ssyncadd.s32 $0xFFFFDC00  }
0x1c4: {  	[tilespmem:s23], [sflag:$0x1] =	stream.strided.gather [hbm4b:s6+s13], $0x2400, s22, s13, $0x38;
	[tilespmem:$0x1F800] =	vst v63  }
0x1c5: {  	_ =	swait.ge [sflag:s24], $0x2400  }
0x1c6: {  	[sflag:s24] =	ssyncset.done $0x0  }
0x1c7: {  	[sflag:s24] =	ssyncadd.s32 $0xFFFFDC00  }
0x1c8: {  	s6 =	rddreg [dreg:$0x7]  }
0x1c9: {  	[spmem:s6] =	stream.indirect.scatter.add.f32 [tilespmem:s23], [sflag:$0x3], $0x1, s3, s25, $0xb8;
	[tilespmem:$0x1F800] =	vst v63  }
0x1ca: {  	_ =	swait.ge [sflag:s30], $0x2400  }
0x1cb: {  	[sflag:s30] =	ssyncset.done $0x0  }
0x1cc: {  	s7 =	sadd.s32 $0x30, s9;
	[sflag:s30] =	ssyncadd.s32 $0xFFFFDC00  }
0x1cd: {  	[tilespmem:s26], [sflag:$0x2] =	stream.strided.gather [hbm4b:s7+s13], $0x2400, s22, s13, $0x38;
	[tilespmem:$0x1F800] =	vst v63  }
0x1ce: {  	_ =	swait.ge [sflag:s28], $0x2400  }
0x1cf: {  	[sflag:s28] =	ssyncset.done $0x0  }
0x1d0: {  	[sflag:s28] =	ssyncadd.s32 $0xFFFFDC00  }
0x1d1: {  	[spmem:s16] =	stream.indirect.scatter.add.f32 [tilespmem:s26], [sflag:$0x4], $0x1, s3, s25, $0xb8;
	[tilespmem:$0x1F800] =	vst v63  }
0x1d2: {  	_ =	swait.ge [sflag:s29], $0x2400  }
0x1d3: {  	[sflag:s29] =	ssyncset.done $0x0  }
0x1d4: {  	s15 =	sadd.s32 $0x40, s9;
	[sflag:s29] =	ssyncadd.s32 $0xFFFFDC00  }
0x1d5: {  	[tilespmem:s23], [sflag:$0x1] =	stream.strided.gather [hbm4b:s15+s13], $0x2400, s22, s13, $0x38;
	[tilespmem:$0x1F800] =	vst v63  }
0x1d6: {  	_ =	swait.ge [sflag:s24], $0x2400  }
0x1d7: {  	[sflag:s24] =	ssyncset.done $0x0  }
0x1d8: {  	[sflag:s24] =	ssyncadd.s32 $0xFFFFDC00  }
0x1d9: {  	[spmem:s31] =	stream.indirect.scatter.add.f32 [tilespmem:s23], [sflag:$0x3], $0x1, s3, s25, $0xb8;
	[tilespmem:$0x1F800] =	vst v63  }
0x1da: {  	_ =	swait.ge [sflag:s30], $0x2400  }
0x1db: {  	[sflag:s30] =	ssyncset.done $0x0  }
0x1dc: {  	s17 =	sadd.s32 $0x50, s9;
	[sflag:s30] =	ssyncadd.s32 $0xFFFFDC00  }
0x1dd: {  	[tilespmem:s26], [sflag:$0x2] =	stream.strided.gather [hbm4b:s17+s13], $0x2400, s22, s13, $0x38;
	[tilespmem:$0x1F800] =	vst v63  }
0x1de: {  	_ =	swait.ge [sflag:s28], $0x2400  }
0x1df: {  	[sflag:s28] =	ssyncset.done $0x0  }
0x1e0: {  	[sflag:s28] =	ssyncadd.s32 $0xFFFFDC00  }
0x1e1: {  	[spmem:s12] =	stream.indirect.scatter.add.f32 [tilespmem:s26], [sflag:$0x4], $0x1, s3, s25, $0xb8;
	[tilespmem:$0x1F800] =	vst v63  }
0x1e2: {  	_ =	swait.ge [sflag:s29], $0x2400  }
0x1e3: {  	[sflag:s29] =	ssyncset.done $0x0  }
0x1e4: {  	s21 =	sadd.s32 $0x60, s9;
	[sflag:s29] =	ssyncadd.s32 $0xFFFFDC00  }
0x1e5: {  	[tilespmem:s23], [sflag:$0x1] =	stream.strided.gather [hbm4b:s21+s13], $0x2400, s22, s13, $0x38;
	[tilespmem:$0x1F800] =	vst v63  }
0x1e6: {  	_ =	swait.ge [sflag:s24], $0x2400  }
0x1e7: {  	[sflag:s24] =	ssyncset.done $0x0  }
0x1e8: {  	[sflag:s24] =	ssyncadd.s32 $0xFFFFDC00  }
0x1e9: {  	[spmem:s19] =	stream.indirect.scatter.add.f32 [tilespmem:s23], [sflag:$0x3], $0x1, s3, s25, $0xb8;
	[tilespmem:$0x1F800] =	vst v63  }
0x1ea: {  	_ =	swait.ge [sflag:s30], $0x2400  }
0x1eb: {  	[sflag:s30] =	ssyncset.done $0x0  }
0x1ec: {  	s9 =	sadd.s32 $0x70, s9;
	[sflag:s30] =	ssyncadd.s32 $0xFFFFDC00  }
0x1ed: {  	[tilespmem:s26], [sflag:$0x2] =	stream.strided.gather [hbm4b:s9+s13], $0x2400, s22, s13, $0x38;
	[tilespmem:$0x1F800] =	vst v63  }
0x1ee: {  	_ =	swait.ge [sflag:s28], $0x2400  }
0x1ef: {  	[sflag:s28] =	ssyncset.done $0x0  }
0x1f0: {  	[sflag:s28] =	ssyncadd.s32 $0xFFFFDC00  }
0x1f1: {  	[spmem:s20] =	stream.indirect.scatter.add.f32 [tilespmem:s26], [sflag:$0x4], $0x1, s3, s25, $0xb8;
	[tilespmem:$0x1F800] =	vst v63  }
0x1f2: {  	_ =	swait.ge [sflag:s29], $0x2400  }
0x1f3: {  	s3 =	rddreg [dreg:$0x10];
	[sflag:s29] =	ssyncset.done $0x0  }
0x1f4: {  	[sflag:s29] =	ssyncadd.s32 $0xFFFFDC00;
	s9 =	sadd.s32 s8, s3  }
0x1f5: {  	[tilespmem:s23], [sflag:$0x1] =	stream.strided.gather [hbm4b:s9+s13], $0x2400, s22, s13, $0x38;
	[tilespmem:$0x1F800] =	vst v63  }
0x1f6: {  	_ =	swait.ge [sflag:s24], $0x2400  }
0x1f7: {  	[sflag:s24] =	ssyncset.done $0x0  }
0x1f8: {  	s0 =	simm.s32 $0x14400;
	[sflag:s24] =	ssyncadd.s32 $0xFFFFDC00  }
0x1f9: {  	[spmem:s11] =	stream.indirect.scatter.add.f32 [tilespmem:s23], [sflag:$0x3], $0x1, s0, s25, $0xb8;
	[tilespmem:$0x1F800] =	vst v63  }
0x1fa: {  	_ =	swait.ge [sflag:s30], $0x2400  }
0x1fb: {  	[sflag:s30] =	ssyncset.done $0x0  }
0x1fc: {  	s7 =	sadd.s32 $0x10, s9;
	[sflag:s30] =	ssyncadd.s32 $0xFFFFDC00  }
0x1fd: {  	[tilespmem:s26], [sflag:$0x2] =	stream.strided.gather [hbm4b:s7+s13], $0x2400, s22, s13, $0x38;
	[tilespmem:$0x1F800] =	vst v63  }
0x1fe: {  	_ =	swait.ge [sflag:s28], $0x2400  }
0x1ff: {  	[sflag:s28] =	ssyncset.done $0x0  }
0x200: {  	[sflag:s28] =	ssyncadd.s32 $0xFFFFDC00  }
0x201: {  	[spmem:s14] =	stream.indirect.scatter.add.f32 [tilespmem:s26], [sflag:$0x4], $0x1, s0, s25, $0xb8;
	[tilespmem:$0x1F800] =	vst v63  }
0x202: {  	_ =	swait.ge [sflag:s29], $0x2400  }
0x203: {  	[sflag:s29] =	ssyncset.done $0x0  }
0x204: {  	s15 =	sadd.s32 $0x20, s9;
	[sflag:s29] =	ssyncadd.s32 $0xFFFFDC00  }
0x205: {  	[tilespmem:s23], [sflag:$0x1] =	stream.strided.gather [hbm4b:s15+s13], $0x2400, s22, s13, $0x38;
	[tilespmem:$0x1F800] =	vst v63  }
0x206: {  	_ =	swait.ge [sflag:s24], $0x2400  }
0x207: {  	[sflag:s24] =	ssyncset.done $0x0  }
0x208: {  	[sflag:s24] =	ssyncadd.s32 $0xFFFFDC00  }
0x209: {  	[spmem:s6] =	stream.indirect.scatter.add.f32 [tilespmem:s23], [sflag:$0x3], $0x1, s0, s25, $0xb8;
	[tilespmem:$0x1F800] =	vst v63  }
0x20a: {  	_ =	swait.ge [sflag:s30], $0x2400  }
0x20b: {  	[sflag:s30] =	ssyncset.done $0x0  }
0x20c: {  	s17 =	sadd.s32 $0x30, s9;
	[sflag:s30] =	ssyncadd.s32 $0xFFFFDC00  }
0x20d: {  	[tilespmem:s26], [sflag:$0x2] =	stream.strided.gather [hbm4b:s17+s13], $0x2400, s22, s13, $0x38;
	[tilespmem:$0x1F800] =	vst v63  }
0x20e: {  	_ =	swait.ge [sflag:s28], $0x2400  }
0x20f: {  	[sflag:s28] =	ssyncset.done $0x0  }
0x210: {  	[sflag:s28] =	ssyncadd.s32 $0xFFFFDC00  }
0x211: {  	[spmem:s16] =	stream.indirect.scatter.add.f32 [tilespmem:s26], [sflag:$0x4], $0x1, s0, s25, $0xb8;
	[tilespmem:$0x1F800] =	vst v63  }
0x212: {  	_ =	swait.ge [sflag:s29], $0x2400  }
0x213: {  	[sflag:s29] =	ssyncset.done $0x0  }
0x214: {  	s21 =	sadd.s32 $0x40, s9;
	[sflag:s29] =	ssyncadd.s32 $0xFFFFDC00  }
0x215: {  	[tilespmem:s23], [sflag:$0x1] =	stream.strided.gather [hbm4b:s21+s13], $0x2400, s22, s13, $0x38;
	[tilespmem:$0x1F800] =	vst v63  }
0x216: {  	_ =	swait.ge [sflag:s24], $0x2400  }
0x217: {  	[sflag:s24] =	ssyncset.done $0x0  }
0x218: {  	[sflag:s24] =	ssyncadd.s32 $0xFFFFDC00  }
0x219: {  	[spmem:s31] =	stream.indirect.scatter.add.f32 [tilespmem:s23], [sflag:$0x3], $0x1, s0, s25, $0xb8;
	[tilespmem:$0x1F800] =	vst v63  }
0x21a: {  	_ =	swait.ge [sflag:s30], $0x2400  }
0x21b: {  	[sflag:s30] =	ssyncset.done $0x0  }
0x21c: {  	s3 =	sadd.s32 $0x50, s9;
	[sflag:s30] =	ssyncadd.s32 $0xFFFFDC00  }
0x21d: {  	[tilespmem:s26], [sflag:$0x2] =	stream.strided.gather [hbm4b:s3+s13], $0x2400, s22, s13, $0x38;
	[tilespmem:$0x1F800] =	vst v63  }
0x21e: {  	_ =	swait.ge [sflag:s28], $0x2400  }
0x21f: {  	[sflag:s28] =	ssyncset.done $0x0  }
0x220: {  	[sflag:s28] =	ssyncadd.s32 $0xFFFFDC00  }
0x221: {  	[spmem:s12] =	stream.indirect.scatter.add.f32 [tilespmem:s26], [sflag:$0x4], $0x1, s0, s25, $0xb8;
	[tilespmem:$0x1F800] =	vst v63  }
0x222: {  	_ =	swait.ge [sflag:s29], $0x2400  }
0x223: {  	[sflag:s29] =	ssyncset.done $0x0  }
0x224: {  	s7 =	sadd.s32 $0x60, s9;
	[sflag:s29] =	ssyncadd.s32 $0xFFFFDC00  }
0x225: {  	[tilespmem:s23], [sflag:$0x1] =	stream.strided.gather [hbm4b:s7+s13], $0x2400, s22, s13, $0x38;
	[tilespmem:$0x1F800] =	vst v63  }
0x226: {  	_ =	swait.ge [sflag:s24], $0x2400  }
0x227: {  	[sflag:s24] =	ssyncset.done $0x0  }
0x228: {  	[sflag:s24] =	ssyncadd.s32 $0xFFFFDC00  }
0x229: {  	[spmem:s19] =	stream.indirect.scatter.add.f32 [tilespmem:s23], [sflag:$0x3], $0x1, s0, s25, $0xb8;
	[tilespmem:$0x1F800] =	vst v63  }
0x22a: {  	_ =	swait.ge [sflag:s30], $0x2400  }
0x22b: {  	[sflag:s30] =	ssyncset.done $0x0  }
0x22c: {  	s9 =	sadd.s32 $0x70, s9;
	[sflag:s30] =	ssyncadd.s32 $0xFFFFDC00  }
0x22d: {  	[tilespmem:s26], [sflag:$0x2] =	stream.strided.gather [hbm4b:s9+s13], $0x2400, s22, s13, $0x38;
	[tilespmem:$0x1F800] =	vst v63  }
0x22e: {  	_ =	swait.ge [sflag:s28], $0x2400  }
0x22f: {  	[sflag:s28] =	ssyncset.done $0x0  }
0x230: {  	[sflag:s28] =	ssyncadd.s32 $0xFFFFDC00  }
0x231: {  	[spmem:s20] =	stream.indirect.scatter.add.f32 [tilespmem:s26], [sflag:$0x4], $0x1, s0, s25, $0xb8;
	[tilespmem:$0x1F800] =	vst v63  }
0x232: {  	_ =	swait.ge [sflag:s29], $0x2400  }
0x233: {  	s10 =	rddreg [dreg:$0xf];
	[sflag:s29] =	ssyncset.done $0x0  }
0x234: {  	[sflag:s29] =	ssyncadd.s32 $0xFFFFDC00;
	s9 =	sadd.s32 s8, s10  }
0x235: {  	[tilespmem:s23], [sflag:$0x1] =	stream.strided.gather [hbm4b:s9+s13], $0x2400, s22, s13, $0x38;
	[tilespmem:$0x1F800] =	vst v63  }
0x236: {  	_ =	swait.ge [sflag:s24], $0x2400  }
0x237: {  	[sflag:s24] =	ssyncset.done $0x0  }
0x238: {  	s0 =	simm.s32 $0x16800;
	[sflag:s24] =	ssyncadd.s32 $0xFFFFDC00  }
0x239: {  	[spmem:s11] =	stream.indirect.scatter.add.f32 [tilespmem:s23], [sflag:$0x3], $0x1, s0, s25, $0xb8;
	[tilespmem:$0x1F800] =	vst v63  }
0x23a: {  	_ =	swait.ge [sflag:s30], $0x2400  }
0x23b: {  	[sflag:s30] =	ssyncset.done $0x0  }
0x23c: {  	s15 =	sadd.s32 $0x10, s9;
	[sflag:s30] =	ssyncadd.s32 $0xFFFFDC00  }
0x23d: {  	[tilespmem:s26], [sflag:$0x2] =	stream.strided.gather [hbm4b:s15+s13], $0x2400, s22, s13, $0x38;
	[tilespmem:$0x1F800] =	vst v63  }
0x23e: {  	_ =	swait.ge [sflag:s28], $0x2400  }
0x23f: {  	[sflag:s28] =	ssyncset.done $0x0  }
0x240: {  	[sflag:s28] =	ssyncadd.s32 $0xFFFFDC00  }
0x241: {  	[spmem:s14] =	stream.indirect.scatter.add.f32 [tilespmem:s26], [sflag:$0x4], $0x1, s0, s25, $0xb8;
	[tilespmem:$0x1F800] =	vst v63  }
0x242: {  	_ =	swait.ge [sflag:s29], $0x2400  }
0x243: {  	[sflag:s29] =	ssyncset.done $0x0  }
0x244: {  	s17 =	sadd.s32 $0x20, s9;
	[sflag:s29] =	ssyncadd.s32 $0xFFFFDC00  }
0x245: {  	[tilespmem:s23], [sflag:$0x1] =	stream.strided.gather [hbm4b:s17+s13], $0x2400, s22, s13, $0x38;
	[tilespmem:$0x1F800] =	vst v63  }
0x246: {  	_ =	swait.ge [sflag:s24], $0x2400  }
0x247: {  	[sflag:s24] =	ssyncset.done $0x0  }
0x248: {  	[sflag:s24] =	ssyncadd.s32 $0xFFFFDC00  }
0x249: {  	[spmem:s6] =	stream.indirect.scatter.add.f32 [tilespmem:s23], [sflag:$0x3], $0x1, s0, s25, $0xb8;
	[tilespmem:$0x1F800] =	vst v63  }
0x24a: {  	_ =	swait.ge [sflag:s30], $0x2400  }
0x24b: {  	[sflag:s30] =	ssyncset.done $0x0  }
0x24c: {  	s21 =	sadd.s32 $0x30, s9;
	[sflag:s30] =	ssyncadd.s32 $0xFFFFDC00  }
0x24d: {  	[tilespmem:s26], [sflag:$0x2] =	stream.strided.gather [hbm4b:s21+s13], $0x2400, s22, s13, $0x38;
	[tilespmem:$0x1F800] =	vst v63  }
0x24e: {  	_ =	swait.ge [sflag:s28], $0x2400  }
0x24f: {  	[sflag:s28] =	ssyncset.done $0x0  }
0x250: {  	[sflag:s28] =	ssyncadd.s32 $0xFFFFDC00  }
0x251: {  	[spmem:s16] =	stream.indirect.scatter.add.f32 [tilespmem:s26], [sflag:$0x4], $0x1, s0, s25, $0xb8;
	[tilespmem:$0x1F800] =	vst v63  }
0x252: {  	_ =	swait.ge [sflag:s29], $0x2400  }
0x253: {  	[sflag:s29] =	ssyncset.done $0x0  }
0x254: {  	s3 =	sadd.s32 $0x40, s9;
	[sflag:s29] =	ssyncadd.s32 $0xFFFFDC00  }
0x255: {  	[tilespmem:s23], [sflag:$0x1] =	stream.strided.gather [hbm4b:s3+s13], $0x2400, s22, s13, $0x38;
	[tilespmem:$0x1F800] =	vst v63  }
0x256: {  	_ =	swait.ge [sflag:s24], $0x2400  }
0x257: {  	[sflag:s24] =	ssyncset.done $0x0  }
0x258: {  	[sflag:s24] =	ssyncadd.s32 $0xFFFFDC00  }
0x259: {  	[spmem:s31] =	stream.indirect.scatter.add.f32 [tilespmem:s23], [sflag:$0x3], $0x1, s0, s25, $0xb8;
	[tilespmem:$0x1F800] =	vst v63  }
0x25a: {  	_ =	swait.ge [sflag:s30], $0x2400  }
0x25b: {  	[sflag:s30] =	ssyncset.done $0x0  }
0x25c: {  	s7 =	sadd.s32 $0x50, s9;
	[sflag:s30] =	ssyncadd.s32 $0xFFFFDC00  }
0x25d: {  	[tilespmem:s26], [sflag:$0x2] =	stream.strided.gather [hbm4b:s7+s13], $0x2400, s22, s13, $0x38;
	[tilespmem:$0x1F800] =	vst v63  }
0x25e: {  	_ =	swait.ge [sflag:s28], $0x2400  }
0x25f: {  	[sflag:s28] =	ssyncset.done $0x0  }
0x260: {  	[sflag:s28] =	ssyncadd.s32 $0xFFFFDC00  }
0x261: {  	[spmem:s12] =	stream.indirect.scatter.add.f32 [tilespmem:s26], [sflag:$0x4], $0x1, s0, s25, $0xb8;
	[tilespmem:$0x1F800] =	vst v63  }
0x262: {  	_ =	swait.ge [sflag:s29], $0x2400  }
0x263: {  	[sflag:s29] =	ssyncset.done $0x0  }
0x264: {  	s15 =	sadd.s32 $0x60, s9;
	[sflag:s29] =	ssyncadd.s32 $0xFFFFDC00  }
0x265: {  	[tilespmem:s23], [sflag:$0x1] =	stream.strided.gather [hbm4b:s15+s13], $0x2400, s22, s13, $0x38;
	[tilespmem:$0x1F800] =	vst v63  }
0x266: {  	_ =	swait.ge [sflag:s24], $0x2400  }
0x267: {  	[sflag:s24] =	ssyncset.done $0x0  }
0x268: {  	[sflag:s24] =	ssyncadd.s32 $0xFFFFDC00  }
0x269: {  	[spmem:s19] =	stream.indirect.scatter.add.f32 [tilespmem:s23], [sflag:$0x3], $0x1, s0, s25, $0xb8;
	[tilespmem:$0x1F800] =	vst v63  }
0x26a: {  	_ =	swait.ge [sflag:s30], $0x2400  }
0x26b: {  	[sflag:s30] =	ssyncset.done $0x0  }
0x26c: {  	s9 =	sadd.s32 $0x70, s9;
	[sflag:s30] =	ssyncadd.s32 $0xFFFFDC00  }
0x26d: {  	[tilespmem:s26], [sflag:$0x2] =	stream.strided.gather [hbm4b:s9+s13], $0x2400, s22, s13, $0x38;
	[tilespmem:$0x1F800] =	vst v63  }
0x26e: {  	_ =	swait.ge [sflag:s28], $0x2400  }
0x26f: {  	[sflag:s28] =	ssyncset.done $0x0  }
0x270: {  	[sflag:s28] =	ssyncadd.s32 $0xFFFFDC00  }
0x271: {  	[spmem:s20] =	stream.indirect.scatter.add.f32 [tilespmem:s26], [sflag:$0x4], $0x1, s0, s25, $0xb8;
	[tilespmem:$0x1F800] =	vst v63  }
0x272: {  	_ =	swait.ge [sflag:s29], $0x2400  }
0x273: {  	s17 =	rddreg [dreg:$0xe];
	[sflag:s29] =	ssyncset.done $0x0  }
0x274: {  	[sflag:s29] =	ssyncadd.s32 $0xFFFFDC00;
	s8 =	sadd.s32 s8, s17  }
0x275: {  	[tilespmem:s23], [sflag:$0x1] =	stream.strided.gather [hbm4b:s8+s13], $0x2400, s22, s13, $0x38;
	[tilespmem:$0x1F800] =	vst v63  }
0x276: {  	_ =	swait.ge [sflag:s24], $0x2400  }
0x277: {  	[sflag:s24] =	ssyncset.done $0x0  }
0x278: {  	s21 =	simm.s32 $0x18C00;
	[sflag:s24] =	ssyncadd.s32 $0xFFFFDC00  }
0x279: {  	[spmem:s11] =	stream.indirect.scatter.add.f32 [tilespmem:s23], [sflag:$0x3], $0x1, s21, s25, $0xb8;
	[tilespmem:$0x1F800] =	vst v63  }
0x27a: {  	_ =	swait.ge [sflag:s30], $0x2400  }
0x27b: {  	[sflag:s30] =	ssyncset.done $0x0  }
0x27c: {  	s9 =	sadd.s32 $0x10, s8;
	[sflag:s30] =	ssyncadd.s32 $0xFFFFDC00  }
0x27d: {  	[tilespmem:s26], [sflag:$0x2] =	stream.strided.gather [hbm4b:s9+s13], $0x2400, s22, s13, $0x38;
	[tilespmem:$0x1F800] =	vst v63  }
0x27e: {  	_ =	swait.ge [sflag:s28], $0x2400  }
0x27f: {  	[sflag:s28] =	ssyncset.done $0x0  }
0x280: {  	[sflag:s28] =	ssyncadd.s32 $0xFFFFDC00  }
0x281: {  	[spmem:s14] =	stream.indirect.scatter.add.f32 [tilespmem:s26], [sflag:$0x4], $0x1, s21, s25, $0xb8;
	[tilespmem:$0x1F800] =	vst v63  }
0x282: {  	_ =	swait.ge [sflag:s29], $0x2400  }
0x283: {  	[sflag:s29] =	ssyncset.done $0x0  }
0x284: {  	s3 =	sadd.s32 $0x20, s8;
	[sflag:s29] =	ssyncadd.s32 $0xFFFFDC00  }
0x285: {  	[tilespmem:s23], [sflag:$0x1] =	stream.strided.gather [hbm4b:s3+s13], $0x2400, s22, s13, $0x38;
	[tilespmem:$0x1F800] =	vst v63  }
0x286: {  	_ =	swait.ge [sflag:s24], $0x2400  }
0x287: {  	[sflag:s24] =	ssyncset.done $0x0  }
0x288: {  	[sflag:s24] =	ssyncadd.s32 $0xFFFFDC00  }
0x289: {  	[spmem:s6] =	stream.indirect.scatter.add.f32 [tilespmem:s23], [sflag:$0x3], $0x1, s21, s25, $0xb8;
	[tilespmem:$0x1F800] =	vst v63  }
0x28a: {  	_ =	swait.ge [sflag:s30], $0x2400  }
0x28b: {  	[sflag:s30] =	ssyncset.done $0x0  }
0x28c: {  	s6 =	sadd.s32 $0x30, s8;
	[sflag:s30] =	ssyncadd.s32 $0xFFFFDC00  }
0x28d: {  	[tilespmem:s26], [sflag:$0x2] =	stream.strided.gather [hbm4b:s6+s13], $0x2400, s22, s13, $0x38;
	[tilespmem:$0x1F800] =	vst v63  }
0x28e: {  	_ =	swait.ge [sflag:s28], $0x2400  }
0x28f: {  	[sflag:s28] =	ssyncset.done $0x0  }
0x290: {  	[sflag:s28] =	ssyncadd.s32 $0xFFFFDC00  }
0x291: {  	[spmem:s16] =	stream.indirect.scatter.add.f32 [tilespmem:s26], [sflag:$0x4], $0x1, s21, s25, $0xb8;
	[tilespmem:$0x1F800] =	vst v63  }
0x292: {  	_ =	swait.ge [sflag:s29], $0x2400  }
0x293: {  	[sflag:s29] =	ssyncset.done $0x0  }
0x294: {  	s7 =	sadd.s32 $0x40, s8;
	[sflag:s29] =	ssyncadd.s32 $0xFFFFDC00  }
0x295: {  	[tilespmem:s23], [sflag:$0x1] =	stream.strided.gather [hbm4b:s7+s13], $0x2400, s22, s13, $0x38;
	[tilespmem:$0x1F800] =	vst v63  }
0x296: {  	_ =	swait.ge [sflag:s24], $0x2400  }
0x297: {  	[sflag:s24] =	ssyncset.done $0x0  }
0x298: {  	[sflag:s24] =	ssyncadd.s32 $0xFFFFDC00  }
0x299: {  	[spmem:s31] =	stream.indirect.scatter.add.f32 [tilespmem:s23], [sflag:$0x3], $0x1, s21, s25, $0xb8;
	[tilespmem:$0x1F800] =	vst v63  }
0x29a: {  	_ =	swait.ge [sflag:s30], $0x2400  }
0x29b: {  	[sflag:s30] =	ssyncset.done $0x0  }
0x29c: {  	s10 =	sadd.s32 $0x50, s8;
	[sflag:s30] =	ssyncadd.s32 $0xFFFFDC00  }
0x29d: {  	[tilespmem:s26], [sflag:$0x2] =	stream.strided.gather [hbm4b:s10+s13], $0x2400, s22, s13, $0x38;
	[tilespmem:$0x1F800] =	vst v63  }
0x29e: {  	_ =	swait.ge [sflag:s28], $0x2400  }
0x29f: {  	[sflag:s28] =	ssyncset.done $0x0  }
0x2a0: {  	[sflag:s28] =	ssyncadd.s32 $0xFFFFDC00  }
0x2a1: {  	[spmem:s12] =	stream.indirect.scatter.add.f32 [tilespmem:s26], [sflag:$0x4], $0x1, s21, s25, $0xb8;
	[tilespmem:$0x1F800] =	vst v63  }
0x2a2: {  	_ =	swait.ge [sflag:s29], $0x2400  }
0x2a3: {  	[sflag:s29] =	ssyncset.done $0x0  }
0x2a4: {  	s11 =	sadd.s32 $0x60, s8;
	[sflag:s29] =	ssyncadd.s32 $0xFFFFDC00  }
0x2a5: {  	[tilespmem:s23], [sflag:$0x1] =	stream.strided.gather [hbm4b:s11+s13], $0x2400, s22, s13, $0x38;
	[tilespmem:$0x1F800] =	vst v63  }
0x2a6: {  	_ =	swait.ge [sflag:s24], $0x2400  }
0x2a7: {  	[sflag:s24] =	ssyncset.done $0x0  }
0x2a8: {  	[sflag:s24] =	ssyncadd.s32 $0xFFFFDC00  }
0x2a9: {  	[spmem:s19] =	stream.indirect.scatter.add.f32 [tilespmem:s23], [sflag:$0x3], $0x1, s21, s25, $0xb8;
	[tilespmem:$0x1F800] =	vst v63  }
0x2aa: {  	_ =	swait.ge [sflag:s30], $0x2400  }
0x2ab: {  	[sflag:s30] =	ssyncset.done $0x0  }
0x2ac: {  	s8 =	sadd.s32 $0x70, s8;
	[sflag:s30] =	ssyncadd.s32 $0xFFFFDC00  }
0x2ad: {  	[tilespmem:s26], [sflag:$0x2] =	stream.strided.gather [hbm4b:s8+s13], $0x2400, s22, s13, $0x38;
	[tilespmem:$0x1F800] =	vst v63  }
0x2ae: {  	_ =	swait.ge [sflag:s28], $0x2400  }
0x2af: {  	[sflag:s28] =	ssyncset.done $0x0  }
0x2b0: {  	[sflag:s28] =	ssyncadd.s32 $0xFFFFDC00  }
0x2b1: {  	[spmem:s20] =	stream.indirect.scatter.add.f32 [tilespmem:s26], [sflag:$0x4], $0x1, s21, s25, $0xb8;
	[tilespmem:$0x1F800] =	vst v63  }
0x2b2: {  	_ =	swait.ge [sflag:s29], $0x2400  }
0x2b3: {  	s18 =	sadd.s32 $0x1, s18;
	[sflag:s29] =	ssyncset.done $0x0  }
0x2b4: {  	s15 =	smin.u32 s18, $0xB;
	[sflag:s29] =	ssyncadd.s32 $0xFFFFDC00  }
0x2b5: {  	s8 =	smul.u32 $0x480000, s15;
	_ =	swait.ge [sflag:s30], $0x2400  }
0x2b6: {  	s3 =	rddreg [dreg:$0x15];
	[sflag:s30] =	ssyncset.done $0x0  }
0x2b7: {  	s8 =	sadd.s32 s8, s3;
	[sflag:s30] =	ssyncadd.s32 $0xFFFFDC00  }
0x2b8: {  	s8 =	sshrl.u32 s8, $0x3;
	s17 =	rddreg [dreg:$0x0]  }
0x2b9: {  	s5 =	sadd.s32 $0x24000, s5;
	s8 =	sadd.s32 s17, s8  }
0x2ba: {  	[tilespmem:s23], [sflag:$0x1] =	stream.strided.gather [hbm4b:s8+s13], $0x2400, s22, s13, $0x38;
	[tilespmem:$0x1F800] =	vst v63  }
0x2bb: {  	s6 =	sadd.s32 $0xFFFFFFA0, s5;
	[bflag:$0x0] =	sbarrier.arrive $0xFFFF  }
0x2bc: {  	s7 =	simm.s32 $0x10;
	s15 =	smov.u32 s1;
	s3 =	rddreg [dreg:$0x12]  }
0x2bd: {  	s1 =	sadd.s32 $0xFFFFFF90, s5;
	s21 =	smov.u32 s20;
	s17 =	rddreg [dreg:$0x1b]  }
0x2be: {  	[hbm:s1@s13], [sflag:s17] =	dma.strided [spmem:s3@s7], $0x480, s24, $0x10   }
0x2bf: {  	s20 =	smov.u32 s19;
	s19 =	smov.u32 s12;
	s8 =	rddreg [dreg:$0x13]  }
0x2c0: {  	[hbm:s6@s13], [sflag:s17] =	dma.strided [spmem:s8@s7], $0x480, s24, $0x10   }
0x2c1: {  	s12 =	sadd.s32 $0xFFFFFFB0, s5;
	s1 =	smov.u32 s15;
	s15 =	rddreg [dreg:$0x14]  }
0x2c2: {  	[hbm:s12@s13], [sflag:s17] =	dma.strided [spmem:s15@s7], $0x480, s24, $0x10   }
0x2c3: {  	s11 =	sadd.s32 $0xFFFFFFC0, s5;
	s12 =	smov.u32 s19  }
0x2c4: {  	s19 =	smov.u32 s20;
	s20 =	smov.u32 s21;
	s21 =	rddreg [dreg:$0x16]  }
0x2c5: {  	[hbm:s11@s13], [sflag:s17] =	dma.strided [spmem:s21@s7], $0x480, s24, $0x10   }
0x2c6: {  	s10 =	sadd.s32 $0xFFFFFFD0, s5;
	s11 =	rddreg [dreg:$0x17]  }
0x2c7: {  	[hbm:s10@s13], [sflag:s17] =	dma.strided [spmem:s11@s7], $0x480, s24, $0x10   }
0x2c8: {  	s0 =	smov.u32 s14;
	s14 =	sadd.s32 $0xFFFFFFE0, s5;
	s10 =	rddreg [dreg:$0x18]  }
0x2c9: {  	[hbm:s14@s13], [sflag:s17] =	dma.strided [spmem:s10@s7], $0x480, s24, $0x10   }
0x2ca: {  	s9 =	sadd.s32 $0xFFFFFFF0, s5;
	s14 =	smov.u32 s0;
	s0 =	rddreg [dreg:$0x19]  }
0x2cb: {  	[hbm:s9@s13], [sflag:s17] =	dma.strided [spmem:s0@s7], $0x480, s24, $0x10   }
0x2cc: {  	s6 =	rddreg [dreg:$0x1a]  }
0x2cd: {  	[hbm:s5@s13], [sflag:s17] =	dma.strided [spmem:s6@s7], $0x480, s24, $0x10   }
0x2ce: {  	_ =	swait.ge [sflag:s29], $0x480  }
0x2cf: {  	[sflag:s29] =	ssyncset.done $0x0  }
0x2d0: {  	[sflag:s29] =	ssyncadd.s32 $0xFFFFFB80  }
0x2d1: {  	[spmem:s3], [sflag:s2] =	dma.local [hbm:s1], $0x480  }
0x2d2: {  	_ =	swait.ge [sflag:s29], $0x480  }
0x2d3: {  	[sflag:s29] =	ssyncset.done $0x0  }
0x2d4: {  	[sflag:s29] =	ssyncadd.s32 $0xFFFFFB80  }
0x2d5: {  	[spmem:s8], [sflag:s2] =	dma.local [hbm:s1], $0x480  }
0x2d6: {  	_ =	swait.ge [sflag:s29], $0x480  }
0x2d7: {  	[sflag:s29] =	ssyncset.done $0x0  }
0x2d8: {  	[sflag:s29] =	ssyncadd.s32 $0xFFFFFB80  }
0x2d9: {  	[spmem:s15], [sflag:s2] =	dma.local [hbm:s1], $0x480  }
0x2da: {  	_ =	swait.ge [sflag:s29], $0x480  }
0x2db: {  	[sflag:s29] =	ssyncset.done $0x0  }
0x2dc: {  	[sflag:s29] =	ssyncadd.s32 $0xFFFFFB80  }
0x2dd: {  	[spmem:s21], [sflag:s2] =	dma.local [hbm:s1], $0x480  }
0x2de: {  	_ =	swait.ge [sflag:s29], $0x480  }
0x2df: {  	[sflag:s29] =	ssyncset.done $0x0  }
0x2e0: {  	[sflag:s29] =	ssyncadd.s32 $0xFFFFFB80  }
0x2e1: {  	[spmem:s11], [sflag:s2] =	dma.local [hbm:s1], $0x480  }
0x2e2: {  	_ =	swait.ge [sflag:s29], $0x480  }
0x2e3: {  	[sflag:s29] =	ssyncset.done $0x0  }
0x2e4: {  	[sflag:s29] =	ssyncadd.s32 $0xFFFFFB80  }
0x2e5: {  	[spmem:s10], [sflag:s2] =	dma.local [hbm:s1], $0x480  }
0x2e6: {  	_ =	swait.ge [sflag:s29], $0x480  }
0x2e7: {  	[sflag:s29] =	ssyncset.done $0x0  }
0x2e8: {  	[sflag:s29] =	ssyncadd.s32 $0xFFFFFB80  }
0x2e9: {  	[spmem:s0], [sflag:s2] =	dma.local [hbm:s1], $0x480  }
0x2ea: {  	_ =	swait.ge [sflag:s29], $0x480  }
0x2eb: {  	[sflag:s29] =	ssyncset.done $0x0  }
0x2ec: {  	[sflag:s29] =	ssyncadd.s32 $0xFFFFFB80  }
0x2ed: {  	[spmem:s6], [sflag:s2] =	dma.local [hbm:s1], $0x480  }
0x2ee: {  	_ =	swait.ge [sflag:s30], $0x480  }
0x2ef: {  	[sflag:s30] =	ssyncset.done $0x0  }
0x2f0: {  	[sflag:s30] =	ssyncadd.s32 $0xFFFFFB80  }
0x2f1: {  	_ =	swait.ge [sflag:s30], $0x480  }
0x2f2: {  	[sflag:s30] =	ssyncset.done $0x0  }
0x2f3: {  	[sflag:s30] =	ssyncadd.s32 $0xFFFFFB80  }
0x2f4: {  	_ =	swait.ge [sflag:s30], $0x480  }
0x2f5: {  	[sflag:s30] =	ssyncset.done $0x0  }
0x2f6: {  	[sflag:s30] =	ssyncadd.s32 $0xFFFFFB80  }
0x2f7: {  	_ =	swait.ge [sflag:s30], $0x480  }
0x2f8: {  	[sflag:s30] =	ssyncset.done $0x0  }
0x2f9: {  	[sflag:s30] =	ssyncadd.s32 $0xFFFFFB80  }
0x2fa: {  	_ =	swait.ge [sflag:s30], $0x480  }
0x2fb: {  	[sflag:s30] =	ssyncset.done $0x0  }
0x2fc: {  	[sflag:s30] =	ssyncadd.s32 $0xFFFFFB80  }
0x2fd: {  	_ =	swait.ge [sflag:s30], $0x480  }
0x2fe: {  	[sflag:s30] =	ssyncset.done $0x0  }
0x2ff: {  	[sflag:s30] =	ssyncadd.s32 $0xFFFFFB80  }
0x300: {  	p0 =	sne.s32 s4, $0x630000;
	_ =	swait.ge [sflag:s30], $0x480  }
.Ltmp0:
0x301: {  	[sflag:s30] =	ssyncset.done $0x0;
	(pc) =	sbr.rel @p0 .LBB2_2-.Ltmp0, $4  }
0x302: {  	[sflag:s30] =	ssyncadd.s32 $0xFFFFFB80  }
0x303: {  	_ =	swait.ge [sflag:s30], $0x480  }
0x304: {  	[sflag:s30] =	ssyncset.done $0x0  }
0x305: {  	s4 =	sadd.s32 $0x90000, s4;
	s9 =	simm.s32 $0x10;
	[sflag:s30] =	ssyncadd.s32 $0xFFFFFB80  }
0x306: {  	[bflag:$0x0] =	sbarrier.arrive $0xFFFF  }
0x307: {  	_ =	swait.ge [sflag:s24], $0x2400  }
0x308: {  	s0 =	sld [smem:$0x7EF]  }
0x309: {  	[sflag:s24] =	ssyncset.done $0x0  }
0x30a: {  	s3 =	simm.s32 $0x200;
	s4 =	simm.s32 $0x5;
	[sflag:s24] =	ssyncadd.s32 $0xFFFFDC00  }
0x30b: {  	[tilespmem:s23], [sflag:$0x5] =	stream.strided.gather [hbm4b:s0+s13], $0x2400, s3, s13, $0x38;
	[tilespmem:$0x1F800] =	vst v63  }
0x30c: {  	_ =	swait.ge [sflag:s4], $0x2400  }
0x30d: {  	[sflag:s4] =	ssyncset.done $0x0  }
0x30e: {  	[sflag:s4] =	ssyncadd.s32 $0xFFFFDC00  }
0x30f: {  	s2 =	simm.s32 $0x12000;
	s21 =	rddreg [dreg:$0x5]  }
0x310: {  	[spmem:s21] =	stream.indirect.scatter.add.f32 [tilespmem:s23], [sflag:$0x5], $0x1, s2, s25, $0xb8;
	[tilespmem:$0x1F800] =	vst v63  }
0x311: {  	_ =	swait.ge [sflag:s4], $0x2400  }
0x312: {  	s5 =	sld [smem:$0x7F0]  }
0x313: {  	[sflag:s4] =	ssyncset.done $0x0  }
0x314: {  	[sflag:s4] =	ssyncadd.s32 $0xFFFFDC00  }
0x315: {  	[tilespmem:s23], [sflag:$0x5] =	stream.strided.gather [hbm4b:s5+s13], $0x2400, s3, s13, $0x38;
	[tilespmem:$0x1F800] =	vst v63  }
0x316: {  	_ =	swait.ge [sflag:s4], $0x2400  }
0x317: {  	[sflag:s4] =	ssyncset.done $0x0  }
0x318: {  	s6 =	simm.s32 $0x14400;
	[sflag:s4] =	ssyncadd.s32 $0xFFFFDC00  }
0x319: {  	[spmem:s21] =	stream.indirect.scatter.add.f32 [tilespmem:s23], [sflag:$0x5], $0x1, s6, s25, $0xb8;
	[tilespmem:$0x1F800] =	vst v63  }
0x31a: {  	_ =	swait.ge [sflag:s4], $0x2400  }
0x31b: {  	s7 =	sld [smem:$0x7F1]  }
0x31c: {  	[sflag:s4] =	ssyncset.done $0x0  }
0x31d: {  	[sflag:s4] =	ssyncadd.s32 $0xFFFFDC00  }
0x31e: {  	[tilespmem:s23], [sflag:$0x5] =	stream.strided.gather [hbm4b:s7+s13], $0x2400, s3, s13, $0x38;
	[tilespmem:$0x1F800] =	vst v63  }
0x31f: {  	_ =	swait.ge [sflag:s4], $0x2400  }
0x320: {  	[sflag:s4] =	ssyncset.done $0x0  }
0x321: {  	s8 =	simm.s32 $0x16800;
	[sflag:s4] =	ssyncadd.s32 $0xFFFFDC00  }
0x322: {  	[spmem:s21] =	stream.indirect.scatter.add.f32 [tilespmem:s23], [sflag:$0x5], $0x1, s8, s25, $0xb8;
	[tilespmem:$0x1F800] =	vst v63  }
0x323: {  	_ =	swait.ge [sflag:s4], $0x2400  }
0x324: {  	s10 =	sld [smem:$0x7F2]  }
0x325: {  	[sflag:s4] =	ssyncset.done $0x0  }
0x326: {  	[sflag:s4] =	ssyncadd.s32 $0xFFFFDC00  }
0x327: {  	[tilespmem:s23], [sflag:$0x5] =	stream.strided.gather [hbm4b:s10+s13], $0x2400, s3, s13, $0x38;
	[tilespmem:$0x1F800] =	vst v63  }
0x328: {  	_ =	swait.ge [sflag:s4], $0x2400  }
0x329: {  	[sflag:s4] =	ssyncset.done $0x0  }
0x32a: {  	s11 =	simm.s32 $0x18C00;
	[sflag:s4] =	ssyncadd.s32 $0xFFFFDC00  }
0x32b: {  	[spmem:s21] =	stream.indirect.scatter.add.f32 [tilespmem:s23], [sflag:$0x5], $0x1, s11, s25, $0xb8;
	[tilespmem:$0x1F800] =	vst v63  }
0x32c: {  	_ =	swait.ge [sflag:s4], $0x2400  }
0x32d: {  	[sflag:s4] =	ssyncset.done $0x0  }
0x32e: {  	[sflag:s4] =	ssyncadd.s32 $0xFFFFDC00  }
0x32f: {  	[bflag:$0x0] =	sbarrier.arrive $0xFFFF  }
0x330: {  	s15 =	sld [smem:$0x7FC]  }
0x331: {  	s17 =	sld [smem:$0x7ED];
	_ =	sdelay $0x1  }
0x332: {  	s5 =	rddreg [dreg:$0x12]  }
0x333: {  	[hbm:s15@s13], [sflag:s17] =	dma.strided [spmem:s5@s9], $0x480, s24, $0x10   }
0x334: {  	_ =	swait.ge [sflag:s4], $0x480  }
0x335: {  	s18 =	sld [smem:$0x7FB]  }
0x336: {  	s21 =	rddreg [dreg:$0x1c]  }
0x337: {  	s21 =	sadd.s32 $0x1, s21  }
0x338: {  	p0 =	sne.s32 s21, s18  }
.Ltmp1:
0x339: {  	_ = 	snop;
	(pc) =	sbr.rel @p0 .LBB2_1-.Ltmp1, $3  }
0x33a: {  	[sflag:s4] =	ssyncset.done $0x0  }
0x33b: {  	[sflag:s4] =	ssyncadd.s32 $0xFFFFFB80  }
0x33c: {  	[bflag:$0x0] =	sbarrier.arrive $0xFFFF;
	_ =	sdelay $0x1  }
0x33d: {  	_ =	sfence.sel $0x180000  }
0x33e: {  	[bflag:$0x0] =	sbarrier.arrive $0xFFFF  }
0x33f: {  	_ =	strace $0x90000047  }
0x340: {  	s0 =	stileid.u32;
	[bflag:$0x2] =	sbarrier.arrive $0xFFFF  }
0x341: {  	p0 =	sne.s32 s0, $0x0;
	s0 =	rddreg [dreg:$0xd]  }
0x342: {  	s0 =	sadd.s32 @!p0 $0x100000, s0  }
0x343: {  	[sflag:s0] =	ssyncadd.tile.s32 @!p0 $0x1;
	_ =	shalt  }
.Lfunc_end2:
_tile_overlayer_lowered:
.L_overlay_start_2:
0x344: {  	(tag) =	ssettag $0x2  }
0x345: {  	s0 =	rddreg [dreg:$0x0];
	s2 =	stileid.u32  }
0x346: {  	s1 =	rddreg [dreg:$0x1];
	p0 =	sne.s32 s2, $0x0  }
0x347: {  	s3 =	rddreg [dreg:$0x2];
	[bflag:$0x3] =	sbarrier.arrive $0xFFFF;
	s2 =	simm.s32 @!p0 $0x1C05  }
0x348: {  	[timem:s3], [sflag:s2] =	dma.local @!p0 [hbm:s0], s1  }
0x349: {  	s0 =	simm.s32 @!p0 $0x5  }
0x34a: {  	_ =	swait.ge @!p0 [sflag:s0], s1  }
0x34b: {  	s1 =	ssub.s32 @!p0 $0x0, s1;
	[sflag:s0] =	ssyncset.done @!p0 $0x0  }
0x34c: {  	[sflag:s0] =	ssyncadd.s32 @!p0 s1  }
0x34d: {  	[bflag:$0x3] =	sbarrier.arrive $0xFFFF  }
0x34e: {  	_ =	shalt  }

</sc_bundles>
